<compile_context>
chip_gen: v7x
topology: tpu7x:2x2x1
jax: 0.10.2.dev20260603
libtpu: 0.0.44.dev20260713+nightly
codegen_flags: <defaults>
</compile_context>

<pallas_src>
import functools

import jax
import jax.numpy as jnp
from jax import lax
from jax.experimental import pallas as pl
from jax.experimental.pallas import tpu as pltpu
from jax.experimental.pallas import tpu_sc as plsc

_VOCAB = 128
_W = 16
_L = 16
_NC = 2
_NS = 16
_NWORKERS = _NC * _NS
_B = 16
_S = 2048
_N_WORDS = _B * _S
_WPW = _N_WORDS // _NWORKERS
_CHUNK = 128
_NCHUNK = _WPW // _CHUNK
_GROUPS = _CHUNK // _L


def _fofe_body(ff_hbm, xt_hbm, out_hbm, ff_v, chars_v, buf0, buf1, sem0, sem1):
    cid = lax.axis_index("c")
    sid = lax.axis_index("s")
    wid = sid * _NC + cid
    base_word = wid * _WPW
    b = wid // 2
    s0 = (wid % 2) * _WPW

    pltpu.sync_copy(ff_hbm, ff_v.at[pl.ds(0, 1)])
    pltpu.sync_copy(xt_hbm.at[b, :, pl.ds(s0, _WPW)], chars_v)

    zerosi0 = jnp.zeros((_L,), jnp.int32)
    ffv = jnp.take_along_axis(ff_v[...], zerosi0, axis=0)
    ones = jnp.ones((_L,), jnp.float32)
    zeros = jnp.zeros((_L,), jnp.float32)
    onesi = jnp.ones((_L,), jnp.int32)
    zerosi = jnp.zeros((_L,), jnp.int32)
    lane = lax.iota(jnp.int32, _L)
    lane_row = lane * _VOCAB
    bufs = (buf0, buf1)
    sems = (sem0, sem1)
    wrows = [jnp.full((_L,), w, jnp.int32) for w in range(_W)]
    ff2 = ffv * ffv
    ff4 = ff2 * ff2
    ff8 = ff4 * ff4
    ffpow = jnp.where((lane & 1) != 0, ffv, ones)
    ffpow = ffpow * jnp.where((lane & 2) != 0, ff2, ones)
    ffpow = ffpow * jnp.where((lane & 4) != 0, ff4, ones)
    ffpow = ffpow * jnp.where((lane & 8) != 0, ff8, ones)

    @plsc.parallel_loop(0, _CHUNK * _VOCAB // 128, unroll=4)
    def _(i):
        for j in range(8):
            buf0[pl.ds(i * 128 + j * 16, 16)] = zeros
            buf1[pl.ds(i * 128 + j * 16, 16)] = zeros

    def fill_chunk(chunk, buf):
        @plsc.parallel_loop(0, _GROUPS, unroll=4)
        def _(g):
            scol = chunk * _CHUNK + g * _L + lane
            idx0 = g * (_L * _VOCAB) + lane_row
            cnt = zerosi
            for w in range(_W - 1, -1, -1):
                ch = plsc.load_gather(chars_v, [wrows[w], scol])
                m = ch != 0
                wgt = jnp.where(m, jnp.take_along_axis(ffpow, cnt, axis=0), 0.0)
                plsc.addupdate_scatter(buf, [idx0 + ch], wgt)
                cnt = cnt + jnp.where(m, onesi, zerosi)

    def rezero_chunk(chunk, buf):
        @plsc.parallel_loop(0, _GROUPS, unroll=4)
        def _(g):
            scol = chunk * _CHUNK + g * _L + lane
            idx0 = g * (_L * _VOCAB) + lane_row
            for w in range(_W):
                ch = plsc.load_gather(chars_v, [wrows[w], scol])
                plsc.store_scatter(buf, [idx0 + ch], zeros)

    def hbm_copy(chunk, buf, sem):
        return pltpu.make_async_copy(
            buf,
            out_hbm.at[pl.ds((base_word + chunk * _CHUNK) * _VOCAB, _CHUNK * _VOCAB)],
            sem,
        )

    def outer(c2, carry):
        for bslot in range(2):
            chunk = c2 * 2 + bslot

            @pl.when(c2 >= 1)
            def _():
                hbm_copy(chunk - 2, bufs[bslot], sems[bslot]).wait()
                rezero_chunk(chunk - 2, bufs[bslot])

            fill_chunk(chunk, bufs[bslot])
            hbm_copy(chunk, bufs[bslot], sems[bslot]).start()
        return carry

    lax.fori_loop(0, _NCHUNK // 2, outer, 0)
    hbm_copy(_NCHUNK - 2, buf0, sem0).wait()
    hbm_copy(_NCHUNK - 1, buf1, sem1).wait()


@jax.jit
def _fofe_sc(ff1, xt):
    run = pl.kernel(
        _fofe_body,
        out_type=jax.ShapeDtypeStruct((_N_WORDS * _VOCAB,), jnp.float32),
        mesh=plsc.VectorSubcoreMesh(core_axis_name="c", subcore_axis_name="s"),
        compiler_params=pltpu.CompilerParams(needs_layout_passes=False),
        scratch_types=[
            pltpu.VMEM((_L,), jnp.float32),
            pltpu.VMEM((_W, _WPW), jnp.int32),
            pltpu.VMEM((_CHUNK * _VOCAB,), jnp.float32),
            pltpu.VMEM((_CHUNK * _VOCAB,), jnp.float32),
            pltpu.SemaphoreType.DMA,
            pltpu.SemaphoreType.DMA,
        ],
    )
    return run(ff1, xt)


def kernel(sents, lengths, forgetting_factor):
    B, S, Wd = sents.shape
    xt = jnp.swapaxes(sents.astype(jnp.int32), 1, 2)
    ff = forgetting_factor.astype(jnp.float32)
    out = _fofe_sc(ff, xt)
    return out.reshape(B, S, _VOCAB), lengths

# --- scband reference (transcript-rebuilt; emitter-appended) ---
"""Pipeline reference for scband-fofe-encoding-6287832121915 (READ-ONLY COPY).

The authoritative reference and input builder live on the scoring server;
editing this copy changes nothing except your own understanding.
"""

import jax, jax.numpy as jnp
import numpy as np

VOCAB_SIZE = 128


def setup_inputs(seed: int = 0) -> dict:
    key = jax.random.key(seed)
    k1, k2 = jax.random.split(key)
    sents = jax.random.randint(k1, (16, 2048, 16), 0, VOCAB_SIZE)
    lengths = jax.random.randint(k2, (16,), 1, 2048)
    forgetting_factor = jnp.zeros((1,), dtype=jnp.float32)
    return {"sents": sents, "lengths": lengths, "forgetting_factor": forgetting_factor}


def reference(sents, lengths, forgetting_factor):
    # Faithful FOFE char encoding: for each word (inner axis of length W),
    # z = ff * z + onehot(char) applied only where char_id != 0 (padding chars
    # leave z unchanged, exactly as the per-element `if char_id != 0` branch).
    B, S, W = sents.shape
    ff = forgetting_factor[0]
    chars_t = jnp.moveaxis(sents, 2, 0)  # [W, B, S]

    def step(z, ch):
        oh = jax.nn.one_hot(ch, VOCAB_SIZE, dtype=jnp.float32)  # [B, S, V]
        m = (ch != 0)[..., None]
        z_new = ff * z + oh
        z = jnp.where(m, z_new, z)
        return z, None

    z0 = jnp.zeros((B, S, VOCAB_SIZE), dtype=jnp.float32)
    samples_encoded, _ = jax.lax.scan(step, z0, chars_t)
    return (samples_encoded, lengths)

if __name__ == "__main__":
    import jax
    _d = setup_inputs()
    print(jax.jit(kernel)(*tuple(_d.values())))

</pallas_src>

<mosaic_0001>
#map = affine_map<(d0, d1) -> (0)>
#map1 = affine_map<(d0, d1) -> (0, 0, 0)>
module attributes {stable_mosaic.version = 14 : i64} {
  func.func @_fofe_body(%arg0: i32, %arg1: i32, %arg2: memref<1xf32, #tpu.memory_space<hbm>>, %arg3: memref<16x16x2048xi32, #tpu.memory_space<hbm>>, %arg4: memref<4194304xf32, #tpu.memory_space<hbm>>, %arg5: memref<16xf32, #tpu.memory_space<vmem>>, %arg6: memref<16x1024xi32, #tpu.memory_space<vmem>>, %arg7: memref<16384xf32, #tpu.memory_space<vmem>>, %arg8: memref<16384xf32, #tpu.memory_space<vmem>>, %arg9: memref<!tpu.dma_semaphore, #tpu.memory_space<semaphore_mem>>, %arg10: memref<!tpu.dma_semaphore, #tpu.memory_space<semaphore_mem>>) attributes {dimension_semantics = [#tpu.dimension_semantics<core_parallel>, #tpu.dimension_semantics<subcore_parallel>], iteration_bounds = array<i64: 2, 16>, scalar_prefetch = 0 : i64, scratch_operands = 6 : i64, tpu.core_type = #tpu.core_type<sc_vector_subcore>, window_params = [{transform_indices = #map}, {transform_indices = #map1}, {transform_indices = #map}]} {
    %mul3A = arith.constant 2 : i32
    %mul3A_0 = arith.muli %arg1, %mul3A : i32
    %add3A = arith.addi %mul3A_0, %arg0 : i32
    %mul3A_1 = arith.constant 1024 : i32
    %mul3A_2 = arith.muli %add3A, %mul3A_1 : i32
    %jit3A = arith.constant 2 : i32
    %div3A = arith.divsi %add3A, %jit3A : i32
    %sign3A = arith.constant 0 : i32
    %sign3A_3 = arith.cmpi sgt, %add3A, %sign3A : i32
    %sign3A_4 = arith.extui %sign3A_3 : i1 to i32
    %sign3A_5 = arith.constant 0 : i32
    %sign3A_6 = arith.cmpi slt, %add3A, %sign3A_5 : i32
    %sign3A_7 = arith.extui %sign3A_6 : i1 to i32
    %sign3A_8 = arith.subi %sign3A_4, %sign3A_7 : i32
    %sign3A_9 = arith.constant 0 : i32
    %sign3A_10 = arith.cmpi sgt, %jit3A, %sign3A_9 : i32
    %sign3A_11 = arith.extui %sign3A_10 : i1 to i32
    %sign3A_12 = arith.constant 0 : i32
    %sign3A_13 = arith.cmpi slt, %jit3A, %sign3A_12 : i32
    %sign3A_14 = arith.extui %sign3A_13 : i1 to i32
    %sign3A_15 = arith.subi %sign3A_11, %sign3A_14 : i32
    %ne3A = arith.cmpi ne, %sign3A_8, %sign3A_15 : i32
    %rem3A = arith.remsi %add3A, %jit3A : i32
    %ne3A_16 = arith.constant 0 : i32
    %ne3A_17 = arith.cmpi ne, %rem3A, %ne3A_16 : i32
    %and3A = arith.andi %ne3A, %ne3A_17 : i1
    %sub3A = arith.constant 1 : i32
    %sub3A_18 = arith.subi %div3A, %sub3A : i32
    %select_n3A = arith.select %and3A, %sub3A_18, %div3A : i32
    %jit3A_19 = arith.constant 2 : i32
    %eq3A = arith.constant 0 : i32
    %eq3A_20 = arith.cmpi eq, %jit3A_19, %eq3A : i32
    %jit3A_21 = arith.constant 1 : i32
    %select_n3A_22 = arith.select %eq3A_20, %jit3A_21, %jit3A_19 : i32
    %rem3A_23 = arith.remsi %add3A, %select_n3A_22 : i32
    %ne3A_24 = arith.constant 0 : i32
    %ne3A_25 = arith.cmpi ne, %rem3A_23, %ne3A_24 : i32
    %lt3A = arith.constant 0 : i32
    %lt3A_26 = arith.cmpi slt, %rem3A_23, %lt3A : i32
    %lt3A_27 = arith.constant 0 : i32
    %lt3A_28 = arith.cmpi slt, %select_n3A_22, %lt3A_27 : i32
    %ne3A_29 = arith.xori %lt3A_26, %lt3A_28 : i1
    %and3A_30 = arith.andi %ne3A_29, %ne3A_25 : i1
    %add3A_31 = arith.addi %rem3A_23, %select_n3A_22 : i32
    %select_n3A_32 = arith.select %and3A_30, %add3A_31, %rem3A_23 : i32
    %mul3A_33 = arith.constant 1024 : i32
    %mul3A_34 = arith.muli %select_n3A_32, %mul3A_33 : i32
    "tpu.region"() ({
      %run_scoped3A = tpu.sem_alloc : memref<!tpu.dma_semaphore, #tpu.memory_space<semaphore_mem>>
      %dma_start3A = arith.constant 0 : i32
      %dma_start3A_140 = tpu.memref_slice %arg5[%dma_start3A] : memref<16xf32, #tpu.memory_space<vmem>> -> memref<1xf32, #tpu.memory_space<vmem>>
      %dma_start3A_141 = arith.constant 0 : i32
      %dma_start3A_142 = tpu.memref_slice %arg5[%dma_start3A_141] : memref<16xf32, #tpu.memory_space<vmem>> -> memref<1xf32, #tpu.memory_space<vmem>>
      tpu.enqueue_dma source(%arg2 : memref<1xf32, #tpu.memory_space<hbm>>) target(%dma_start3A_142 : memref<1xf32, #tpu.memory_space<vmem>>) target_semaphore(%run_scoped3A : memref<!tpu.dma_semaphore, #tpu.memory_space<semaphore_mem>>)
      %dma_wait3A_143 = arith.constant 0 : i32
      %dma_wait3A_144 = tpu.memref_slice %arg5[%dma_wait3A_143] : memref<16xf32, #tpu.memory_space<vmem>> -> memref<1xf32, #tpu.memory_space<vmem>>
      %dma_wait3A_145 = arith.constant 0 : i32
      %dma_wait3A_146 = tpu.memref_slice %arg5[%dma_wait3A_145] : memref<16xf32, #tpu.memory_space<vmem>> -> memref<1xf32, #tpu.memory_space<vmem>>
      tpu.wait_dma2 semaphore(%run_scoped3A : memref<!tpu.dma_semaphore, #tpu.memory_space<semaphore_mem>>) src(%arg2 : memref<1xf32, #tpu.memory_space<hbm>>) dst(%dma_wait3A_146 : memref<1xf32, #tpu.memory_space<vmem>>)
      tpu.yield
    }) : () -> ()
    "tpu.region"() ({
      %run_scoped3A = tpu.sem_alloc : memref<!tpu.dma_semaphore, #tpu.memory_space<semaphore_mem>>
      %dma_start3A = arith.constant 0 : i32
      %dma_start3A_140 = tpu.memref_slice %arg3[%select_n3A, %dma_start3A, %mul3A_34] : memref<16x16x2048xi32, #tpu.memory_space<hbm>> -> memref<1x16x1024xi32, #tpu.memory_space<hbm>>
      %dma_start3A_141 = tpu.memref_squeeze %dma_start3A_140 : memref<1x16x1024xi32, #tpu.memory_space<hbm>> -> memref<16x1024xi32, #tpu.memory_space<hbm>>
      %dma_start3A_142 = arith.constant 0 : i32
      %dma_start3A_143 = tpu.memref_slice %arg3[%select_n3A, %dma_start3A_142, %mul3A_34] : memref<16x16x2048xi32, #tpu.memory_space<hbm>> -> memref<1x16x1024xi32, #tpu.memory_space<hbm>>
      %dma_start3A_144 = tpu.memref_squeeze %dma_start3A_143 : memref<1x16x1024xi32, #tpu.memory_space<hbm>> -> memref<16x1024xi32, #tpu.memory_space<hbm>>
      tpu.enqueue_dma source(%dma_start3A_144 : memref<16x1024xi32, #tpu.memory_space<hbm>>) target(%arg6 : memref<16x1024xi32, #tpu.memory_space<vmem>>) target_semaphore(%run_scoped3A : memref<!tpu.dma_semaphore, #tpu.memory_space<semaphore_mem>>)
      %dma_wait3A_145 = arith.constant 0 : i32
      %dma_wait3A_146 = tpu.memref_slice %arg3[%select_n3A, %dma_wait3A_145, %mul3A_34] : memref<16x16x2048xi32, #tpu.memory_space<hbm>> -> memref<1x16x1024xi32, #tpu.memory_space<hbm>>
      %dma_wait3A_147 = tpu.memref_squeeze %dma_wait3A_146 : memref<1x16x1024xi32, #tpu.memory_space<hbm>> -> memref<16x1024xi32, #tpu.memory_space<hbm>>
      %dma_wait3A_148 = arith.constant 0 : i32
      %dma_wait3A_149 = tpu.memref_slice %arg3[%select_n3A, %dma_wait3A_148, %mul3A_34] : memref<16x16x2048xi32, #tpu.memory_space<hbm>> -> memref<1x16x1024xi32, #tpu.memory_space<hbm>>
      %dma_wait3A_150 = tpu.memref_squeeze %dma_wait3A_149 : memref<1x16x1024xi32, #tpu.memory_space<hbm>> -> memref<16x1024xi32, #tpu.memory_space<hbm>>
      tpu.wait_dma2 semaphore(%run_scoped3A : memref<!tpu.dma_semaphore, #tpu.memory_space<semaphore_mem>>) src(%dma_wait3A_150 : memref<16x1024xi32, #tpu.memory_space<hbm>>) dst(%arg6 : memref<16x1024xi32, #tpu.memory_space<vmem>>)
      tpu.yield
    }) : () -> ()
    %broadcast_in_dim3A = arith.constant 0 : i32
    %broadcast_in_dim3A_35 = vector.broadcast %broadcast_in_dim3A : i32 to vector<16xi32>
    %get3A = arith.constant 0 : index
    %get3A_36 = tpu.vector_load %arg5[%get3A] {strides = array<i32>} : memref<16xf32, #tpu.memory_space<vmem>>, vector<16xf32>,
    %lt3A_37 = arith.constant 0 : i32
    %lt3A_38 = vector.broadcast %lt3A_37 : i32 to vector<16xi32>
    %lt3A_39 = arith.cmpi slt, %broadcast_in_dim3A_35, %lt3A_38 : vector<16xi32>
    %add3A_40 = arith.constant 16 : i32
    %add3A_41 = vector.broadcast %add3A_40 : i32 to vector<16xi32>
    %add3A_42 = arith.addi %broadcast_in_dim3A_35, %add3A_41 : vector<16xi32>
    %select_n3A_43 = arith.select %lt3A_39, %add3A_42, %broadcast_in_dim3A_35 : vector<16xi1>, vector<16xi32>
    %reshape3A = vector.shape_cast %select_n3A_43 : vector<16xi32> to vector<16x1xi32>
    %gather3A = vector.shape_cast %reshape3A : vector<16x1xi32> to vector<16xi32>
    %gather3A_44 = tpu.dynamic_gather %get3A_36[%gather3A] in [0] : vector<16xf32>, vector<16xi32> -> vector<16xf32>
    %broadcast_in_dim3A_45 = arith.constant 1.000000e+00 : f32
    %broadcast_in_dim3A_46 = vector.broadcast %broadcast_in_dim3A_45 : f32 to vector<16xf32>
    %broadcast_in_dim3A_47 = arith.constant 0.000000e+00 : f32
    %broadcast_in_dim3A_48 = vector.broadcast %broadcast_in_dim3A_47 : f32 to vector<16xf32>
    %broadcast_in_dim3A_49 = arith.constant 1 : i32
    %broadcast_in_dim3A_50 = vector.broadcast %broadcast_in_dim3A_49 : i32 to vector<16xi32>
    %broadcast_in_dim3A_51 = arith.constant 0 : i32
    %broadcast_in_dim3A_52 = vector.broadcast %broadcast_in_dim3A_51 : i32 to vector<16xi32>
    %iota3A = tpu.iota {dimensions = array<i32: 0>} : vector<16xi32>
    %mul3A_53 = arith.constant 128 : i32
    %mul3A_54 = vector.broadcast %mul3A_53 : i32 to vector<16xi32>
    %mul3A_55 = arith.muli %iota3A, %mul3A_54 : vector<16xi32>
    %broadcast_in_dim3A_56 = arith.constant 0 : i32
    %broadcast_in_dim3A_57 = vector.broadcast %broadcast_in_dim3A_56 : i32 to vector<16xi32>
    %broadcast_in_dim3A_58 = arith.constant 1 : i32
    %broadcast_in_dim3A_59 = vector.broadcast %broadcast_in_dim3A_58 : i32 to vector<16xi32>
    %broadcast_in_dim3A_60 = arith.constant 2 : i32
    %broadcast_in_dim3A_61 = vector.broadcast %broadcast_in_dim3A_60 : i32 to vector<16xi32>
    %broadcast_in_dim3A_62 = arith.constant 3 : i32
    %broadcast_in_dim3A_63 = vector.broadcast %broadcast_in_dim3A_62 : i32 to vector<16xi32>
    %broadcast_in_dim3A_64 = arith.constant 4 : i32
    %broadcast_in_dim3A_65 = vector.broadcast %broadcast_in_dim3A_64 : i32 to vector<16xi32>
    %broadcast_in_dim3A_66 = arith.constant 5 : i32
    %broadcast_in_dim3A_67 = vector.broadcast %broadcast_in_dim3A_66 : i32 to vector<16xi32>
    %broadcast_in_dim3A_68 = arith.constant 6 : i32
    %broadcast_in_dim3A_69 = vector.broadcast %broadcast_in_dim3A_68 : i32 to vector<16xi32>
    %broadcast_in_dim3A_70 = arith.constant 7 : i32
    %broadcast_in_dim3A_71 = vector.broadcast %broadcast_in_dim3A_70 : i32 to vector<16xi32>
    %broadcast_in_dim3A_72 = arith.constant 8 : i32
    %broadcast_in_dim3A_73 = vector.broadcast %broadcast_in_dim3A_72 : i32 to vector<16xi32>
    %broadcast_in_dim3A_74 = arith.constant 9 : i32
    %broadcast_in_dim3A_75 = vector.broadcast %broadcast_in_dim3A_74 : i32 to vector<16xi32>
    %broadcast_in_dim3A_76 = arith.constant 10 : i32
    %broadcast_in_dim3A_77 = vector.broadcast %broadcast_in_dim3A_76 : i32 to vector<16xi32>
    %broadcast_in_dim3A_78 = arith.constant 11 : i32
    %broadcast_in_dim3A_79 = vector.broadcast %broadcast_in_dim3A_78 : i32 to vector<16xi32>
    %broadcast_in_dim3A_80 = arith.constant 12 : i32
    %broadcast_in_dim3A_81 = vector.broadcast %broadcast_in_dim3A_80 : i32 to vector<16xi32>
    %broadcast_in_dim3A_82 = arith.constant 13 : i32
    %broadcast_in_dim3A_83 = vector.broadcast %broadcast_in_dim3A_82 : i32 to vector<16xi32>
    %broadcast_in_dim3A_84 = arith.constant 14 : i32
    %broadcast_in_dim3A_85 = vector.broadcast %broadcast_in_dim3A_84 : i32 to vector<16xi32>
    %broadcast_in_dim3A_86 = arith.constant 15 : i32
    %broadcast_in_dim3A_87 = vector.broadcast %broadcast_in_dim3A_86 : i32 to vector<16xi32>
    %mul3A_88 = arith.mulf %gather3A_44, %gather3A_44 : vector<16xf32>
    %mul3A_89 = arith.mulf %mul3A_88, %mul3A_88 : vector<16xf32>
    %mul3A_90 = arith.mulf %mul3A_89, %mul3A_89 : vector<16xf32>
    %and3A_91 = arith.constant 1 : i32
    %and3A_92 = vector.broadcast %and3A_91 : i32 to vector<16xi32>
    %and3A_93 = arith.andi %iota3A, %and3A_92 : vector<16xi32>
    %ne3A_94 = arith.constant 0 : i32
    %ne3A_95 = vector.broadcast %ne3A_94 : i32 to vector<16xi32>
    %ne3A_96 = arith.cmpi ne, %and3A_93, %ne3A_95 : vector<16xi32>
    %select_n3A_97 = arith.select %ne3A_96, %gather3A_44, %broadcast_in_dim3A_46 : vector<16xi1>, vector<16xf32>
    %and3A_98 = arith.constant 2 : i32
    %and3A_99 = vector.broadcast %and3A_98 : i32 to vector<16xi32>
    %and3A_100 = arith.andi %iota3A, %and3A_99 : vector<16xi32>
    %ne3A_101 = arith.constant 0 : i32
    %ne3A_102 = vector.broadcast %ne3A_101 : i32 to vector<16xi32>
    %ne3A_103 = arith.cmpi ne, %and3A_100, %ne3A_102 : vector<16xi32>
    %select_n3A_104 = arith.select %ne3A_103, %mul3A_88, %broadcast_in_dim3A_46 : vector<16xi1>, vector<16xf32>
    %mul3A_105 = arith.mulf %select_n3A_97, %select_n3A_104 : vector<16xf32>
    %and3A_106 = arith.constant 4 : i32
    %and3A_107 = vector.broadcast %and3A_106 : i32 to vector<16xi32>
    %and3A_108 = arith.andi %iota3A, %and3A_107 : vector<16xi32>
    %ne3A_109 = arith.constant 0 : i32
    %ne3A_110 = vector.broadcast %ne3A_109 : i32 to vector<16xi32>
    %ne3A_111 = arith.cmpi ne, %and3A_108, %ne3A_110 : vector<16xi32>
    %select_n3A_112 = arith.select %ne3A_111, %mul3A_89, %broadcast_in_dim3A_46 : vector<16xi1>, vector<16xf32>
    %mul3A_113 = arith.mulf %mul3A_105, %select_n3A_112 : vector<16xf32>
    %and3A_114 = arith.constant 8 : i32
    %and3A_115 = vector.broadcast %and3A_114 : i32 to vector<16xi32>
    %and3A_116 = arith.andi %iota3A, %and3A_115 : vector<16xi32>
    %ne3A_117 = arith.constant 0 : i32
    %ne3A_118 = vector.broadcast %ne3A_117 : i32 to vector<16xi32>
    %ne3A_119 = arith.cmpi ne, %and3A_116, %ne3A_118 : vector<16xi32>
    %select_n3A_120 = arith.select %ne3A_119, %mul3A_90, %broadcast_in_dim3A_46 : vector<16xi1>, vector<16xf32>
    %mul3A_121 = arith.mulf %mul3A_113, %select_n3A_120 : vector<16xf32>
    %parallel_loop3A = arith.constant 0 : i32
    %parallel_loop3A_122 = arith.constant 128 : i32
    %parallel_loop3A_123 = arith.constant 1 : i32
    scf.for %parallel_loop3A_140 = %parallel_loop3A to %parallel_loop3A_122 step %parallel_loop3A_123  : i32 {
      %parallel_loop3A_141 = arith.constant 128 : i32
      %parallel_loop3A_142 = arith.muli %parallel_loop3A_140, %parallel_loop3A_141 : i32
      %parallel_loop3A_143 = arith.constant 0 : i32
      %parallel_loop3A_144 = arith.addi %parallel_loop3A_142, %parallel_loop3A_143 : i32
      %parallel_loop3A_145 = arith.index_cast %parallel_loop3A_144 : i32 to index
      %parallel_loop3A_146 = tpu.vector_load %arg7[%parallel_loop3A_145] {strides = array<i32>} : memref<16384xf32, #tpu.memory_space<vmem>>, vector<16xf32>,
      tpu.vector_store %arg7[%parallel_loop3A_145], %broadcast_in_dim3A_48 {strides = array<i32>} : memref<16384xf32, #tpu.memory_space<vmem>>, vector<16xf32>,
      %parallel_loop3A_147 = arith.constant 128 : i32
      %parallel_loop3A_148 = arith.muli %parallel_loop3A_140, %parallel_loop3A_147 : i32
      %parallel_loop3A_149 = arith.constant 0 : i32
      %parallel_loop3A_150 = arith.addi %parallel_loop3A_148, %parallel_loop3A_149 : i32
      %parallel_loop3A_151 = arith.index_cast %parallel_loop3A_150 : i32 to index
      %parallel_loop3A_152 = tpu.vector_load %arg8[%parallel_loop3A_151] {strides = array<i32>} : memref<16384xf32, #tpu.memory_space<vmem>>, vector<16xf32>,
      tpu.vector_store %arg8[%parallel_loop3A_151], %broadcast_in_dim3A_48 {strides = array<i32>} : memref<16384xf32, #tpu.memory_space<vmem>>, vector<16xf32>,
      %parallel_loop3A_153 = arith.constant 128 : i32
      %parallel_loop3A_154 = arith.muli %parallel_loop3A_140, %parallel_loop3A_153 : i32
      %parallel_loop3A_155 = arith.constant 16 : i32
      %parallel_loop3A_156 = arith.addi %parallel_loop3A_154, %parallel_loop3A_155 : i32
      %parallel_loop3A_157 = arith.index_cast %parallel_loop3A_156 : i32 to index
      %parallel_loop3A_158 = tpu.vector_load %arg7[%parallel_loop3A_157] {strides = array<i32>} : memref<16384xf32, #tpu.memory_space<vmem>>, vector<16xf32>,
      tpu.vector_store %arg7[%parallel_loop3A_157], %broadcast_in_dim3A_48 {strides = array<i32>} : memref<16384xf32, #tpu.memory_space<vmem>>, vector<16xf32>,
      %parallel_loop3A_159 = arith.constant 128 : i32
      %parallel_loop3A_160 = arith.muli %parallel_loop3A_140, %parallel_loop3A_159 : i32
      %parallel_loop3A_161 = arith.constant 16 : i32
      %parallel_loop3A_162 = arith.addi %parallel_loop3A_160, %parallel_loop3A_161 : i32
      %parallel_loop3A_163 = arith.index_cast %parallel_loop3A_162 : i32 to index
      %parallel_loop3A_164 = tpu.vector_load %arg8[%parallel_loop3A_163] {strides = array<i32>} : memref<16384xf32, #tpu.memory_space<vmem>>, vector<16xf32>,
      tpu.vector_store %arg8[%parallel_loop3A_163], %broadcast_in_dim3A_48 {strides = array<i32>} : memref<16384xf32, #tpu.memory_space<vmem>>, vector<16xf32>,
      %parallel_loop3A_165 = arith.constant 128 : i32
      %parallel_loop3A_166 = arith.muli %parallel_loop3A_140, %parallel_loop3A_165 : i32
      %parallel_loop3A_167 = arith.constant 32 : i32
      %parallel_loop3A_168 = arith.addi %parallel_loop3A_166, %parallel_loop3A_167 : i32
      %parallel_loop3A_169 = arith.index_cast %parallel_loop3A_168 : i32 to index
      %parallel_loop3A_170 = tpu.vector_load %arg7[%parallel_loop3A_169] {strides = array<i32>} : memref<16384xf32, #tpu.memory_space<vmem>>, vector<16xf32>,
      tpu.vector_store %arg7[%parallel_loop3A_169], %broadcast_in_dim3A_48 {strides = array<i32>} : memref<16384xf32, #tpu.memory_space<vmem>>, vector<16xf32>,
      %parallel_loop3A_171 = arith.constant 128 : i32
      %parallel_loop3A_172 = arith.muli %parallel_loop3A_140, %parallel_loop3A_171 : i32
      %parallel_loop3A_173 = arith.constant 32 : i32
      %parallel_loop3A_174 = arith.addi %parallel_loop3A_172, %parallel_loop3A_173 : i32
      %parallel_loop3A_175 = arith.index_cast %parallel_loop3A_174 : i32 to index
      %parallel_loop3A_176 = tpu.vector_load %arg8[%parallel_loop3A_175] {strides = array<i32>} : memref<16384xf32, #tpu.memory_space<vmem>>, vector<16xf32>,
      tpu.vector_store %arg8[%parallel_loop3A_175], %broadcast_in_dim3A_48 {strides = array<i32>} : memref<16384xf32, #tpu.memory_space<vmem>>, vector<16xf32>,
      %parallel_loop3A_177 = arith.constant 128 : i32
      %parallel_loop3A_178 = arith.muli %parallel_loop3A_140, %parallel_loop3A_177 : i32
      %parallel_loop3A_179 = arith.constant 48 : i32
      %parallel_loop3A_180 = arith.addi %parallel_loop3A_178, %parallel_loop3A_179 : i32
      %parallel_loop3A_181 = arith.index_cast %parallel_loop3A_180 : i32 to index
      %parallel_loop3A_182 = tpu.vector_load %arg7[%parallel_loop3A_181] {strides = array<i32>} : memref<16384xf32, #tpu.memory_space<vmem>>, vector<16xf32>,
      tpu.vector_store %arg7[%parallel_loop3A_181], %broadcast_in_dim3A_48 {strides = array<i32>} : memref<16384xf32, #tpu.memory_space<vmem>>, vector<16xf32>,
      %parallel_loop3A_183 = arith.constant 128 : i32
      %parallel_loop3A_184 = arith.muli %parallel_loop3A_140, %parallel_loop3A_183 : i32
      %parallel_loop3A_185 = arith.constant 48 : i32
      %parallel_loop3A_186 = arith.addi %parallel_loop3A_184, %parallel_loop3A_185 : i32
      %parallel_loop3A_187 = arith.index_cast %parallel_loop3A_186 : i32 to index
      %parallel_loop3A_188 = tpu.vector_load %arg8[%parallel_loop3A_187] {strides = array<i32>} : memref<16384xf32, #tpu.memory_space<vmem>>, vector<16xf32>,
      tpu.vector_store %arg8[%parallel_loop3A_187], %broadcast_in_dim3A_48 {strides = array<i32>} : memref<16384xf32, #tpu.memory_space<vmem>>, vector<16xf32>,
      %parallel_loop3A_189 = arith.constant 128 : i32
      %parallel_loop3A_190 = arith.muli %parallel_loop3A_140, %parallel_loop3A_189 : i32
      %parallel_loop3A_191 = arith.constant 64 : i32
      %parallel_loop3A_192 = arith.addi %parallel_loop3A_190, %parallel_loop3A_191 : i32
      %parallel_loop3A_193 = arith.index_cast %parallel_loop3A_192 : i32 to index
      %parallel_loop3A_194 = tpu.vector_load %arg7[%parallel_loop3A_193] {strides = array<i32>} : memref<16384xf32, #tpu.memory_space<vmem>>, vector<16xf32>,
      tpu.vector_store %arg7[%parallel_loop3A_193], %broadcast_in_dim3A_48 {strides = array<i32>} : memref<16384xf32, #tpu.memory_space<vmem>>, vector<16xf32>,
      %parallel_loop3A_195 = arith.constant 128 : i32
      %parallel_loop3A_196 = arith.muli %parallel_loop3A_140, %parallel_loop3A_195 : i32
      %parallel_loop3A_197 = arith.constant 64 : i32
      %parallel_loop3A_198 = arith.addi %parallel_loop3A_196, %parallel_loop3A_197 : i32
      %parallel_loop3A_199 = arith.index_cast %parallel_loop3A_198 : i32 to index
      %parallel_loop3A_200 = tpu.vector_load %arg8[%parallel_loop3A_199] {strides = array<i32>} : memref<16384xf32, #tpu.memory_space<vmem>>, vector<16xf32>,
      tpu.vector_store %arg8[%parallel_loop3A_199], %broadcast_in_dim3A_48 {strides = array<i32>} : memref<16384xf32, #tpu.memory_space<vmem>>, vector<16xf32>,
      %parallel_loop3A_201 = arith.constant 128 : i32
      %parallel_loop3A_202 = arith.muli %parallel_loop3A_140, %parallel_loop3A_201 : i32
      %parallel_loop3A_203 = arith.constant 80 : i32
      %parallel_loop3A_204 = arith.addi %parallel_loop3A_202, %parallel_loop3A_203 : i32
      %parallel_loop3A_205 = arith.index_cast %parallel_loop3A_204 : i32 to index
      %parallel_loop3A_206 = tpu.vector_load %arg7[%parallel_loop3A_205] {strides = array<i32>} : memref<16384xf32, #tpu.memory_space<vmem>>, vector<16xf32>,
      tpu.vector_store %arg7[%parallel_loop3A_205], %broadcast_in_dim3A_48 {strides = array<i32>} : memref<16384xf32, #tpu.memory_space<vmem>>, vector<16xf32>,
      %parallel_loop3A_207 = arith.constant 128 : i32
      %parallel_loop3A_208 = arith.muli %parallel_loop3A_140, %parallel_loop3A_207 : i32
      %parallel_loop3A_209 = arith.constant 80 : i32
      %parallel_loop3A_210 = arith.addi %parallel_loop3A_208, %parallel_loop3A_209 : i32
      %parallel_loop3A_211 = arith.index_cast %parallel_loop3A_210 : i32 to index
      %parallel_loop3A_212 = tpu.vector_load %arg8[%parallel_loop3A_211] {strides = array<i32>} : memref<16384xf32, #tpu.memory_space<vmem>>, vector<16xf32>,
      tpu.vector_store %arg8[%parallel_loop3A_211], %broadcast_in_dim3A_48 {strides = array<i32>} : memref<16384xf32, #tpu.memory_space<vmem>>, vector<16xf32>,
      %parallel_loop3A_213 = arith.constant 128 : i32
      %parallel_loop3A_214 = arith.muli %parallel_loop3A_140, %parallel_loop3A_213 : i32
      %parallel_loop3A_215 = arith.constant 96 : i32
      %parallel_loop3A_216 = arith.addi %parallel_loop3A_214, %parallel_loop3A_215 : i32
      %parallel_loop3A_217 = arith.index_cast %parallel_loop3A_216 : i32 to index
      %parallel_loop3A_218 = tpu.vector_load %arg7[%parallel_loop3A_217] {strides = array<i32>} : memref<16384xf32, #tpu.memory_space<vmem>>, vector<16xf32>,
      tpu.vector_store %arg7[%parallel_loop3A_217], %broadcast_in_dim3A_48 {strides = array<i32>} : memref<16384xf32, #tpu.memory_space<vmem>>, vector<16xf32>,
      %parallel_loop3A_219 = arith.constant 128 : i32
      %parallel_loop3A_220 = arith.muli %parallel_loop3A_140, %parallel_loop3A_219 : i32
      %parallel_loop3A_221 = arith.constant 96 : i32
      %parallel_loop3A_222 = arith.addi %parallel_loop3A_220, %parallel_loop3A_221 : i32
      %parallel_loop3A_223 = arith.index_cast %parallel_loop3A_222 : i32 to index
      %parallel_loop3A_224 = tpu.vector_load %arg8[%parallel_loop3A_223] {strides = array<i32>} : memref<16384xf32, #tpu.memory_space<vmem>>, vector<16xf32>,
      tpu.vector_store %arg8[%parallel_loop3A_223], %broadcast_in_dim3A_48 {strides = array<i32>} : memref<16384xf32, #tpu.memory_space<vmem>>, vector<16xf32>,
      %parallel_loop3A_225 = arith.constant 128 : i32
      %parallel_loop3A_226 = arith.muli %parallel_loop3A_140, %parallel_loop3A_225 : i32
      %parallel_loop3A_227 = arith.constant 112 : i32
      %parallel_loop3A_228 = arith.addi %parallel_loop3A_226, %parallel_loop3A_227 : i32
      %parallel_loop3A_229 = arith.index_cast %parallel_loop3A_228 : i32 to index
      %parallel_loop3A_230 = tpu.vector_load %arg7[%parallel_loop3A_229] {strides = array<i32>} : memref<16384xf32, #tpu.memory_space<vmem>>, vector<16xf32>,
      tpu.vector_store %arg7[%parallel_loop3A_229], %broadcast_in_dim3A_48 {strides = array<i32>} : memref<16384xf32, #tpu.memory_space<vmem>>, vector<16xf32>,
      %parallel_loop3A_231 = arith.constant 128 : i32
      %parallel_loop3A_232 = arith.muli %parallel_loop3A_140, %parallel_loop3A_231 : i32
      %parallel_loop3A_233 = arith.constant 112 : i32
      %parallel_loop3A_234 = arith.addi %parallel_loop3A_232, %parallel_loop3A_233 : i32
      %parallel_loop3A_235 = arith.index_cast %parallel_loop3A_234 : i32 to index
      %parallel_loop3A_236 = tpu.vector_load %arg8[%parallel_loop3A_235] {strides = array<i32>} : memref<16384xf32, #tpu.memory_space<vmem>>, vector<16xf32>,
      tpu.vector_store %arg8[%parallel_loop3A_235], %broadcast_in_dim3A_48 {strides = array<i32>} : memref<16384xf32, #tpu.memory_space<vmem>>, vector<16xf32>,
    } {sc.loop_unroll_factor = 4 : i64, sc.parallel_access}
    %scan3A = arith.constant 0 : i32
    %scan3A_124 = arith.constant 0 : i32
    %scan3A_125 = arith.constant 4 : i32
    %scan3A_126 = arith.addi %scan3A_124, %scan3A_125 : i32
    %scan3A_127 = arith.constant 1 : i32
    scf.for %scan3A_140 = %scan3A_124 to %scan3A_126 step %scan3A_127  : i32 {
      %mul3A_141 = arith.constant 2 : i32
      %mul3A_142 = arith.muli %scan3A_140, %mul3A_141 : i32
      %add3A_143 = arith.constant 0 : i32
      %add3A_144 = arith.addi %mul3A_142, %add3A_143 : i32
      %ge3A = arith.constant 1 : i32
      %ge3A_145 = arith.cmpi sge, %scan3A_140, %ge3A : i32
      %convert_element_type3A = arith.extui %ge3A_145 : i1 to i32
      %cond3A = arith.constant 0 : i32
      %cond3A_146 = arith.cmpi ne, %convert_element_type3A, %cond3A : i32
      scf.if %cond3A_146 {
        %sub3A_175 = arith.constant 2 : i32
        %sub3A_176 = arith.subi %add3A_144, %sub3A_175 : i32
        %mul3A_177 = arith.constant 128 : i32
        %mul3A_178 = arith.muli %sub3A_176, %mul3A_177 : i32
        %add3A_179 = arith.addi %mul3A_2, %mul3A_178 : i32
        %mul3A_180 = arith.constant 128 : i32
        %mul3A_181 = arith.muli %add3A_179, %mul3A_180 : i32
        %dma_wait3A_182 = tpu.memref_slice %arg4[%mul3A_181] : memref<4194304xf32, #tpu.memory_space<hbm>> -> memref<16384xf32, #tpu.memory_space<hbm>>
        %dma_wait3A_183 = tpu.memref_slice %arg4[%mul3A_181] : memref<4194304xf32, #tpu.memory_space<hbm>> -> memref<16384xf32, #tpu.memory_space<hbm>>
        tpu.wait_dma2 semaphore(%arg9 : memref<!tpu.dma_semaphore, #tpu.memory_space<semaphore_mem>>) src(%arg7 : memref<16384xf32, #tpu.memory_space<vmem>>) dst(%dma_wait3A_183 : memref<16384xf32, #tpu.memory_space<hbm>>)
        %sub3A_184 = arith.constant 2 : i32
        %sub3A_185 = arith.subi %add3A_144, %sub3A_184 : i32
        %parallel_loop3A_186 = arith.constant 0 : i32
        %parallel_loop3A_187 = arith.constant 8 : i32
        %parallel_loop3A_188 = arith.constant 1 : i32
        scf.for %parallel_loop3A_189 = %parallel_loop3A_186 to %parallel_loop3A_187 step %parallel_loop3A_188  : i32 {
          %parallel_loop3A_190 = arith.constant 128 : i32
          %parallel_loop3A_191 = arith.muli %sub3A_185, %parallel_loop3A_190 : i32
          %parallel_loop3A_192 = arith.constant 16 : i32
          %parallel_loop3A_193 = arith.muli %parallel_loop3A_189, %parallel_loop3A_192 : i32
          %parallel_loop3A_194 = arith.addi %parallel_loop3A_191, %parallel_loop3A_193 : i32
          %parallel_loop3A_195 = vector.broadcast %parallel_loop3A_194 : i32 to vector<16xi32>
          %parallel_loop3A_196 = arith.addi %parallel_loop3A_195, %iota3A : vector<16xi32>
          %parallel_loop3A_197 = arith.constant 2048 : i32
          %parallel_loop3A_198 = arith.muli %parallel_loop3A_189, %parallel_loop3A_197 : i32
          %parallel_loop3A_199 = vector.broadcast %parallel_loop3A_198 : i32 to vector<16xi32>
          %parallel_loop3A_200 = arith.addi %parallel_loop3A_199, %mul3A_55 : vector<16xi32>
          %parallel_loop3A_201 = tpu.vector_load_idx %arg6[%broadcast_in_dim3A_57, %parallel_loop3A_196] : memref<16x1024xi32, #tpu.memory_space<vmem>>[vector<16xi32>, vector<16xi32>], vector<16xi32>,
          %parallel_loop3A_202 = arith.addi %parallel_loop3A_200, %parallel_loop3A_201 : vector<16xi32>
          tpu.vector_store_idx %arg7[%parallel_loop3A_202], %broadcast_in_dim3A_48 : memref<16384xf32, #tpu.memory_space<vmem>>[vector<16xi32>], vector<16xf32>,
          %parallel_loop3A_203 = tpu.vector_load_idx %arg6[%broadcast_in_dim3A_59, %parallel_loop3A_196] : memref<16x1024xi32, #tpu.memory_space<vmem>>[vector<16xi32>, vector<16xi32>], vector<16xi32>,
          %parallel_loop3A_204 = arith.addi %parallel_loop3A_200, %parallel_loop3A_203 : vector<16xi32>
          tpu.vector_store_idx %arg7[%parallel_loop3A_204], %broadcast_in_dim3A_48 : memref<16384xf32, #tpu.memory_space<vmem>>[vector<16xi32>], vector<16xf32>,
          %parallel_loop3A_205 = tpu.vector_load_idx %arg6[%broadcast_in_dim3A_61, %parallel_loop3A_196] : memref<16x1024xi32, #tpu.memory_space<vmem>>[vector<16xi32>, vector<16xi32>], vector<16xi32>,
          %parallel_loop3A_206 = arith.addi %parallel_loop3A_200, %parallel_loop3A_205 : vector<16xi32>
          tpu.vector_store_idx %arg7[%parallel_loop3A_206], %broadcast_in_dim3A_48 : memref<16384xf32, #tpu.memory_space<vmem>>[vector<16xi32>], vector<16xf32>,
          %parallel_loop3A_207 = tpu.vector_load_idx %arg6[%broadcast_in_dim3A_63, %parallel_loop3A_196] : memref<16x1024xi32, #tpu.memory_space<vmem>>[vector<16xi32>, vector<16xi32>], vector<16xi32>,
          %parallel_loop3A_208 = arith.addi %parallel_loop3A_200, %parallel_loop3A_207 : vector<16xi32>
          tpu.vector_store_idx %arg7[%parallel_loop3A_208], %broadcast_in_dim3A_48 : memref<16384xf32, #tpu.memory_space<vmem>>[vector<16xi32>], vector<16xf32>,
          %parallel_loop3A_209 = tpu.vector_load_idx %arg6[%broadcast_in_dim3A_65, %parallel_loop3A_196] : memref<16x1024xi32, #tpu.memory_space<vmem>>[vector<16xi32>, vector<16xi32>], vector<16xi32>,
          %parallel_loop3A_210 = arith.addi %parallel_loop3A_200, %parallel_loop3A_209 : vector<16xi32>
          tpu.vector_store_idx %arg7[%parallel_loop3A_210], %broadcast_in_dim3A_48 : memref<16384xf32, #tpu.memory_space<vmem>>[vector<16xi32>], vector<16xf32>,
          %parallel_loop3A_211 = tpu.vector_load_idx %arg6[%broadcast_in_dim3A_67, %parallel_loop3A_196] : memref<16x1024xi32, #tpu.memory_space<vmem>>[vector<16xi32>, vector<16xi32>], vector<16xi32>,
          %parallel_loop3A_212 = arith.addi %parallel_loop3A_200, %parallel_loop3A_211 : vector<16xi32>
          tpu.vector_store_idx %arg7[%parallel_loop3A_212], %broadcast_in_dim3A_48 : memref<16384xf32, #tpu.memory_space<vmem>>[vector<16xi32>], vector<16xf32>,
          %parallel_loop3A_213 = tpu.vector_load_idx %arg6[%broadcast_in_dim3A_69, %parallel_loop3A_196] : memref<16x1024xi32, #tpu.memory_space<vmem>>[vector<16xi32>, vector<16xi32>], vector<16xi32>,
          %parallel_loop3A_214 = arith.addi %parallel_loop3A_200, %parallel_loop3A_213 : vector<16xi32>
          tpu.vector_store_idx %arg7[%parallel_loop3A_214], %broadcast_in_dim3A_48 : memref<16384xf32, #tpu.memory_space<vmem>>[vector<16xi32>], vector<16xf32>,
          %parallel_loop3A_215 = tpu.vector_load_idx %arg6[%broadcast_in_dim3A_71, %parallel_loop3A_196] : memref<16x1024xi32, #tpu.memory_space<vmem>>[vector<16xi32>, vector<16xi32>], vector<16xi32>,
          %parallel_loop3A_216 = arith.addi %parallel_loop3A_200, %parallel_loop3A_215 : vector<16xi32>
          tpu.vector_store_idx %arg7[%parallel_loop3A_216], %broadcast_in_dim3A_48 : memref<16384xf32, #tpu.memory_space<vmem>>[vector<16xi32>], vector<16xf32>,
          %parallel_loop3A_217 = tpu.vector_load_idx %arg6[%broadcast_in_dim3A_73, %parallel_loop3A_196] : memref<16x1024xi32, #tpu.memory_space<vmem>>[vector<16xi32>, vector<16xi32>], vector<16xi32>,
          %parallel_loop3A_218 = arith.addi %parallel_loop3A_200, %parallel_loop3A_217 : vector<16xi32>
          tpu.vector_store_idx %arg7[%parallel_loop3A_218], %broadcast_in_dim3A_48 : memref<16384xf32, #tpu.memory_space<vmem>>[vector<16xi32>], vector<16xf32>,
          %parallel_loop3A_219 = tpu.vector_load_idx %arg6[%broadcast_in_dim3A_75, %parallel_loop3A_196] : memref<16x1024xi32, #tpu.memory_space<vmem>>[vector<16xi32>, vector<16xi32>], vector<16xi32>,
          %parallel_loop3A_220 = arith.addi %parallel_loop3A_200, %parallel_loop3A_219 : vector<16xi32>
          tpu.vector_store_idx %arg7[%parallel_loop3A_220], %broadcast_in_dim3A_48 : memref<16384xf32, #tpu.memory_space<vmem>>[vector<16xi32>], vector<16xf32>,
          %parallel_loop3A_221 = tpu.vector_load_idx %arg6[%broadcast_in_dim3A_77, %parallel_loop3A_196] : memref<16x1024xi32, #tpu.memory_space<vmem>>[vector<16xi32>, vector<16xi32>], vector<16xi32>,
          %parallel_loop3A_222 = arith.addi %parallel_loop3A_200, %parallel_loop3A_221 : vector<16xi32>
          tpu.vector_store_idx %arg7[%parallel_loop3A_222], %broadcast_in_dim3A_48 : memref<16384xf32, #tpu.memory_space<vmem>>[vector<16xi32>], vector<16xf32>,
          %parallel_loop3A_223 = tpu.vector_load_idx %arg6[%broadcast_in_dim3A_79, %parallel_loop3A_196] : memref<16x1024xi32, #tpu.memory_space<vmem>>[vector<16xi32>, vector<16xi32>], vector<16xi32>,
          %parallel_loop3A_224 = arith.addi %parallel_loop3A_200, %parallel_loop3A_223 : vector<16xi32>
          tpu.vector_store_idx %arg7[%parallel_loop3A_224], %broadcast_in_dim3A_48 : memref<16384xf32, #tpu.memory_space<vmem>>[vector<16xi32>], vector<16xf32>,
          %parallel_loop3A_225 = tpu.vector_load_idx %arg6[%broadcast_in_dim3A_81, %parallel_loop3A_196] : memref<16x1024xi32, #tpu.memory_space<vmem>>[vector<16xi32>, vector<16xi32>], vector<16xi32>,
          %parallel_loop3A_226 = arith.addi %parallel_loop3A_200, %parallel_loop3A_225 : vector<16xi32>
          tpu.vector_store_idx %arg7[%parallel_loop3A_226], %broadcast_in_dim3A_48 : memref<16384xf32, #tpu.memory_space<vmem>>[vector<16xi32>], vector<16xf32>,
          %parallel_loop3A_227 = tpu.vector_load_idx %arg6[%broadcast_in_dim3A_83, %parallel_loop3A_196] : memref<16x1024xi32, #tpu.memory_space<vmem>>[vector<16xi32>, vector<16xi32>], vector<16xi32>,
          %parallel_loop3A_228 = arith.addi %parallel_loop3A_200, %parallel_loop3A_227 : vector<16xi32>
          tpu.vector_store_idx %arg7[%parallel_loop3A_228], %broadcast_in_dim3A_48 : memref<16384xf32, #tpu.memory_space<vmem>>[vector<16xi32>], vector<16xf32>,
          %parallel_loop3A_229 = tpu.vector_load_idx %arg6[%broadcast_in_dim3A_85, %parallel_loop3A_196] : memref<16x1024xi32, #tpu.memory_space<vmem>>[vector<16xi32>, vector<16xi32>], vector<16xi32>,
          %parallel_loop3A_230 = arith.addi %parallel_loop3A_200, %parallel_loop3A_229 : vector<16xi32>
          tpu.vector_store_idx %arg7[%parallel_loop3A_230], %broadcast_in_dim3A_48 : memref<16384xf32, #tpu.memory_space<vmem>>[vector<16xi32>], vector<16xf32>,
          %parallel_loop3A_231 = tpu.vector_load_idx %arg6[%broadcast_in_dim3A_87, %parallel_loop3A_196] : memref<16x1024xi32, #tpu.memory_space<vmem>>[vector<16xi32>, vector<16xi32>], vector<16xi32>,
          %parallel_loop3A_232 = arith.addi %parallel_loop3A_200, %parallel_loop3A_231 : vector<16xi32>
          tpu.vector_store_idx %arg7[%parallel_loop3A_232], %broadcast_in_dim3A_48 : memref<16384xf32, #tpu.memory_space<vmem>>[vector<16xi32>], vector<16xf32>,
        } {sc.loop_unroll_factor = 4 : i64, sc.parallel_access}
      } else {
      }
      %parallel_loop3A_147 = arith.constant 0 : i32
      %parallel_loop3A_148 = arith.constant 8 : i32
      %parallel_loop3A_149 = arith.constant 1 : i32
      scf.for %parallel_loop3A_175 = %parallel_loop3A_147 to %parallel_loop3A_148 step %parallel_loop3A_149  : i32 {
        %parallel_loop3A_176 = arith.constant 128 : i32
        %parallel_loop3A_177 = arith.muli %add3A_144, %parallel_loop3A_176 : i32
        %parallel_loop3A_178 = arith.constant 16 : i32
        %parallel_loop3A_179 = arith.muli %parallel_loop3A_175, %parallel_loop3A_178 : i32
        %parallel_loop3A_180 = arith.addi %parallel_loop3A_177, %parallel_loop3A_179 : i32
        %parallel_loop3A_181 = vector.broadcast %parallel_loop3A_180 : i32 to vector<16xi32>
        %parallel_loop3A_182 = arith.addi %parallel_loop3A_181, %iota3A : vector<16xi32>
        %parallel_loop3A_183 = arith.constant 2048 : i32
        %parallel_loop3A_184 = arith.muli %parallel_loop3A_175, %parallel_loop3A_183 : i32
        %parallel_loop3A_185 = vector.broadcast %parallel_loop3A_184 : i32 to vector<16xi32>
        %parallel_loop3A_186 = arith.addi %parallel_loop3A_185, %mul3A_55 : vector<16xi32>
        %parallel_loop3A_187 = tpu.vector_load_idx %arg6[%broadcast_in_dim3A_87, %parallel_loop3A_182] : memref<16x1024xi32, #tpu.memory_space<vmem>>[vector<16xi32>, vector<16xi32>], vector<16xi32>,
        %parallel_loop3A_188 = arith.constant 0 : i32
        %parallel_loop3A_189 = vector.broadcast %parallel_loop3A_188 : i32 to vector<16xi32>
        %parallel_loop3A_190 = arith.cmpi ne, %parallel_loop3A_187, %parallel_loop3A_189 : vector<16xi32>
        %parallel_loop3A_191 = arith.constant 0 : i32
        %parallel_loop3A_192 = vector.broadcast %parallel_loop3A_191 : i32 to vector<16xi32>
        %parallel_loop3A_193 = arith.cmpi slt, %broadcast_in_dim3A_52, %parallel_loop3A_192 : vector<16xi32>
        %parallel_loop3A_194 = arith.constant 16 : i32
        %parallel_loop3A_195 = vector.broadcast %parallel_loop3A_194 : i32 to vector<16xi32>
        %parallel_loop3A_196 = arith.addi %broadcast_in_dim3A_52, %parallel_loop3A_195 : vector<16xi32>
        %parallel_loop3A_197 = arith.select %parallel_loop3A_193, %parallel_loop3A_196, %broadcast_in_dim3A_52 : vector<16xi1>, vector<16xi32>
        %parallel_loop3A_198 = vector.shape_cast %parallel_loop3A_197 : vector<16xi32> to vector<16x1xi32>
        %parallel_loop3A_199 = vector.shape_cast %parallel_loop3A_198 : vector<16x1xi32> to vector<16xi32>
        %parallel_loop3A_200 = tpu.dynamic_gather %mul3A_121[%parallel_loop3A_199] in [0] : vector<16xf32>, vector<16xi32> -> vector<16xf32>
        %parallel_loop3A_201 = arith.constant 0.000000e+00 : f32
        %parallel_loop3A_202 = vector.broadcast %parallel_loop3A_201 : f32 to vector<16xf32>
        %parallel_loop3A_203 = arith.select %parallel_loop3A_190, %parallel_loop3A_200, %parallel_loop3A_202 : vector<16xi1>, vector<16xf32>
        %parallel_loop3A_204 = arith.addi %parallel_loop3A_186, %parallel_loop3A_187 : vector<16xi32>
        tpu.vector_store_idx %arg7[%parallel_loop3A_204], %parallel_loop3A_203 {add = true} : memref<16384xf32, #tpu.memory_space<vmem>>[vector<16xi32>], vector<16xf32>,
        %parallel_loop3A_205 = arith.select %parallel_loop3A_190, %broadcast_in_dim3A_50, %broadcast_in_dim3A_52 : vector<16xi1>, vector<16xi32>
        %parallel_loop3A_206 = arith.addi %broadcast_in_dim3A_52, %parallel_loop3A_205 : vector<16xi32>
        %parallel_loop3A_207 = tpu.vector_load_idx %arg6[%broadcast_in_dim3A_85, %parallel_loop3A_182] : memref<16x1024xi32, #tpu.memory_space<vmem>>[vector<16xi32>, vector<16xi32>], vector<16xi32>,
        %parallel_loop3A_208 = arith.constant 0 : i32
        %parallel_loop3A_209 = vector.broadcast %parallel_loop3A_208 : i32 to vector<16xi32>
        %parallel_loop3A_210 = arith.cmpi ne, %parallel_loop3A_207, %parallel_loop3A_209 : vector<16xi32>
        %parallel_loop3A_211 = arith.constant 0 : i32
        %parallel_loop3A_212 = vector.broadcast %parallel_loop3A_211 : i32 to vector<16xi32>
        %parallel_loop3A_213 = arith.cmpi slt, %parallel_loop3A_206, %parallel_loop3A_212 : vector<16xi32>
        %parallel_loop3A_214 = arith.constant 16 : i32
        %parallel_loop3A_215 = vector.broadcast %parallel_loop3A_214 : i32 to vector<16xi32>
        %parallel_loop3A_216 = arith.addi %parallel_loop3A_206, %parallel_loop3A_215 : vector<16xi32>
        %parallel_loop3A_217 = arith.select %parallel_loop3A_213, %parallel_loop3A_216, %parallel_loop3A_206 : vector<16xi1>, vector<16xi32>
        %parallel_loop3A_218 = vector.shape_cast %parallel_loop3A_217 : vector<16xi32> to vector<16x1xi32>
        %parallel_loop3A_219 = vector.shape_cast %parallel_loop3A_218 : vector<16x1xi32> to vector<16xi32>
        %parallel_loop3A_220 = tpu.dynamic_gather %mul3A_121[%parallel_loop3A_219] in [0] : vector<16xf32>, vector<16xi32> -> vector<16xf32>
        %parallel_loop3A_221 = arith.constant 0.000000e+00 : f32
        %parallel_loop3A_222 = vector.broadcast %parallel_loop3A_221 : f32 to vector<16xf32>
        %parallel_loop3A_223 = arith.select %parallel_loop3A_210, %parallel_loop3A_220, %parallel_loop3A_222 : vector<16xi1>, vector<16xf32>
        %parallel_loop3A_224 = arith.addi %parallel_loop3A_186, %parallel_loop3A_207 : vector<16xi32>
        tpu.vector_store_idx %arg7[%parallel_loop3A_224], %parallel_loop3A_223 {add = true} : memref<16384xf32, #tpu.memory_space<vmem>>[vector<16xi32>], vector<16xf32>,
        %parallel_loop3A_225 = arith.select %parallel_loop3A_210, %broadcast_in_dim3A_50, %broadcast_in_dim3A_52 : vector<16xi1>, vector<16xi32>
        %parallel_loop3A_226 = arith.addi %parallel_loop3A_206, %parallel_loop3A_225 : vector<16xi32>
        %parallel_loop3A_227 = tpu.vector_load_idx %arg6[%broadcast_in_dim3A_83, %parallel_loop3A_182] : memref<16x1024xi32, #tpu.memory_space<vmem>>[vector<16xi32>, vector<16xi32>], vector<16xi32>,
        %parallel_loop3A_228 = arith.constant 0 : i32
        %parallel_loop3A_229 = vector.broadcast %parallel_loop3A_228 : i32 to vector<16xi32>
        %parallel_loop3A_230 = arith.cmpi ne, %parallel_loop3A_227, %parallel_loop3A_229 : vector<16xi32>
        %parallel_loop3A_231 = arith.constant 0 : i32
        %parallel_loop3A_232 = vector.broadcast %parallel_loop3A_231 : i32 to vector<16xi32>
        %parallel_loop3A_233 = arith.cmpi slt, %parallel_loop3A_226, %parallel_loop3A_232 : vector<16xi32>
        %parallel_loop3A_234 = arith.constant 16 : i32
        %parallel_loop3A_235 = vector.broadcast %parallel_loop3A_234 : i32 to vector<16xi32>
        %parallel_loop3A_236 = arith.addi %parallel_loop3A_226, %parallel_loop3A_235 : vector<16xi32>
        %parallel_loop3A_237 = arith.select %parallel_loop3A_233, %parallel_loop3A_236, %parallel_loop3A_226 : vector<16xi1>, vector<16xi32>
        %parallel_loop3A_238 = vector.shape_cast %parallel_loop3A_237 : vector<16xi32> to vector<16x1xi32>
        %parallel_loop3A_239 = vector.shape_cast %parallel_loop3A_238 : vector<16x1xi32> to vector<16xi32>
        %parallel_loop3A_240 = tpu.dynamic_gather %mul3A_121[%parallel_loop3A_239] in [0] : vector<16xf32>, vector<16xi32> -> vector<16xf32>
        %parallel_loop3A_241 = arith.constant 0.000000e+00 : f32
        %parallel_loop3A_242 = vector.broadcast %parallel_loop3A_241 : f32 to vector<16xf32>
        %parallel_loop3A_243 = arith.select %parallel_loop3A_230, %parallel_loop3A_240, %parallel_loop3A_242 : vector<16xi1>, vector<16xf32>
        %parallel_loop3A_244 = arith.addi %parallel_loop3A_186, %parallel_loop3A_227 : vector<16xi32>
        tpu.vector_store_idx %arg7[%parallel_loop3A_244], %parallel_loop3A_243 {add = true} : memref<16384xf32, #tpu.memory_space<vmem>>[vector<16xi32>], vector<16xf32>,
        %parallel_loop3A_245 = arith.select %parallel_loop3A_230, %broadcast_in_dim3A_50, %broadcast_in_dim3A_52 : vector<16xi1>, vector<16xi32>
        %parallel_loop3A_246 = arith.addi %parallel_loop3A_226, %parallel_loop3A_245 : vector<16xi32>
        %parallel_loop3A_247 = tpu.vector_load_idx %arg6[%broadcast_in_dim3A_81, %parallel_loop3A_182] : memref<16x1024xi32, #tpu.memory_space<vmem>>[vector<16xi32>, vector<16xi32>], vector<16xi32>,
        %parallel_loop3A_248 = arith.constant 0 : i32
        %parallel_loop3A_249 = vector.broadcast %parallel_loop3A_248 : i32 to vector<16xi32>
        %parallel_loop3A_250 = arith.cmpi ne, %parallel_loop3A_247, %parallel_loop3A_249 : vector<16xi32>
        %parallel_loop3A_251 = arith.constant 0 : i32
        %parallel_loop3A_252 = vector.broadcast %parallel_loop3A_251 : i32 to vector<16xi32>
        %parallel_loop3A_253 = arith.cmpi slt, %parallel_loop3A_246, %parallel_loop3A_252 : vector<16xi32>
        %parallel_loop3A_254 = arith.constant 16 : i32
        %parallel_loop3A_255 = vector.broadcast %parallel_loop3A_254 : i32 to vector<16xi32>
        %parallel_loop3A_256 = arith.addi %parallel_loop3A_246, %parallel_loop3A_255 : vector<16xi32>
        %parallel_loop3A_257 = arith.select %parallel_loop3A_253, %parallel_loop3A_256, %parallel_loop3A_246 : vector<16xi1>, vector<16xi32>
        %parallel_loop3A_258 = vector.shape_cast %parallel_loop3A_257 : vector<16xi32> to vector<16x1xi32>
        %parallel_loop3A_259 = vector.shape_cast %parallel_loop3A_258 : vector<16x1xi32> to vector<16xi32>
        %parallel_loop3A_260 = tpu.dynamic_gather %mul3A_121[%parallel_loop3A_259] in [0] : vector<16xf32>, vector<16xi32> -> vector<16xf32>
        %parallel_loop3A_261 = arith.constant 0.000000e+00 : f32
        %parallel_loop3A_262 = vector.broadcast %parallel_loop3A_261 : f32 to vector<16xf32>
        %parallel_loop3A_263 = arith.select %parallel_loop3A_250, %parallel_loop3A_260, %parallel_loop3A_262 : vector<16xi1>, vector<16xf32>
        %parallel_loop3A_264 = arith.addi %parallel_loop3A_186, %parallel_loop3A_247 : vector<16xi32>
        tpu.vector_store_idx %arg7[%parallel_loop3A_264], %parallel_loop3A_263 {add = true} : memref<16384xf32, #tpu.memory_space<vmem>>[vector<16xi32>], vector<16xf32>,
        %parallel_loop3A_265 = arith.select %parallel_loop3A_250, %broadcast_in_dim3A_50, %broadcast_in_dim3A_52 : vector<16xi1>, vector<16xi32>
        %parallel_loop3A_266 = arith.addi %parallel_loop3A_246, %parallel_loop3A_265 : vector<16xi32>
        %parallel_loop3A_267 = tpu.vector_load_idx %arg6[%broadcast_in_dim3A_79, %parallel_loop3A_182] : memref<16x1024xi32, #tpu.memory_space<vmem>>[vector<16xi32>, vector<16xi32>], vector<16xi32>,
        %parallel_loop3A_268 = arith.constant 0 : i32
        %parallel_loop3A_269 = vector.broadcast %parallel_loop3A_268 : i32 to vector<16xi32>
        %parallel_loop3A_270 = arith.cmpi ne, %parallel_loop3A_267, %parallel_loop3A_269 : vector<16xi32>
        %parallel_loop3A_271 = arith.constant 0 : i32
        %parallel_loop3A_272 = vector.broadcast %parallel_loop3A_271 : i32 to vector<16xi32>
        %parallel_loop3A_273 = arith.cmpi slt, %parallel_loop3A_266, %parallel_loop3A_272 : vector<16xi32>
        %parallel_loop3A_274 = arith.constant 16 : i32
        %parallel_loop3A_275 = vector.broadcast %parallel_loop3A_274 : i32 to vector<16xi32>
        %parallel_loop3A_276 = arith.addi %parallel_loop3A_266, %parallel_loop3A_275 : vector<16xi32>
        %parallel_loop3A_277 = arith.select %parallel_loop3A_273, %parallel_loop3A_276, %parallel_loop3A_266 : vector<16xi1>, vector<16xi32>
        %parallel_loop3A_278 = vector.shape_cast %parallel_loop3A_277 : vector<16xi32> to vector<16x1xi32>
        %parallel_loop3A_279 = vector.shape_cast %parallel_loop3A_278 : vector<16x1xi32> to vector<16xi32>
        %parallel_loop3A_280 = tpu.dynamic_gather %mul3A_121[%parallel_loop3A_279] in [0] : vector<16xf32>, vector<16xi32> -> vector<16xf32>
        %parallel_loop3A_281 = arith.constant 0.000000e+00 : f32
        %parallel_loop3A_282 = vector.broadcast %parallel_loop3A_281 : f32 to vector<16xf32>
        %parallel_loop3A_283 = arith.select %parallel_loop3A_270, %parallel_loop3A_280, %parallel_loop3A_282 : vector<16xi1>, vector<16xf32>
        %parallel_loop3A_284 = arith.addi %parallel_loop3A_186, %parallel_loop3A_267 : vector<16xi32>
        tpu.vector_store_idx %arg7[%parallel_loop3A_284], %parallel_loop3A_283 {add = true} : memref<16384xf32, #tpu.memory_space<vmem>>[vector<16xi32>], vector<16xf32>,
        %parallel_loop3A_285 = arith.select %parallel_loop3A_270, %broadcast_in_dim3A_50, %broadcast_in_dim3A_52 : vector<16xi1>, vector<16xi32>
        %parallel_loop3A_286 = arith.addi %parallel_loop3A_266, %parallel_loop3A_285 : vector<16xi32>
        %parallel_loop3A_287 = tpu.vector_load_idx %arg6[%broadcast_in_dim3A_77, %parallel_loop3A_182] : memref<16x1024xi32, #tpu.memory_space<vmem>>[vector<16xi32>, vector<16xi32>], vector<16xi32>,
        %parallel_loop3A_288 = arith.constant 0 : i32
        %parallel_loop3A_289 = vector.broadcast %parallel_loop3A_288 : i32 to vector<16xi32>
        %parallel_loop3A_290 = arith.cmpi ne, %parallel_loop3A_287, %parallel_loop3A_289 : vector<16xi32>
        %parallel_loop3A_291 = arith.constant 0 : i32
        %parallel_loop3A_292 = vector.broadcast %parallel_loop3A_291 : i32 to vector<16xi32>
        %parallel_loop3A_293 = arith.cmpi slt, %parallel_loop3A_286, %parallel_loop3A_292 : vector<16xi32>
        %parallel_loop3A_294 = arith.constant 16 : i32
        %parallel_loop3A_295 = vector.broadcast %parallel_loop3A_294 : i32 to vector<16xi32>
        %parallel_loop3A_296 = arith.addi %parallel_loop3A_286, %parallel_loop3A_295 : vector<16xi32>
        %parallel_loop3A_297 = arith.select %parallel_loop3A_293, %parallel_loop3A_296, %parallel_loop3A_286 : vector<16xi1>, vector<16xi32>
        %parallel_loop3A_298 = vector.shape_cast %parallel_loop3A_297 : vector<16xi32> to vector<16x1xi32>
        %parallel_loop3A_299 = vector.shape_cast %parallel_loop3A_298 : vector<16x1xi32> to vector<16xi32>
        %parallel_loop3A_300 = tpu.dynamic_gather %mul3A_121[%parallel_loop3A_299] in [0] : vector<16xf32>, vector<16xi32> -> vector<16xf32>
        %parallel_loop3A_301 = arith.constant 0.000000e+00 : f32
        %parallel_loop3A_302 = vector.broadcast %parallel_loop3A_301 : f32 to vector<16xf32>
        %parallel_loop3A_303 = arith.select %parallel_loop3A_290, %parallel_loop3A_300, %parallel_loop3A_302 : vector<16xi1>, vector<16xf32>
        %parallel_loop3A_304 = arith.addi %parallel_loop3A_186, %parallel_loop3A_287 : vector<16xi32>
        tpu.vector_store_idx %arg7[%parallel_loop3A_304], %parallel_loop3A_303 {add = true} : memref<16384xf32, #tpu.memory_space<vmem>>[vector<16xi32>], vector<16xf32>,
        %parallel_loop3A_305 = arith.select %parallel_loop3A_290, %broadcast_in_dim3A_50, %broadcast_in_dim3A_52 : vector<16xi1>, vector<16xi32>
        %parallel_loop3A_306 = arith.addi %parallel_loop3A_286, %parallel_loop3A_305 : vector<16xi32>
        %parallel_loop3A_307 = tpu.vector_load_idx %arg6[%broadcast_in_dim3A_75, %parallel_loop3A_182] : memref<16x1024xi32, #tpu.memory_space<vmem>>[vector<16xi32>, vector<16xi32>], vector<16xi32>,
        %parallel_loop3A_308 = arith.constant 0 : i32
        %parallel_loop3A_309 = vector.broadcast %parallel_loop3A_308 : i32 to vector<16xi32>
        %parallel_loop3A_310 = arith.cmpi ne, %parallel_loop3A_307, %parallel_loop3A_309 : vector<16xi32>
        %parallel_loop3A_311 = arith.constant 0 : i32
        %parallel_loop3A_312 = vector.broadcast %parallel_loop3A_311 : i32 to vector<16xi32>
        %parallel_loop3A_313 = arith.cmpi slt, %parallel_loop3A_306, %parallel_loop3A_312 : vector<16xi32>
        %parallel_loop3A_314 = arith.constant 16 : i32
        %parallel_loop3A_315 = vector.broadcast %parallel_loop3A_314 : i32 to vector<16xi32>
        %parallel_loop3A_316 = arith.addi %parallel_loop3A_306, %parallel_loop3A_315 : vector<16xi32>
        %parallel_loop3A_317 = arith.select %parallel_loop3A_313, %parallel_loop3A_316, %parallel_loop3A_306 : vector<16xi1>, vector<16xi32>
        %parallel_loop3A_318 = vector.shape_cast %parallel_loop3A_317 : vector<16xi32> to vector<16x1xi32>
        %parallel_loop3A_319 = vector.shape_cast %parallel_loop3A_318 : vector<16x1xi32> to vector<16xi32>
        %parallel_loop3A_320 = tpu.dynamic_gather %mul3A_121[%parallel_loop3A_319] in [0] : vector<16xf32>, vector<16xi32> -> vector<16xf32>
        %parallel_loop3A_321 = arith.constant 0.000000e+00 : f32
        %parallel_loop3A_322 = vector.broadcast %parallel_loop3A_321 : f32 to vector<16xf32>
        %parallel_loop3A_323 = arith.select %parallel_loop3A_310, %parallel_loop3A_320, %parallel_loop3A_322 : vector<16xi1>, vector<16xf32>
        %parallel_loop3A_324 = arith.addi %parallel_loop3A_186, %parallel_loop3A_307 : vector<16xi32>
        tpu.vector_store_idx %arg7[%parallel_loop3A_324], %parallel_loop3A_323 {add = true} : memref<16384xf32, #tpu.memory_space<vmem>>[vector<16xi32>], vector<16xf32>,
        %parallel_loop3A_325 = arith.select %parallel_loop3A_310, %broadcast_in_dim3A_50, %broadcast_in_dim3A_52 : vector<16xi1>, vector<16xi32>
        %parallel_loop3A_326 = arith.addi %parallel_loop3A_306, %parallel_loop3A_325 : vector<16xi32>
        %parallel_loop3A_327 = tpu.vector_load_idx %arg6[%broadcast_in_dim3A_73, %parallel_loop3A_182] : memref<16x1024xi32, #tpu.memory_space<vmem>>[vector<16xi32>, vector<16xi32>], vector<16xi32>,
        %parallel_loop3A_328 = arith.constant 0 : i32
        %parallel_loop3A_329 = vector.broadcast %parallel_loop3A_328 : i32 to vector<16xi32>
        %parallel_loop3A_330 = arith.cmpi ne, %parallel_loop3A_327, %parallel_loop3A_329 : vector<16xi32>
        %parallel_loop3A_331 = arith.constant 0 : i32
        %parallel_loop3A_332 = vector.broadcast %parallel_loop3A_331 : i32 to vector<16xi32>
        %parallel_loop3A_333 = arith.cmpi slt, %parallel_loop3A_326, %parallel_loop3A_332 : vector<16xi32>
        %parallel_loop3A_334 = arith.constant 16 : i32
        %parallel_loop3A_335 = vector.broadcast %parallel_loop3A_334 : i32 to vector<16xi32>
        %parallel_loop3A_336 = arith.addi %parallel_loop3A_326, %parallel_loop3A_335 : vector<16xi32>
        %parallel_loop3A_337 = arith.select %parallel_loop3A_333, %parallel_loop3A_336, %parallel_loop3A_326 : vector<16xi1>, vector<16xi32>
        %parallel_loop3A_338 = vector.shape_cast %parallel_loop3A_337 : vector<16xi32> to vector<16x1xi32>
        %parallel_loop3A_339 = vector.shape_cast %parallel_loop3A_338 : vector<16x1xi32> to vector<16xi32>
        %parallel_loop3A_340 = tpu.dynamic_gather %mul3A_121[%parallel_loop3A_339] in [0] : vector<16xf32>, vector<16xi32> -> vector<16xf32>
        %parallel_loop3A_341 = arith.constant 0.000000e+00 : f32
        %parallel_loop3A_342 = vector.broadcast %parallel_loop3A_341 : f32 to vector<16xf32>
        %parallel_loop3A_343 = arith.select %parallel_loop3A_330, %parallel_loop3A_340, %parallel_loop3A_342 : vector<16xi1>, vector<16xf32>
        %parallel_loop3A_344 = arith.addi %parallel_loop3A_186, %parallel_loop3A_327 : vector<16xi32>
        tpu.vector_store_idx %arg7[%parallel_loop3A_344], %parallel_loop3A_343 {add = true} : memref<16384xf32, #tpu.memory_space<vmem>>[vector<16xi32>], vector<16xf32>,
        %parallel_loop3A_345 = arith.select %parallel_loop3A_330, %broadcast_in_dim3A_50, %broadcast_in_dim3A_52 : vector<16xi1>, vector<16xi32>
        %parallel_loop3A_346 = arith.addi %parallel_loop3A_326, %parallel_loop3A_345 : vector<16xi32>
        %parallel_loop3A_347 = tpu.vector_load_idx %arg6[%broadcast_in_dim3A_71, %parallel_loop3A_182] : memref<16x1024xi32, #tpu.memory_space<vmem>>[vector<16xi32>, vector<16xi32>], vector<16xi32>,
        %parallel_loop3A_348 = arith.constant 0 : i32
        %parallel_loop3A_349 = vector.broadcast %parallel_loop3A_348 : i32 to vector<16xi32>
        %parallel_loop3A_350 = arith.cmpi ne, %parallel_loop3A_347, %parallel_loop3A_349 : vector<16xi32>
        %parallel_loop3A_351 = arith.constant 0 : i32
        %parallel_loop3A_352 = vector.broadcast %parallel_loop3A_351 : i32 to vector<16xi32>
        %parallel_loop3A_353 = arith.cmpi slt, %parallel_loop3A_346, %parallel_loop3A_352 : vector<16xi32>
        %parallel_loop3A_354 = arith.constant 16 : i32
        %parallel_loop3A_355 = vector.broadcast %parallel_loop3A_354 : i32 to vector<16xi32>
        %parallel_loop3A_356 = arith.addi %parallel_loop3A_346, %parallel_loop3A_355 : vector<16xi32>
        %parallel_loop3A_357 = arith.select %parallel_loop3A_353, %parallel_loop3A_356, %parallel_loop3A_346 : vector<16xi1>, vector<16xi32>
        %parallel_loop3A_358 = vector.shape_cast %parallel_loop3A_357 : vector<16xi32> to vector<16x1xi32>
        %parallel_loop3A_359 = vector.shape_cast %parallel_loop3A_358 : vector<16x1xi32> to vector<16xi32>
        %parallel_loop3A_360 = tpu.dynamic_gather %mul3A_121[%parallel_loop3A_359] in [0] : vector<16xf32>, vector<16xi32> -> vector<16xf32>
        %parallel_loop3A_361 = arith.constant 0.000000e+00 : f32
        %parallel_loop3A_362 = vector.broadcast %parallel_loop3A_361 : f32 to vector<16xf32>
        %parallel_loop3A_363 = arith.select %parallel_loop3A_350, %parallel_loop3A_360, %parallel_loop3A_362 : vector<16xi1>, vector<16xf32>
        %parallel_loop3A_364 = arith.addi %parallel_loop3A_186, %parallel_loop3A_347 : vector<16xi32>
        tpu.vector_store_idx %arg7[%parallel_loop3A_364], %parallel_loop3A_363 {add = true} : memref<16384xf32, #tpu.memory_space<vmem>>[vector<16xi32>], vector<16xf32>,
        %parallel_loop3A_365 = arith.select %parallel_loop3A_350, %broadcast_in_dim3A_50, %broadcast_in_dim3A_52 : vector<16xi1>, vector<16xi32>
        %parallel_loop3A_366 = arith.addi %parallel_loop3A_346, %parallel_loop3A_365 : vector<16xi32>
        %parallel_loop3A_367 = tpu.vector_load_idx %arg6[%broadcast_in_dim3A_69, %parallel_loop3A_182] : memref<16x1024xi32, #tpu.memory_space<vmem>>[vector<16xi32>, vector<16xi32>], vector<16xi32>,
        %parallel_loop3A_368 = arith.constant 0 : i32
        %parallel_loop3A_369 = vector.broadcast %parallel_loop3A_368 : i32 to vector<16xi32>
        %parallel_loop3A_370 = arith.cmpi ne, %parallel_loop3A_367, %parallel_loop3A_369 : vector<16xi32>
        %parallel_loop3A_371 = arith.constant 0 : i32
        %parallel_loop3A_372 = vector.broadcast %parallel_loop3A_371 : i32 to vector<16xi32>
        %parallel_loop3A_373 = arith.cmpi slt, %parallel_loop3A_366, %parallel_loop3A_372 : vector<16xi32>
        %parallel_loop3A_374 = arith.constant 16 : i32
        %parallel_loop3A_375 = vector.broadcast %parallel_loop3A_374 : i32 to vector<16xi32>
        %parallel_loop3A_376 = arith.addi %parallel_loop3A_366, %parallel_loop3A_375 : vector<16xi32>
        %parallel_loop3A_377 = arith.select %parallel_loop3A_373, %parallel_loop3A_376, %parallel_loop3A_366 : vector<16xi1>, vector<16xi32>
        %parallel_loop3A_378 = vector.shape_cast %parallel_loop3A_377 : vector<16xi32> to vector<16x1xi32>
        %parallel_loop3A_379 = vector.shape_cast %parallel_loop3A_378 : vector<16x1xi32> to vector<16xi32>
        %parallel_loop3A_380 = tpu.dynamic_gather %mul3A_121[%parallel_loop3A_379] in [0] : vector<16xf32>, vector<16xi32> -> vector<16xf32>
        %parallel_loop3A_381 = arith.constant 0.000000e+00 : f32
        %parallel_loop3A_382 = vector.broadcast %parallel_loop3A_381 : f32 to vector<16xf32>
        %parallel_loop3A_383 = arith.select %parallel_loop3A_370, %parallel_loop3A_380, %parallel_loop3A_382 : vector<16xi1>, vector<16xf32>
        %parallel_loop3A_384 = arith.addi %parallel_loop3A_186, %parallel_loop3A_367 : vector<16xi32>
        tpu.vector_store_idx %arg7[%parallel_loop3A_384], %parallel_loop3A_383 {add = true} : memref<16384xf32, #tpu.memory_space<vmem>>[vector<16xi32>], vector<16xf32>,
        %parallel_loop3A_385 = arith.select %parallel_loop3A_370, %broadcast_in_dim3A_50, %broadcast_in_dim3A_52 : vector<16xi1>, vector<16xi32>
        %parallel_loop3A_386 = arith.addi %parallel_loop3A_366, %parallel_loop3A_385 : vector<16xi32>
        %parallel_loop3A_387 = tpu.vector_load_idx %arg6[%broadcast_in_dim3A_67, %parallel_loop3A_182] : memref<16x1024xi32, #tpu.memory_space<vmem>>[vector<16xi32>, vector<16xi32>], vector<16xi32>,
        %parallel_loop3A_388 = arith.constant 0 : i32
        %parallel_loop3A_389 = vector.broadcast %parallel_loop3A_388 : i32 to vector<16xi32>
        %parallel_loop3A_390 = arith.cmpi ne, %parallel_loop3A_387, %parallel_loop3A_389 : vector<16xi32>
        %parallel_loop3A_391 = arith.constant 0 : i32
        %parallel_loop3A_392 = vector.broadcast %parallel_loop3A_391 : i32 to vector<16xi32>
        %parallel_loop3A_393 = arith.cmpi slt, %parallel_loop3A_386, %parallel_loop3A_392 : vector<16xi32>
        %parallel_loop3A_394 = arith.constant 16 : i32
        %parallel_loop3A_395 = vector.broadcast %parallel_loop3A_394 : i32 to vector<16xi32>
        %parallel_loop3A_396 = arith.addi %parallel_loop3A_386, %parallel_loop3A_395 : vector<16xi32>
        %parallel_loop3A_397 = arith.select %parallel_loop3A_393, %parallel_loop3A_396, %parallel_loop3A_386 : vector<16xi1>, vector<16xi32>
        %parallel_loop3A_398 = vector.shape_cast %parallel_loop3A_397 : vector<16xi32> to vector<16x1xi32>
        %parallel_loop3A_399 = vector.shape_cast %parallel_loop3A_398 : vector<16x1xi32> to vector<16xi32>
        %parallel_loop3A_400 = tpu.dynamic_gather %mul3A_121[%parallel_loop3A_399] in [0] : vector<16xf32>, vector<16xi32> -> vector<16xf32>
        %parallel_loop3A_401 = arith.constant 0.000000e+00 : f32
        %parallel_loop3A_402 = vector.broadcast %parallel_loop3A_401 : f32 to vector<16xf32>
        %parallel_loop3A_403 = arith.select %parallel_loop3A_390, %parallel_loop3A_400, %parallel_loop3A_402 : vector<16xi1>, vector<16xf32>
        %parallel_loop3A_404 = arith.addi %parallel_loop3A_186, %parallel_loop3A_387 : vector<16xi32>
        tpu.vector_store_idx %arg7[%parallel_loop3A_404], %parallel_loop3A_403 {add = true} : memref<16384xf32, #tpu.memory_space<vmem>>[vector<16xi32>], vector<16xf32>,
        %parallel_loop3A_405 = arith.select %parallel_loop3A_390, %broadcast_in_dim3A_50, %broadcast_in_dim3A_52 : vector<16xi1>, vector<16xi32>
        %parallel_loop3A_406 = arith.addi %parallel_loop3A_386, %parallel_loop3A_405 : vector<16xi32>
        %parallel_loop3A_407 = tpu.vector_load_idx %arg6[%broadcast_in_dim3A_65, %parallel_loop3A_182] : memref<16x1024xi32, #tpu.memory_space<vmem>>[vector<16xi32>, vector<16xi32>], vector<16xi32>,
        %parallel_loop3A_408 = arith.constant 0 : i32
        %parallel_loop3A_409 = vector.broadcast %parallel_loop3A_408 : i32 to vector<16xi32>
        %parallel_loop3A_410 = arith.cmpi ne, %parallel_loop3A_407, %parallel_loop3A_409 : vector<16xi32>
        %parallel_loop3A_411 = arith.constant 0 : i32
        %parallel_loop3A_412 = vector.broadcast %parallel_loop3A_411 : i32 to vector<16xi32>
        %parallel_loop3A_413 = arith.cmpi slt, %parallel_loop3A_406, %parallel_loop3A_412 : vector<16xi32>
        %parallel_loop3A_414 = arith.constant 16 : i32
        %parallel_loop3A_415 = vector.broadcast %parallel_loop3A_414 : i32 to vector<16xi32>
        %parallel_loop3A_416 = arith.addi %parallel_loop3A_406, %parallel_loop3A_415 : vector<16xi32>
        %parallel_loop3A_417 = arith.select %parallel_loop3A_413, %parallel_loop3A_416, %parallel_loop3A_406 : vector<16xi1>, vector<16xi32>
        %parallel_loop3A_418 = vector.shape_cast %parallel_loop3A_417 : vector<16xi32> to vector<16x1xi32>
        %parallel_loop3A_419 = vector.shape_cast %parallel_loop3A_418 : vector<16x1xi32> to vector<16xi32>
        %parallel_loop3A_420 = tpu.dynamic_gather %mul3A_121[%parallel_loop3A_419] in [0] : vector<16xf32>, vector<16xi32> -> vector<16xf32>
        %parallel_loop3A_421 = arith.constant 0.000000e+00 : f32
        %parallel_loop3A_422 = vector.broadcast %parallel_loop3A_421 : f32 to vector<16xf32>
        %parallel_loop3A_423 = arith.select %parallel_loop3A_410, %parallel_loop3A_420, %parallel_loop3A_422 : vector<16xi1>, vector<16xf32>
        %parallel_loop3A_424 = arith.addi %parallel_loop3A_186, %parallel_loop3A_407 : vector<16xi32>
        tpu.vector_store_idx %arg7[%parallel_loop3A_424], %parallel_loop3A_423 {add = true} : memref<16384xf32, #tpu.memory_space<vmem>>[vector<16xi32>], vector<16xf32>,
        %parallel_loop3A_425 = arith.select %parallel_loop3A_410, %broadcast_in_dim3A_50, %broadcast_in_dim3A_52 : vector<16xi1>, vector<16xi32>
        %parallel_loop3A_426 = arith.addi %parallel_loop3A_406, %parallel_loop3A_425 : vector<16xi32>
        %parallel_loop3A_427 = tpu.vector_load_idx %arg6[%broadcast_in_dim3A_63, %parallel_loop3A_182] : memref<16x1024xi32, #tpu.memory_space<vmem>>[vector<16xi32>, vector<16xi32>], vector<16xi32>,
        %parallel_loop3A_428 = arith.constant 0 : i32
        %parallel_loop3A_429 = vector.broadcast %parallel_loop3A_428 : i32 to vector<16xi32>
        %parallel_loop3A_430 = arith.cmpi ne, %parallel_loop3A_427, %parallel_loop3A_429 : vector<16xi32>
        %parallel_loop3A_431 = arith.constant 0 : i32
        %parallel_loop3A_432 = vector.broadcast %parallel_loop3A_431 : i32 to vector<16xi32>
        %parallel_loop3A_433 = arith.cmpi slt, %parallel_loop3A_426, %parallel_loop3A_432 : vector<16xi32>
        %parallel_loop3A_434 = arith.constant 16 : i32
        %parallel_loop3A_435 = vector.broadcast %parallel_loop3A_434 : i32 to vector<16xi32>
        %parallel_loop3A_436 = arith.addi %parallel_loop3A_426, %parallel_loop3A_435 : vector<16xi32>
        %parallel_loop3A_437 = arith.select %parallel_loop3A_433, %parallel_loop3A_436, %parallel_loop3A_426 : vector<16xi1>, vector<16xi32>
        %parallel_loop3A_438 = vector.shape_cast %parallel_loop3A_437 : vector<16xi32> to vector<16x1xi32>
        %parallel_loop3A_439 = vector.shape_cast %parallel_loop3A_438 : vector<16x1xi32> to vector<16xi32>
        %parallel_loop3A_440 = tpu.dynamic_gather %mul3A_121[%parallel_loop3A_439] in [0] : vector<16xf32>, vector<16xi32> -> vector<16xf32>
        %parallel_loop3A_441 = arith.constant 0.000000e+00 : f32
        %parallel_loop3A_442 = vector.broadcast %parallel_loop3A_441 : f32 to vector<16xf32>
        %parallel_loop3A_443 = arith.select %parallel_loop3A_430, %parallel_loop3A_440, %parallel_loop3A_442 : vector<16xi1>, vector<16xf32>
        %parallel_loop3A_444 = arith.addi %parallel_loop3A_186, %parallel_loop3A_427 : vector<16xi32>
        tpu.vector_store_idx %arg7[%parallel_loop3A_444], %parallel_loop3A_443 {add = true} : memref<16384xf32, #tpu.memory_space<vmem>>[vector<16xi32>], vector<16xf32>,
        %parallel_loop3A_445 = arith.select %parallel_loop3A_430, %broadcast_in_dim3A_50, %broadcast_in_dim3A_52 : vector<16xi1>, vector<16xi32>
        %parallel_loop3A_446 = arith.addi %parallel_loop3A_426, %parallel_loop3A_445 : vector<16xi32>
        %parallel_loop3A_447 = tpu.vector_load_idx %arg6[%broadcast_in_dim3A_61, %parallel_loop3A_182] : memref<16x1024xi32, #tpu.memory_space<vmem>>[vector<16xi32>, vector<16xi32>], vector<16xi32>,
        %parallel_loop3A_448 = arith.constant 0 : i32
        %parallel_loop3A_449 = vector.broadcast %parallel_loop3A_448 : i32 to vector<16xi32>
        %parallel_loop3A_450 = arith.cmpi ne, %parallel_loop3A_447, %parallel_loop3A_449 : vector<16xi32>
        %parallel_loop3A_451 = arith.constant 0 : i32
        %parallel_loop3A_452 = vector.broadcast %parallel_loop3A_451 : i32 to vector<16xi32>
        %parallel_loop3A_453 = arith.cmpi slt, %parallel_loop3A_446, %parallel_loop3A_452 : vector<16xi32>
        %parallel_loop3A_454 = arith.constant 16 : i32
        %parallel_loop3A_455 = vector.broadcast %parallel_loop3A_454 : i32 to vector<16xi32>
        %parallel_loop3A_456 = arith.addi %parallel_loop3A_446, %parallel_loop3A_455 : vector<16xi32>
        %parallel_loop3A_457 = arith.select %parallel_loop3A_453, %parallel_loop3A_456, %parallel_loop3A_446 : vector<16xi1>, vector<16xi32>
        %parallel_loop3A_458 = vector.shape_cast %parallel_loop3A_457 : vector<16xi32> to vector<16x1xi32>
        %parallel_loop3A_459 = vector.shape_cast %parallel_loop3A_458 : vector<16x1xi32> to vector<16xi32>
        %parallel_loop3A_460 = tpu.dynamic_gather %mul3A_121[%parallel_loop3A_459] in [0] : vector<16xf32>, vector<16xi32> -> vector<16xf32>
        %parallel_loop3A_461 = arith.constant 0.000000e+00 : f32
        %parallel_loop3A_462 = vector.broadcast %parallel_loop3A_461 : f32 to vector<16xf32>
        %parallel_loop3A_463 = arith.select %parallel_loop3A_450, %parallel_loop3A_460, %parallel_loop3A_462 : vector<16xi1>, vector<16xf32>
        %parallel_loop3A_464 = arith.addi %parallel_loop3A_186, %parallel_loop3A_447 : vector<16xi32>
        tpu.vector_store_idx %arg7[%parallel_loop3A_464], %parallel_loop3A_463 {add = true} : memref<16384xf32, #tpu.memory_space<vmem>>[vector<16xi32>], vector<16xf32>,
        %parallel_loop3A_465 = arith.select %parallel_loop3A_450, %broadcast_in_dim3A_50, %broadcast_in_dim3A_52 : vector<16xi1>, vector<16xi32>
        %parallel_loop3A_466 = arith.addi %parallel_loop3A_446, %parallel_loop3A_465 : vector<16xi32>
        %parallel_loop3A_467 = tpu.vector_load_idx %arg6[%broadcast_in_dim3A_59, %parallel_loop3A_182] : memref<16x1024xi32, #tpu.memory_space<vmem>>[vector<16xi32>, vector<16xi32>], vector<16xi32>,
        %parallel_loop3A_468 = arith.constant 0 : i32
        %parallel_loop3A_469 = vector.broadcast %parallel_loop3A_468 : i32 to vector<16xi32>
        %parallel_loop3A_470 = arith.cmpi ne, %parallel_loop3A_467, %parallel_loop3A_469 : vector<16xi32>
        %parallel_loop3A_471 = arith.constant 0 : i32
        %parallel_loop3A_472 = vector.broadcast %parallel_loop3A_471 : i32 to vector<16xi32>
        %parallel_loop3A_473 = arith.cmpi slt, %parallel_loop3A_466, %parallel_loop3A_472 : vector<16xi32>
        %parallel_loop3A_474 = arith.constant 16 : i32
        %parallel_loop3A_475 = vector.broadcast %parallel_loop3A_474 : i32 to vector<16xi32>
        %parallel_loop3A_476 = arith.addi %parallel_loop3A_466, %parallel_loop3A_475 : vector<16xi32>
        %parallel_loop3A_477 = arith.select %parallel_loop3A_473, %parallel_loop3A_476, %parallel_loop3A_466 : vector<16xi1>, vector<16xi32>
        %parallel_loop3A_478 = vector.shape_cast %parallel_loop3A_477 : vector<16xi32> to vector<16x1xi32>
        %parallel_loop3A_479 = vector.shape_cast %parallel_loop3A_478 : vector<16x1xi32> to vector<16xi32>
        %parallel_loop3A_480 = tpu.dynamic_gather %mul3A_121[%parallel_loop3A_479] in [0] : vector<16xf32>, vector<16xi32> -> vector<16xf32>
        %parallel_loop3A_481 = arith.constant 0.000000e+00 : f32
        %parallel_loop3A_482 = vector.broadcast %parallel_loop3A_481 : f32 to vector<16xf32>
        %parallel_loop3A_483 = arith.select %parallel_loop3A_470, %parallel_loop3A_480, %parallel_loop3A_482 : vector<16xi1>, vector<16xf32>
        %parallel_loop3A_484 = arith.addi %parallel_loop3A_186, %parallel_loop3A_467 : vector<16xi32>
        tpu.vector_store_idx %arg7[%parallel_loop3A_484], %parallel_loop3A_483 {add = true} : memref<16384xf32, #tpu.memory_space<vmem>>[vector<16xi32>], vector<16xf32>,
        %parallel_loop3A_485 = arith.select %parallel_loop3A_470, %broadcast_in_dim3A_50, %broadcast_in_dim3A_52 : vector<16xi1>, vector<16xi32>
        %parallel_loop3A_486 = arith.addi %parallel_loop3A_466, %parallel_loop3A_485 : vector<16xi32>
        %parallel_loop3A_487 = tpu.vector_load_idx %arg6[%broadcast_in_dim3A_57, %parallel_loop3A_182] : memref<16x1024xi32, #tpu.memory_space<vmem>>[vector<16xi32>, vector<16xi32>], vector<16xi32>,
        %parallel_loop3A_488 = arith.constant 0 : i32
        %parallel_loop3A_489 = vector.broadcast %parallel_loop3A_488 : i32 to vector<16xi32>
        %parallel_loop3A_490 = arith.cmpi ne, %parallel_loop3A_487, %parallel_loop3A_489 : vector<16xi32>
        %parallel_loop3A_491 = arith.constant 0 : i32
        %parallel_loop3A_492 = vector.broadcast %parallel_loop3A_491 : i32 to vector<16xi32>
        %parallel_loop3A_493 = arith.cmpi slt, %parallel_loop3A_486, %parallel_loop3A_492 : vector<16xi32>
        %parallel_loop3A_494 = arith.constant 16 : i32
        %parallel_loop3A_495 = vector.broadcast %parallel_loop3A_494 : i32 to vector<16xi32>
        %parallel_loop3A_496 = arith.addi %parallel_loop3A_486, %parallel_loop3A_495 : vector<16xi32>
        %parallel_loop3A_497 = arith.select %parallel_loop3A_493, %parallel_loop3A_496, %parallel_loop3A_486 : vector<16xi1>, vector<16xi32>
        %parallel_loop3A_498 = vector.shape_cast %parallel_loop3A_497 : vector<16xi32> to vector<16x1xi32>
        %parallel_loop3A_499 = vector.shape_cast %parallel_loop3A_498 : vector<16x1xi32> to vector<16xi32>
        %parallel_loop3A_500 = tpu.dynamic_gather %mul3A_121[%parallel_loop3A_499] in [0] : vector<16xf32>, vector<16xi32> -> vector<16xf32>
        %parallel_loop3A_501 = arith.constant 0.000000e+00 : f32
        %parallel_loop3A_502 = vector.broadcast %parallel_loop3A_501 : f32 to vector<16xf32>
        %parallel_loop3A_503 = arith.select %parallel_loop3A_490, %parallel_loop3A_500, %parallel_loop3A_502 : vector<16xi1>, vector<16xf32>
        %parallel_loop3A_504 = arith.addi %parallel_loop3A_186, %parallel_loop3A_487 : vector<16xi32>
        tpu.vector_store_idx %arg7[%parallel_loop3A_504], %parallel_loop3A_503 {add = true} : memref<16384xf32, #tpu.memory_space<vmem>>[vector<16xi32>], vector<16xf32>,
        %parallel_loop3A_505 = arith.select %parallel_loop3A_490, %broadcast_in_dim3A_50, %broadcast_in_dim3A_52 : vector<16xi1>, vector<16xi32>
        %parallel_loop3A_506 = arith.addi %parallel_loop3A_486, %parallel_loop3A_505 : vector<16xi32>
      } {sc.loop_unroll_factor = 4 : i64, sc.parallel_access}
      %mul3A_150 = arith.constant 128 : i32
      %mul3A_151 = arith.muli %add3A_144, %mul3A_150 : i32
      %add3A_152 = arith.addi %mul3A_2, %mul3A_151 : i32
      %mul3A_153 = arith.constant 128 : i32
      %mul3A_154 = arith.muli %add3A_152, %mul3A_153 : i32
      %dma_start3A = tpu.memref_slice %arg4[%mul3A_154] : memref<4194304xf32, #tpu.memory_space<hbm>> -> memref<16384xf32, #tpu.memory_space<hbm>>
      %dma_start3A_155 = tpu.memref_slice %arg4[%mul3A_154] : memref<4194304xf32, #tpu.memory_space<hbm>> -> memref<16384xf32, #tpu.memory_space<hbm>>
      tpu.enqueue_dma source(%arg7 : memref<16384xf32, #tpu.memory_space<vmem>>) target(%dma_start3A_155 : memref<16384xf32, #tpu.memory_space<hbm>>) target_semaphore(%arg9 : memref<!tpu.dma_semaphore, #tpu.memory_space<semaphore_mem>>)
      %mul3A_156 = arith.constant 2 : i32
      %mul3A_157 = arith.muli %scan3A_140, %mul3A_156 : i32
      %add3A_158 = arith.constant 1 : i32
      %add3A_159 = arith.addi %mul3A_157, %add3A_158 : i32
      %ge3A_160 = arith.constant 1 : i32
      %ge3A_161 = arith.cmpi sge, %scan3A_140, %ge3A_160 : i32
      %convert_element_type3A_162 = arith.extui %ge3A_161 : i1 to i32
      %cond3A_163 = arith.constant 0 : i32
      %cond3A_164 = arith.cmpi ne, %convert_element_type3A_162, %cond3A_163 : i32
      scf.if %cond3A_164 {
        %sub3A_175 = arith.constant 2 : i32
        %sub3A_176 = arith.subi %add3A_159, %sub3A_175 : i32
        %mul3A_177 = arith.constant 128 : i32
        %mul3A_178 = arith.muli %sub3A_176, %mul3A_177 : i32
        %add3A_179 = arith.addi %mul3A_2, %mul3A_178 : i32
        %mul3A_180 = arith.constant 128 : i32
        %mul3A_181 = arith.muli %add3A_179, %mul3A_180 : i32
        %dma_wait3A_182 = tpu.memref_slice %arg4[%mul3A_181] : memref<4194304xf32, #tpu.memory_space<hbm>> -> memref<16384xf32, #tpu.memory_space<hbm>>
        %dma_wait3A_183 = tpu.memref_slice %arg4[%mul3A_181] : memref<4194304xf32, #tpu.memory_space<hbm>> -> memref<16384xf32, #tpu.memory_space<hbm>>
        tpu.wait_dma2 semaphore(%arg10 : memref<!tpu.dma_semaphore, #tpu.memory_space<semaphore_mem>>) src(%arg8 : memref<16384xf32, #tpu.memory_space<vmem>>) dst(%dma_wait3A_183 : memref<16384xf32, #tpu.memory_space<hbm>>)
        %sub3A_184 = arith.constant 2 : i32
        %sub3A_185 = arith.subi %add3A_159, %sub3A_184 : i32
        %parallel_loop3A_186 = arith.constant 0 : i32
        %parallel_loop3A_187 = arith.constant 8 : i32
        %parallel_loop3A_188 = arith.constant 1 : i32
        scf.for %parallel_loop3A_189 = %parallel_loop3A_186 to %parallel_loop3A_187 step %parallel_loop3A_188  : i32 {
          %parallel_loop3A_190 = arith.constant 128 : i32
          %parallel_loop3A_191 = arith.muli %sub3A_185, %parallel_loop3A_190 : i32
          %parallel_loop3A_192 = arith.constant 16 : i32
          %parallel_loop3A_193 = arith.muli %parallel_loop3A_189, %parallel_loop3A_192 : i32
          %parallel_loop3A_194 = arith.addi %parallel_loop3A_191, %parallel_loop3A_193 : i32
          %parallel_loop3A_195 = vector.broadcast %parallel_loop3A_194 : i32 to vector<16xi32>
          %parallel_loop3A_196 = arith.addi %parallel_loop3A_195, %iota3A : vector<16xi32>
          %parallel_loop3A_197 = arith.constant 2048 : i32
          %parallel_loop3A_198 = arith.muli %parallel_loop3A_189, %parallel_loop3A_197 : i32
          %parallel_loop3A_199 = vector.broadcast %parallel_loop3A_198 : i32 to vector<16xi32>
          %parallel_loop3A_200 = arith.addi %parallel_loop3A_199, %mul3A_55 : vector<16xi32>
          %parallel_loop3A_201 = tpu.vector_load_idx %arg6[%broadcast_in_dim3A_57, %parallel_loop3A_196] : memref<16x1024xi32, #tpu.memory_space<vmem>>[vector<16xi32>, vector<16xi32>], vector<16xi32>,
          %parallel_loop3A_202 = arith.addi %parallel_loop3A_200, %parallel_loop3A_201 : vector<16xi32>
          tpu.vector_store_idx %arg8[%parallel_loop3A_202], %broadcast_in_dim3A_48 : memref<16384xf32, #tpu.memory_space<vmem>>[vector<16xi32>], vector<16xf32>,
          %parallel_loop3A_203 = tpu.vector_load_idx %arg6[%broadcast_in_dim3A_59, %parallel_loop3A_196] : memref<16x1024xi32, #tpu.memory_space<vmem>>[vector<16xi32>, vector<16xi32>], vector<16xi32>,
          %parallel_loop3A_204 = arith.addi %parallel_loop3A_200, %parallel_loop3A_203 : vector<16xi32>
          tpu.vector_store_idx %arg8[%parallel_loop3A_204], %broadcast_in_dim3A_48 : memref<16384xf32, #tpu.memory_space<vmem>>[vector<16xi32>], vector<16xf32>,
          %parallel_loop3A_205 = tpu.vector_load_idx %arg6[%broadcast_in_dim3A_61, %parallel_loop3A_196] : memref<16x1024xi32, #tpu.memory_space<vmem>>[vector<16xi32>, vector<16xi32>], vector<16xi32>,
          %parallel_loop3A_206 = arith.addi %parallel_loop3A_200, %parallel_loop3A_205 : vector<16xi32>
          tpu.vector_store_idx %arg8[%parallel_loop3A_206], %broadcast_in_dim3A_48 : memref<16384xf32, #tpu.memory_space<vmem>>[vector<16xi32>], vector<16xf32>,
          %parallel_loop3A_207 = tpu.vector_load_idx %arg6[%broadcast_in_dim3A_63, %parallel_loop3A_196] : memref<16x1024xi32, #tpu.memory_space<vmem>>[vector<16xi32>, vector<16xi32>], vector<16xi32>,
          %parallel_loop3A_208 = arith.addi %parallel_loop3A_200, %parallel_loop3A_207 : vector<16xi32>
          tpu.vector_store_idx %arg8[%parallel_loop3A_208], %broadcast_in_dim3A_48 : memref<16384xf32, #tpu.memory_space<vmem>>[vector<16xi32>], vector<16xf32>,
          %parallel_loop3A_209 = tpu.vector_load_idx %arg6[%broadcast_in_dim3A_65, %parallel_loop3A_196] : memref<16x1024xi32, #tpu.memory_space<vmem>>[vector<16xi32>, vector<16xi32>], vector<16xi32>,
          %parallel_loop3A_210 = arith.addi %parallel_loop3A_200, %parallel_loop3A_209 : vector<16xi32>
          tpu.vector_store_idx %arg8[%parallel_loop3A_210], %broadcast_in_dim3A_48 : memref<16384xf32, #tpu.memory_space<vmem>>[vector<16xi32>], vector<16xf32>,
          %parallel_loop3A_211 = tpu.vector_load_idx %arg6[%broadcast_in_dim3A_67, %parallel_loop3A_196] : memref<16x1024xi32, #tpu.memory_space<vmem>>[vector<16xi32>, vector<16xi32>], vector<16xi32>,
          %parallel_loop3A_212 = arith.addi %parallel_loop3A_200, %parallel_loop3A_211 : vector<16xi32>
          tpu.vector_store_idx %arg8[%parallel_loop3A_212], %broadcast_in_dim3A_48 : memref<16384xf32, #tpu.memory_space<vmem>>[vector<16xi32>], vector<16xf32>,
          %parallel_loop3A_213 = tpu.vector_load_idx %arg6[%broadcast_in_dim3A_69, %parallel_loop3A_196] : memref<16x1024xi32, #tpu.memory_space<vmem>>[vector<16xi32>, vector<16xi32>], vector<16xi32>,
          %parallel_loop3A_214 = arith.addi %parallel_loop3A_200, %parallel_loop3A_213 : vector<16xi32>
          tpu.vector_store_idx %arg8[%parallel_loop3A_214], %broadcast_in_dim3A_48 : memref<16384xf32, #tpu.memory_space<vmem>>[vector<16xi32>], vector<16xf32>,
          %parallel_loop3A_215 = tpu.vector_load_idx %arg6[%broadcast_in_dim3A_71, %parallel_loop3A_196] : memref<16x1024xi32, #tpu.memory_space<vmem>>[vector<16xi32>, vector<16xi32>], vector<16xi32>,
          %parallel_loop3A_216 = arith.addi %parallel_loop3A_200, %parallel_loop3A_215 : vector<16xi32>
          tpu.vector_store_idx %arg8[%parallel_loop3A_216], %broadcast_in_dim3A_48 : memref<16384xf32, #tpu.memory_space<vmem>>[vector<16xi32>], vector<16xf32>,
          %parallel_loop3A_217 = tpu.vector_load_idx %arg6[%broadcast_in_dim3A_73, %parallel_loop3A_196] : memref<16x1024xi32, #tpu.memory_space<vmem>>[vector<16xi32>, vector<16xi32>], vector<16xi32>,
          %parallel_loop3A_218 = arith.addi %parallel_loop3A_200, %parallel_loop3A_217 : vector<16xi32>
          tpu.vector_store_idx %arg8[%parallel_loop3A_218], %broadcast_in_dim3A_48 : memref<16384xf32, #tpu.memory_space<vmem>>[vector<16xi32>], vector<16xf32>,
          %parallel_loop3A_219 = tpu.vector_load_idx %arg6[%broadcast_in_dim3A_75, %parallel_loop3A_196] : memref<16x1024xi32, #tpu.memory_space<vmem>>[vector<16xi32>, vector<16xi32>], vector<16xi32>,
          %parallel_loop3A_220 = arith.addi %parallel_loop3A_200, %parallel_loop3A_219 : vector<16xi32>
          tpu.vector_store_idx %arg8[%parallel_loop3A_220], %broadcast_in_dim3A_48 : memref<16384xf32, #tpu.memory_space<vmem>>[vector<16xi32>], vector<16xf32>,
          %parallel_loop3A_221 = tpu.vector_load_idx %arg6[%broadcast_in_dim3A_77, %parallel_loop3A_196] : memref<16x1024xi32, #tpu.memory_space<vmem>>[vector<16xi32>, vector<16xi32>], vector<16xi32>,
          %parallel_loop3A_222 = arith.addi %parallel_loop3A_200, %parallel_loop3A_221 : vector<16xi32>
          tpu.vector_store_idx %arg8[%parallel_loop3A_222], %broadcast_in_dim3A_48 : memref<16384xf32, #tpu.memory_space<vmem>>[vector<16xi32>], vector<16xf32>,
          %parallel_loop3A_223 = tpu.vector_load_idx %arg6[%broadcast_in_dim3A_79, %parallel_loop3A_196] : memref<16x1024xi32, #tpu.memory_space<vmem>>[vector<16xi32>, vector<16xi32>], vector<16xi32>,
          %parallel_loop3A_224 = arith.addi %parallel_loop3A_200, %parallel_loop3A_223 : vector<16xi32>
          tpu.vector_store_idx %arg8[%parallel_loop3A_224], %broadcast_in_dim3A_48 : memref<16384xf32, #tpu.memory_space<vmem>>[vector<16xi32>], vector<16xf32>,
          %parallel_loop3A_225 = tpu.vector_load_idx %arg6[%broadcast_in_dim3A_81, %parallel_loop3A_196] : memref<16x1024xi32, #tpu.memory_space<vmem>>[vector<16xi32>, vector<16xi32>], vector<16xi32>,
          %parallel_loop3A_226 = arith.addi %parallel_loop3A_200, %parallel_loop3A_225 : vector<16xi32>
          tpu.vector_store_idx %arg8[%parallel_loop3A_226], %broadcast_in_dim3A_48 : memref<16384xf32, #tpu.memory_space<vmem>>[vector<16xi32>], vector<16xf32>,
          %parallel_loop3A_227 = tpu.vector_load_idx %arg6[%broadcast_in_dim3A_83, %parallel_loop3A_196] : memref<16x1024xi32, #tpu.memory_space<vmem>>[vector<16xi32>, vector<16xi32>], vector<16xi32>,
          %parallel_loop3A_228 = arith.addi %parallel_loop3A_200, %parallel_loop3A_227 : vector<16xi32>
          tpu.vector_store_idx %arg8[%parallel_loop3A_228], %broadcast_in_dim3A_48 : memref<16384xf32, #tpu.memory_space<vmem>>[vector<16xi32>], vector<16xf32>,
          %parallel_loop3A_229 = tpu.vector_load_idx %arg6[%broadcast_in_dim3A_85, %parallel_loop3A_196] : memref<16x1024xi32, #tpu.memory_space<vmem>>[vector<16xi32>, vector<16xi32>], vector<16xi32>,
          %parallel_loop3A_230 = arith.addi %parallel_loop3A_200, %parallel_loop3A_229 : vector<16xi32>
          tpu.vector_store_idx %arg8[%parallel_loop3A_230], %broadcast_in_dim3A_48 : memref<16384xf32, #tpu.memory_space<vmem>>[vector<16xi32>], vector<16xf32>,
          %parallel_loop3A_231 = tpu.vector_load_idx %arg6[%broadcast_in_dim3A_87, %parallel_loop3A_196] : memref<16x1024xi32, #tpu.memory_space<vmem>>[vector<16xi32>, vector<16xi32>], vector<16xi32>,
          %parallel_loop3A_232 = arith.addi %parallel_loop3A_200, %parallel_loop3A_231 : vector<16xi32>
          tpu.vector_store_idx %arg8[%parallel_loop3A_232], %broadcast_in_dim3A_48 : memref<16384xf32, #tpu.memory_space<vmem>>[vector<16xi32>], vector<16xf32>,
        } {sc.loop_unroll_factor = 4 : i64, sc.parallel_access}
      } else {
      }
      %parallel_loop3A_165 = arith.constant 0 : i32
      %parallel_loop3A_166 = arith.constant 8 : i32
      %parallel_loop3A_167 = arith.constant 1 : i32
      scf.for %parallel_loop3A_175 = %parallel_loop3A_165 to %parallel_loop3A_166 step %parallel_loop3A_167  : i32 {
        %parallel_loop3A_176 = arith.constant 128 : i32
        %parallel_loop3A_177 = arith.muli %add3A_159, %parallel_loop3A_176 : i32
        %parallel_loop3A_178 = arith.constant 16 : i32
        %parallel_loop3A_179 = arith.muli %parallel_loop3A_175, %parallel_loop3A_178 : i32
        %parallel_loop3A_180 = arith.addi %parallel_loop3A_177, %parallel_loop3A_179 : i32
        %parallel_loop3A_181 = vector.broadcast %parallel_loop3A_180 : i32 to vector<16xi32>
        %parallel_loop3A_182 = arith.addi %parallel_loop3A_181, %iota3A : vector<16xi32>
        %parallel_loop3A_183 = arith.constant 2048 : i32
        %parallel_loop3A_184 = arith.muli %parallel_loop3A_175, %parallel_loop3A_183 : i32
        %parallel_loop3A_185 = vector.broadcast %parallel_loop3A_184 : i32 to vector<16xi32>
        %parallel_loop3A_186 = arith.addi %parallel_loop3A_185, %mul3A_55 : vector<16xi32>
        %parallel_loop3A_187 = tpu.vector_load_idx %arg6[%broadcast_in_dim3A_87, %parallel_loop3A_182] : memref<16x1024xi32, #tpu.memory_space<vmem>>[vector<16xi32>, vector<16xi32>], vector<16xi32>,
        %parallel_loop3A_188 = arith.constant 0 : i32
        %parallel_loop3A_189 = vector.broadcast %parallel_loop3A_188 : i32 to vector<16xi32>
        %parallel_loop3A_190 = arith.cmpi ne, %parallel_loop3A_187, %parallel_loop3A_189 : vector<16xi32>
        %parallel_loop3A_191 = arith.constant 0 : i32
        %parallel_loop3A_192 = vector.broadcast %parallel_loop3A_191 : i32 to vector<16xi32>
        %parallel_loop3A_193 = arith.cmpi slt, %broadcast_in_dim3A_52, %parallel_loop3A_192 : vector<16xi32>
        %parallel_loop3A_194 = arith.constant 16 : i32
        %parallel_loop3A_195 = vector.broadcast %parallel_loop3A_194 : i32 to vector<16xi32>
        %parallel_loop3A_196 = arith.addi %broadcast_in_dim3A_52, %parallel_loop3A_195 : vector<16xi32>
        %parallel_loop3A_197 = arith.select %parallel_loop3A_193, %parallel_loop3A_196, %broadcast_in_dim3A_52 : vector<16xi1>, vector<16xi32>
        %parallel_loop3A_198 = vector.shape_cast %parallel_loop3A_197 : vector<16xi32> to vector<16x1xi32>
        %parallel_loop3A_199 = vector.shape_cast %parallel_loop3A_198 : vector<16x1xi32> to vector<16xi32>
        %parallel_loop3A_200 = tpu.dynamic_gather %mul3A_121[%parallel_loop3A_199] in [0] : vector<16xf32>, vector<16xi32> -> vector<16xf32>
        %parallel_loop3A_201 = arith.constant 0.000000e+00 : f32
        %parallel_loop3A_202 = vector.broadcast %parallel_loop3A_201 : f32 to vector<16xf32>
        %parallel_loop3A_203 = arith.select %parallel_loop3A_190, %parallel_loop3A_200, %parallel_loop3A_202 : vector<16xi1>, vector<16xf32>
        %parallel_loop3A_204 = arith.addi %parallel_loop3A_186, %parallel_loop3A_187 : vector<16xi32>
        tpu.vector_store_idx %arg8[%parallel_loop3A_204], %parallel_loop3A_203 {add = true} : memref<16384xf32, #tpu.memory_space<vmem>>[vector<16xi32>], vector<16xf32>,
        %parallel_loop3A_205 = arith.select %parallel_loop3A_190, %broadcast_in_dim3A_50, %broadcast_in_dim3A_52 : vector<16xi1>, vector<16xi32>
        %parallel_loop3A_206 = arith.addi %broadcast_in_dim3A_52, %parallel_loop3A_205 : vector<16xi32>
        %parallel_loop3A_207 = tpu.vector_load_idx %arg6[%broadcast_in_dim3A_85, %parallel_loop3A_182] : memref<16x1024xi32, #tpu.memory_space<vmem>>[vector<16xi32>, vector<16xi32>], vector<16xi32>,
        %parallel_loop3A_208 = arith.constant 0 : i32
        %parallel_loop3A_209 = vector.broadcast %parallel_loop3A_208 : i32 to vector<16xi32>
        %parallel_loop3A_210 = arith.cmpi ne, %parallel_loop3A_207, %parallel_loop3A_209 : vector<16xi32>
        %parallel_loop3A_211 = arith.constant 0 : i32
        %parallel_loop3A_212 = vector.broadcast %parallel_loop3A_211 : i32 to vector<16xi32>
        %parallel_loop3A_213 = arith.cmpi slt, %parallel_loop3A_206, %parallel_loop3A_212 : vector<16xi32>
        %parallel_loop3A_214 = arith.constant 16 : i32
        %parallel_loop3A_215 = vector.broadcast %parallel_loop3A_214 : i32 to vector<16xi32>
        %parallel_loop3A_216 = arith.addi %parallel_loop3A_206, %parallel_loop3A_215 : vector<16xi32>
        %parallel_loop3A_217 = arith.select %parallel_loop3A_213, %parallel_loop3A_216, %parallel_loop3A_206 : vector<16xi1>, vector<16xi32>
        %parallel_loop3A_218 = vector.shape_cast %parallel_loop3A_217 : vector<16xi32> to vector<16x1xi32>
        %parallel_loop3A_219 = vector.shape_cast %parallel_loop3A_218 : vector<16x1xi32> to vector<16xi32>
        %parallel_loop3A_220 = tpu.dynamic_gather %mul3A_121[%parallel_loop3A_219] in [0] : vector<16xf32>, vector<16xi32> -> vector<16xf32>
        %parallel_loop3A_221 = arith.constant 0.000000e+00 : f32
        %parallel_loop3A_222 = vector.broadcast %parallel_loop3A_221 : f32 to vector<16xf32>
        %parallel_loop3A_223 = arith.select %parallel_loop3A_210, %parallel_loop3A_220, %parallel_loop3A_222 : vector<16xi1>, vector<16xf32>
        %parallel_loop3A_224 = arith.addi %parallel_loop3A_186, %parallel_loop3A_207 : vector<16xi32>
        tpu.vector_store_idx %arg8[%parallel_loop3A_224], %parallel_loop3A_223 {add = true} : memref<16384xf32, #tpu.memory_space<vmem>>[vector<16xi32>], vector<16xf32>,
        %parallel_loop3A_225 = arith.select %parallel_loop3A_210, %broadcast_in_dim3A_50, %broadcast_in_dim3A_52 : vector<16xi1>, vector<16xi32>
        %parallel_loop3A_226 = arith.addi %parallel_loop3A_206, %parallel_loop3A_225 : vector<16xi32>
        %parallel_loop3A_227 = tpu.vector_load_idx %arg6[%broadcast_in_dim3A_83, %parallel_loop3A_182] : memref<16x1024xi32, #tpu.memory_space<vmem>>[vector<16xi32>, vector<16xi32>], vector<16xi32>,
        %parallel_loop3A_228 = arith.constant 0 : i32
        %parallel_loop3A_229 = vector.broadcast %parallel_loop3A_228 : i32 to vector<16xi32>
        %parallel_loop3A_230 = arith.cmpi ne, %parallel_loop3A_227, %parallel_loop3A_229 : vector<16xi32>
        %parallel_loop3A_231 = arith.constant 0 : i32
        %parallel_loop3A_232 = vector.broadcast %parallel_loop3A_231 : i32 to vector<16xi32>
        %parallel_loop3A_233 = arith.cmpi slt, %parallel_loop3A_226, %parallel_loop3A_232 : vector<16xi32>
        %parallel_loop3A_234 = arith.constant 16 : i32
        %parallel_loop3A_235 = vector.broadcast %parallel_loop3A_234 : i32 to vector<16xi32>
        %parallel_loop3A_236 = arith.addi %parallel_loop3A_226, %parallel_loop3A_235 : vector<16xi32>
        %parallel_loop3A_237 = arith.select %parallel_loop3A_233, %parallel_loop3A_236, %parallel_loop3A_226 : vector<16xi1>, vector<16xi32>
        %parallel_loop3A_238 = vector.shape_cast %parallel_loop3A_237 : vector<16xi32> to vector<16x1xi32>
        %parallel_loop3A_239 = vector.shape_cast %parallel_loop3A_238 : vector<16x1xi32> to vector<16xi32>
        %parallel_loop3A_240 = tpu.dynamic_gather %mul3A_121[%parallel_loop3A_239] in [0] : vector<16xf32>, vector<16xi32> -> vector<16xf32>
        %parallel_loop3A_241 = arith.constant 0.000000e+00 : f32
        %parallel_loop3A_242 = vector.broadcast %parallel_loop3A_241 : f32 to vector<16xf32>
        %parallel_loop3A_243 = arith.select %parallel_loop3A_230, %parallel_loop3A_240, %parallel_loop3A_242 : vector<16xi1>, vector<16xf32>
        %parallel_loop3A_244 = arith.addi %parallel_loop3A_186, %parallel_loop3A_227 : vector<16xi32>
        tpu.vector_store_idx %arg8[%parallel_loop3A_244], %parallel_loop3A_243 {add = true} : memref<16384xf32, #tpu.memory_space<vmem>>[vector<16xi32>], vector<16xf32>,
        %parallel_loop3A_245 = arith.select %parallel_loop3A_230, %broadcast_in_dim3A_50, %broadcast_in_dim3A_52 : vector<16xi1>, vector<16xi32>
        %parallel_loop3A_246 = arith.addi %parallel_loop3A_226, %parallel_loop3A_245 : vector<16xi32>
        %parallel_loop3A_247 = tpu.vector_load_idx %arg6[%broadcast_in_dim3A_81, %parallel_loop3A_182] : memref<16x1024xi32, #tpu.memory_space<vmem>>[vector<16xi32>, vector<16xi32>], vector<16xi32>,
        %parallel_loop3A_248 = arith.constant 0 : i32
        %parallel_loop3A_249 = vector.broadcast %parallel_loop3A_248 : i32 to vector<16xi32>
        %parallel_loop3A_250 = arith.cmpi ne, %parallel_loop3A_247, %parallel_loop3A_249 : vector<16xi32>
        %parallel_loop3A_251 = arith.constant 0 : i32
        %parallel_loop3A_252 = vector.broadcast %parallel_loop3A_251 : i32 to vector<16xi32>
        %parallel_loop3A_253 = arith.cmpi slt, %parallel_loop3A_246, %parallel_loop3A_252 : vector<16xi32>
        %parallel_loop3A_254 = arith.constant 16 : i32
        %parallel_loop3A_255 = vector.broadcast %parallel_loop3A_254 : i32 to vector<16xi32>
        %parallel_loop3A_256 = arith.addi %parallel_loop3A_246, %parallel_loop3A_255 : vector<16xi32>
        %parallel_loop3A_257 = arith.select %parallel_loop3A_253, %parallel_loop3A_256, %parallel_loop3A_246 : vector<16xi1>, vector<16xi32>
        %parallel_loop3A_258 = vector.shape_cast %parallel_loop3A_257 : vector<16xi32> to vector<16x1xi32>
        %parallel_loop3A_259 = vector.shape_cast %parallel_loop3A_258 : vector<16x1xi32> to vector<16xi32>
        %parallel_loop3A_260 = tpu.dynamic_gather %mul3A_121[%parallel_loop3A_259] in [0] : vector<16xf32>, vector<16xi32> -> vector<16xf32>
        %parallel_loop3A_261 = arith.constant 0.000000e+00 : f32
        %parallel_loop3A_262 = vector.broadcast %parallel_loop3A_261 : f32 to vector<16xf32>
        %parallel_loop3A_263 = arith.select %parallel_loop3A_250, %parallel_loop3A_260, %parallel_loop3A_262 : vector<16xi1>, vector<16xf32>
        %parallel_loop3A_264 = arith.addi %parallel_loop3A_186, %parallel_loop3A_247 : vector<16xi32>
        tpu.vector_store_idx %arg8[%parallel_loop3A_264], %parallel_loop3A_263 {add = true} : memref<16384xf32, #tpu.memory_space<vmem>>[vector<16xi32>], vector<16xf32>,
        %parallel_loop3A_265 = arith.select %parallel_loop3A_250, %broadcast_in_dim3A_50, %broadcast_in_dim3A_52 : vector<16xi1>, vector<16xi32>
        %parallel_loop3A_266 = arith.addi %parallel_loop3A_246, %parallel_loop3A_265 : vector<16xi32>
        %parallel_loop3A_267 = tpu.vector_load_idx %arg6[%broadcast_in_dim3A_79, %parallel_loop3A_182] : memref<16x1024xi32, #tpu.memory_space<vmem>>[vector<16xi32>, vector<16xi32>], vector<16xi32>,
        %parallel_loop3A_268 = arith.constant 0 : i32
        %parallel_loop3A_269 = vector.broadcast %parallel_loop3A_268 : i32 to vector<16xi32>
        %parallel_loop3A_270 = arith.cmpi ne, %parallel_loop3A_267, %parallel_loop3A_269 : vector<16xi32>
        %parallel_loop3A_271 = arith.constant 0 : i32
        %parallel_loop3A_272 = vector.broadcast %parallel_loop3A_271 : i32 to vector<16xi32>
        %parallel_loop3A_273 = arith.cmpi slt, %parallel_loop3A_266, %parallel_loop3A_272 : vector<16xi32>
        %parallel_loop3A_274 = arith.constant 16 : i32
        %parallel_loop3A_275 = vector.broadcast %parallel_loop3A_274 : i32 to vector<16xi32>
        %parallel_loop3A_276 = arith.addi %parallel_loop3A_266, %parallel_loop3A_275 : vector<16xi32>
        %parallel_loop3A_277 = arith.select %parallel_loop3A_273, %parallel_loop3A_276, %parallel_loop3A_266 : vector<16xi1>, vector<16xi32>
        %parallel_loop3A_278 = vector.shape_cast %parallel_loop3A_277 : vector<16xi32> to vector<16x1xi32>
        %parallel_loop3A_279 = vector.shape_cast %parallel_loop3A_278 : vector<16x1xi32> to vector<16xi32>
        %parallel_loop3A_280 = tpu.dynamic_gather %mul3A_121[%parallel_loop3A_279] in [0] : vector<16xf32>, vector<16xi32> -> vector<16xf32>
        %parallel_loop3A_281 = arith.constant 0.000000e+00 : f32
        %parallel_loop3A_282 = vector.broadcast %parallel_loop3A_281 : f32 to vector<16xf32>
        %parallel_loop3A_283 = arith.select %parallel_loop3A_270, %parallel_loop3A_280, %parallel_loop3A_282 : vector<16xi1>, vector<16xf32>
        %parallel_loop3A_284 = arith.addi %parallel_loop3A_186, %parallel_loop3A_267 : vector<16xi32>
        tpu.vector_store_idx %arg8[%parallel_loop3A_284], %parallel_loop3A_283 {add = true} : memref<16384xf32, #tpu.memory_space<vmem>>[vector<16xi32>], vector<16xf32>,
        %parallel_loop3A_285 = arith.select %parallel_loop3A_270, %broadcast_in_dim3A_50, %broadcast_in_dim3A_52 : vector<16xi1>, vector<16xi32>
        %parallel_loop3A_286 = arith.addi %parallel_loop3A_266, %parallel_loop3A_285 : vector<16xi32>
        %parallel_loop3A_287 = tpu.vector_load_idx %arg6[%broadcast_in_dim3A_77, %parallel_loop3A_182] : memref<16x1024xi32, #tpu.memory_space<vmem>>[vector<16xi32>, vector<16xi32>], vector<16xi32>,
        %parallel_loop3A_288 = arith.constant 0 : i32
        %parallel_loop3A_289 = vector.broadcast %parallel_loop3A_288 : i32 to vector<16xi32>
        %parallel_loop3A_290 = arith.cmpi ne, %parallel_loop3A_287, %parallel_loop3A_289 : vector<16xi32>
        %parallel_loop3A_291 = arith.constant 0 : i32
        %parallel_loop3A_292 = vector.broadcast %parallel_loop3A_291 : i32 to vector<16xi32>
        %parallel_loop3A_293 = arith.cmpi slt, %parallel_loop3A_286, %parallel_loop3A_292 : vector<16xi32>
        %parallel_loop3A_294 = arith.constant 16 : i32
        %parallel_loop3A_295 = vector.broadcast %parallel_loop3A_294 : i32 to vector<16xi32>
        %parallel_loop3A_296 = arith.addi %parallel_loop3A_286, %parallel_loop3A_295 : vector<16xi32>
        %parallel_loop3A_297 = arith.select %parallel_loop3A_293, %parallel_loop3A_296, %parallel_loop3A_286 : vector<16xi1>, vector<16xi32>
        %parallel_loop3A_298 = vector.shape_cast %parallel_loop3A_297 : vector<16xi32> to vector<16x1xi32>
        %parallel_loop3A_299 = vector.shape_cast %parallel_loop3A_298 : vector<16x1xi32> to vector<16xi32>
        %parallel_loop3A_300 = tpu.dynamic_gather %mul3A_121[%parallel_loop3A_299] in [0] : vector<16xf32>, vector<16xi32> -> vector<16xf32>
        %parallel_loop3A_301 = arith.constant 0.000000e+00 : f32
        %parallel_loop3A_302 = vector.broadcast %parallel_loop3A_301 : f32 to vector<16xf32>
        %parallel_loop3A_303 = arith.select %parallel_loop3A_290, %parallel_loop3A_300, %parallel_loop3A_302 : vector<16xi1>, vector<16xf32>
        %parallel_loop3A_304 = arith.addi %parallel_loop3A_186, %parallel_loop3A_287 : vector<16xi32>
        tpu.vector_store_idx %arg8[%parallel_loop3A_304], %parallel_loop3A_303 {add = true} : memref<16384xf32, #tpu.memory_space<vmem>>[vector<16xi32>], vector<16xf32>,
        %parallel_loop3A_305 = arith.select %parallel_loop3A_290, %broadcast_in_dim3A_50, %broadcast_in_dim3A_52 : vector<16xi1>, vector<16xi32>
        %parallel_loop3A_306 = arith.addi %parallel_loop3A_286, %parallel_loop3A_305 : vector<16xi32>
        %parallel_loop3A_307 = tpu.vector_load_idx %arg6[%broadcast_in_dim3A_75, %parallel_loop3A_182] : memref<16x1024xi32, #tpu.memory_space<vmem>>[vector<16xi32>, vector<16xi32>], vector<16xi32>,
        %parallel_loop3A_308 = arith.constant 0 : i32
        %parallel_loop3A_309 = vector.broadcast %parallel_loop3A_308 : i32 to vector<16xi32>
        %parallel_loop3A_310 = arith.cmpi ne, %parallel_loop3A_307, %parallel_loop3A_309 : vector<16xi32>
        %parallel_loop3A_311 = arith.constant 0 : i32
        %parallel_loop3A_312 = vector.broadcast %parallel_loop3A_311 : i32 to vector<16xi32>
        %parallel_loop3A_313 = arith.cmpi slt, %parallel_loop3A_306, %parallel_loop3A_312 : vector<16xi32>
        %parallel_loop3A_314 = arith.constant 16 : i32
        %parallel_loop3A_315 = vector.broadcast %parallel_loop3A_314 : i32 to vector<16xi32>
        %parallel_loop3A_316 = arith.addi %parallel_loop3A_306, %parallel_loop3A_315 : vector<16xi32>
        %parallel_loop3A_317 = arith.select %parallel_loop3A_313, %parallel_loop3A_316, %parallel_loop3A_306 : vector<16xi1>, vector<16xi32>
        %parallel_loop3A_318 = vector.shape_cast %parallel_loop3A_317 : vector<16xi32> to vector<16x1xi32>
        %parallel_loop3A_319 = vector.shape_cast %parallel_loop3A_318 : vector<16x1xi32> to vector<16xi32>
        %parallel_loop3A_320 = tpu.dynamic_gather %mul3A_121[%parallel_loop3A_319] in [0] : vector<16xf32>, vector<16xi32> -> vector<16xf32>
        %parallel_loop3A_321 = arith.constant 0.000000e+00 : f32
        %parallel_loop3A_322 = vector.broadcast %parallel_loop3A_321 : f32 to vector<16xf32>
        %parallel_loop3A_323 = arith.select %parallel_loop3A_310, %parallel_loop3A_320, %parallel_loop3A_322 : vector<16xi1>, vector<16xf32>
        %parallel_loop3A_324 = arith.addi %parallel_loop3A_186, %parallel_loop3A_307 : vector<16xi32>
        tpu.vector_store_idx %arg8[%parallel_loop3A_324], %parallel_loop3A_323 {add = true} : memref<16384xf32, #tpu.memory_space<vmem>>[vector<16xi32>], vector<16xf32>,
        %parallel_loop3A_325 = arith.select %parallel_loop3A_310, %broadcast_in_dim3A_50, %broadcast_in_dim3A_52 : vector<16xi1>, vector<16xi32>
        %parallel_loop3A_326 = arith.addi %parallel_loop3A_306, %parallel_loop3A_325 : vector<16xi32>
        %parallel_loop3A_327 = tpu.vector_load_idx %arg6[%broadcast_in_dim3A_73, %parallel_loop3A_182] : memref<16x1024xi32, #tpu.memory_space<vmem>>[vector<16xi32>, vector<16xi32>], vector<16xi32>,
        %parallel_loop3A_328 = arith.constant 0 : i32
        %parallel_loop3A_329 = vector.broadcast %parallel_loop3A_328 : i32 to vector<16xi32>
        %parallel_loop3A_330 = arith.cmpi ne, %parallel_loop3A_327, %parallel_loop3A_329 : vector<16xi32>
        %parallel_loop3A_331 = arith.constant 0 : i32
        %parallel_loop3A_332 = vector.broadcast %parallel_loop3A_331 : i32 to vector<16xi32>
        %parallel_loop3A_333 = arith.cmpi slt, %parallel_loop3A_326, %parallel_loop3A_332 : vector<16xi32>
        %parallel_loop3A_334 = arith.constant 16 : i32
        %parallel_loop3A_335 = vector.broadcast %parallel_loop3A_334 : i32 to vector<16xi32>
        %parallel_loop3A_336 = arith.addi %parallel_loop3A_326, %parallel_loop3A_335 : vector<16xi32>
        %parallel_loop3A_337 = arith.select %parallel_loop3A_333, %parallel_loop3A_336, %parallel_loop3A_326 : vector<16xi1>, vector<16xi32>
        %parallel_loop3A_338 = vector.shape_cast %parallel_loop3A_337 : vector<16xi32> to vector<16x1xi32>
        %parallel_loop3A_339 = vector.shape_cast %parallel_loop3A_338 : vector<16x1xi32> to vector<16xi32>
        %parallel_loop3A_340 = tpu.dynamic_gather %mul3A_121[%parallel_loop3A_339] in [0] : vector<16xf32>, vector<16xi32> -> vector<16xf32>
        %parallel_loop3A_341 = arith.constant 0.000000e+00 : f32
        %parallel_loop3A_342 = vector.broadcast %parallel_loop3A_341 : f32 to vector<16xf32>
        %parallel_loop3A_343 = arith.select %parallel_loop3A_330, %parallel_loop3A_340, %parallel_loop3A_342 : vector<16xi1>, vector<16xf32>
        %parallel_loop3A_344 = arith.addi %parallel_loop3A_186, %parallel_loop3A_327 : vector<16xi32>
        tpu.vector_store_idx %arg8[%parallel_loop3A_344], %parallel_loop3A_343 {add = true} : memref<16384xf32, #tpu.memory_space<vmem>>[vector<16xi32>], vector<16xf32>,
        %parallel_loop3A_345 = arith.select %parallel_loop3A_330, %broadcast_in_dim3A_50, %broadcast_in_dim3A_52 : vector<16xi1>, vector<16xi32>
        %parallel_loop3A_346 = arith.addi %parallel_loop3A_326, %parallel_loop3A_345 : vector<16xi32>
        %parallel_loop3A_347 = tpu.vector_load_idx %arg6[%broadcast_in_dim3A_71, %parallel_loop3A_182] : memref<16x1024xi32, #tpu.memory_space<vmem>>[vector<16xi32>, vector<16xi32>], vector<16xi32>,
        %parallel_loop3A_348 = arith.constant 0 : i32
        %parallel_loop3A_349 = vector.broadcast %parallel_loop3A_348 : i32 to vector<16xi32>
        %parallel_loop3A_350 = arith.cmpi ne, %parallel_loop3A_347, %parallel_loop3A_349 : vector<16xi32>
        %parallel_loop3A_351 = arith.constant 0 : i32
        %parallel_loop3A_352 = vector.broadcast %parallel_loop3A_351 : i32 to vector<16xi32>
        %parallel_loop3A_353 = arith.cmpi slt, %parallel_loop3A_346, %parallel_loop3A_352 : vector<16xi32>
        %parallel_loop3A_354 = arith.constant 16 : i32
        %parallel_loop3A_355 = vector.broadcast %parallel_loop3A_354 : i32 to vector<16xi32>
        %parallel_loop3A_356 = arith.addi %parallel_loop3A_346, %parallel_loop3A_355 : vector<16xi32>
        %parallel_loop3A_357 = arith.select %parallel_loop3A_353, %parallel_loop3A_356, %parallel_loop3A_346 : vector<16xi1>, vector<16xi32>
        %parallel_loop3A_358 = vector.shape_cast %parallel_loop3A_357 : vector<16xi32> to vector<16x1xi32>
        %parallel_loop3A_359 = vector.shape_cast %parallel_loop3A_358 : vector<16x1xi32> to vector<16xi32>
        %parallel_loop3A_360 = tpu.dynamic_gather %mul3A_121[%parallel_loop3A_359] in [0] : vector<16xf32>, vector<16xi32> -> vector<16xf32>
        %parallel_loop3A_361 = arith.constant 0.000000e+00 : f32
        %parallel_loop3A_362 = vector.broadcast %parallel_loop3A_361 : f32 to vector<16xf32>
        %parallel_loop3A_363 = arith.select %parallel_loop3A_350, %parallel_loop3A_360, %parallel_loop3A_362 : vector<16xi1>, vector<16xf32>
        %parallel_loop3A_364 = arith.addi %parallel_loop3A_186, %parallel_loop3A_347 : vector<16xi32>
        tpu.vector_store_idx %arg8[%parallel_loop3A_364], %parallel_loop3A_363 {add = true} : memref<16384xf32, #tpu.memory_space<vmem>>[vector<16xi32>], vector<16xf32>,
        %parallel_loop3A_365 = arith.select %parallel_loop3A_350, %broadcast_in_dim3A_50, %broadcast_in_dim3A_52 : vector<16xi1>, vector<16xi32>
        %parallel_loop3A_366 = arith.addi %parallel_loop3A_346, %parallel_loop3A_365 : vector<16xi32>
        %parallel_loop3A_367 = tpu.vector_load_idx %arg6[%broadcast_in_dim3A_69, %parallel_loop3A_182] : memref<16x1024xi32, #tpu.memory_space<vmem>>[vector<16xi32>, vector<16xi32>], vector<16xi32>,
        %parallel_loop3A_368 = arith.constant 0 : i32
        %parallel_loop3A_369 = vector.broadcast %parallel_loop3A_368 : i32 to vector<16xi32>
        %parallel_loop3A_370 = arith.cmpi ne, %parallel_loop3A_367, %parallel_loop3A_369 : vector<16xi32>
        %parallel_loop3A_371 = arith.constant 0 : i32
        %parallel_loop3A_372 = vector.broadcast %parallel_loop3A_371 : i32 to vector<16xi32>
        %parallel_loop3A_373 = arith.cmpi slt, %parallel_loop3A_366, %parallel_loop3A_372 : vector<16xi32>
        %parallel_loop3A_374 = arith.constant 16 : i32
        %parallel_loop3A_375 = vector.broadcast %parallel_loop3A_374 : i32 to vector<16xi32>
        %parallel_loop3A_376 = arith.addi %parallel_loop3A_366, %parallel_loop3A_375 : vector<16xi32>
        %parallel_loop3A_377 = arith.select %parallel_loop3A_373, %parallel_loop3A_376, %parallel_loop3A_366 : vector<16xi1>, vector<16xi32>
        %parallel_loop3A_378 = vector.shape_cast %parallel_loop3A_377 : vector<16xi32> to vector<16x1xi32>
        %parallel_loop3A_379 = vector.shape_cast %parallel_loop3A_378 : vector<16x1xi32> to vector<16xi32>
        %parallel_loop3A_380 = tpu.dynamic_gather %mul3A_121[%parallel_loop3A_379] in [0] : vector<16xf32>, vector<16xi32> -> vector<16xf32>
        %parallel_loop3A_381 = arith.constant 0.000000e+00 : f32
        %parallel_loop3A_382 = vector.broadcast %parallel_loop3A_381 : f32 to vector<16xf32>
        %parallel_loop3A_383 = arith.select %parallel_loop3A_370, %parallel_loop3A_380, %parallel_loop3A_382 : vector<16xi1>, vector<16xf32>
        %parallel_loop3A_384 = arith.addi %parallel_loop3A_186, %parallel_loop3A_367 : vector<16xi32>
        tpu.vector_store_idx %arg8[%parallel_loop3A_384], %parallel_loop3A_383 {add = true} : memref<16384xf32, #tpu.memory_space<vmem>>[vector<16xi32>], vector<16xf32>,
        %parallel_loop3A_385 = arith.select %parallel_loop3A_370, %broadcast_in_dim3A_50, %broadcast_in_dim3A_52 : vector<16xi1>, vector<16xi32>
        %parallel_loop3A_386 = arith.addi %parallel_loop3A_366, %parallel_loop3A_385 : vector<16xi32>
        %parallel_loop3A_387 = tpu.vector_load_idx %arg6[%broadcast_in_dim3A_67, %parallel_loop3A_182] : memref<16x1024xi32, #tpu.memory_space<vmem>>[vector<16xi32>, vector<16xi32>], vector<16xi32>,
        %parallel_loop3A_388 = arith.constant 0 : i32
        %parallel_loop3A_389 = vector.broadcast %parallel_loop3A_388 : i32 to vector<16xi32>
        %parallel_loop3A_390 = arith.cmpi ne, %parallel_loop3A_387, %parallel_loop3A_389 : vector<16xi32>
        %parallel_loop3A_391 = arith.constant 0 : i32
        %parallel_loop3A_392 = vector.broadcast %parallel_loop3A_391 : i32 to vector<16xi32>
        %parallel_loop3A_393 = arith.cmpi slt, %parallel_loop3A_386, %parallel_loop3A_392 : vector<16xi32>
        %parallel_loop3A_394 = arith.constant 16 : i32
        %parallel_loop3A_395 = vector.broadcast %parallel_loop3A_394 : i32 to vector<16xi32>
        %parallel_loop3A_396 = arith.addi %parallel_loop3A_386, %parallel_loop3A_395 : vector<16xi32>
        %parallel_loop3A_397 = arith.select %parallel_loop3A_393, %parallel_loop3A_396, %parallel_loop3A_386 : vector<16xi1>, vector<16xi32>
        %parallel_loop3A_398 = vector.shape_cast %parallel_loop3A_397 : vector<16xi32> to vector<16x1xi32>
        %parallel_loop3A_399 = vector.shape_cast %parallel_loop3A_398 : vector<16x1xi32> to vector<16xi32>
        %parallel_loop3A_400 = tpu.dynamic_gather %mul3A_121[%parallel_loop3A_399] in [0] : vector<16xf32>, vector<16xi32> -> vector<16xf32>
        %parallel_loop3A_401 = arith.constant 0.000000e+00 : f32
        %parallel_loop3A_402 = vector.broadcast %parallel_loop3A_401 : f32 to vector<16xf32>
        %parallel_loop3A_403 = arith.select %parallel_loop3A_390, %parallel_loop3A_400, %parallel_loop3A_402 : vector<16xi1>, vector<16xf32>
        %parallel_loop3A_404 = arith.addi %parallel_loop3A_186, %parallel_loop3A_387 : vector<16xi32>
        tpu.vector_store_idx %arg8[%parallel_loop3A_404], %parallel_loop3A_403 {add = true} : memref<16384xf32, #tpu.memory_space<vmem>>[vector<16xi32>], vector<16xf32>,
        %parallel_loop3A_405 = arith.select %parallel_loop3A_390, %broadcast_in_dim3A_50, %broadcast_in_dim3A_52 : vector<16xi1>, vector<16xi32>
        %parallel_loop3A_406 = arith.addi %parallel_loop3A_386, %parallel_loop3A_405 : vector<16xi32>
        %parallel_loop3A_407 = tpu.vector_load_idx %arg6[%broadcast_in_dim3A_65, %parallel_loop3A_182] : memref<16x1024xi32, #tpu.memory_space<vmem>>[vector<16xi32>, vector<16xi32>], vector<16xi32>,
        %parallel_loop3A_408 = arith.constant 0 : i32
        %parallel_loop3A_409 = vector.broadcast %parallel_loop3A_408 : i32 to vector<16xi32>
        %parallel_loop3A_410 = arith.cmpi ne, %parallel_loop3A_407, %parallel_loop3A_409 : vector<16xi32>
        %parallel_loop3A_411 = arith.constant 0 : i32
        %parallel_loop3A_412 = vector.broadcast %parallel_loop3A_411 : i32 to vector<16xi32>
        %parallel_loop3A_413 = arith.cmpi slt, %parallel_loop3A_406, %parallel_loop3A_412 : vector<16xi32>
        %parallel_loop3A_414 = arith.constant 16 : i32
        %parallel_loop3A_415 = vector.broadcast %parallel_loop3A_414 : i32 to vector<16xi32>
        %parallel_loop3A_416 = arith.addi %parallel_loop3A_406, %parallel_loop3A_415 : vector<16xi32>
        %parallel_loop3A_417 = arith.select %parallel_loop3A_413, %parallel_loop3A_416, %parallel_loop3A_406 : vector<16xi1>, vector<16xi32>
        %parallel_loop3A_418 = vector.shape_cast %parallel_loop3A_417 : vector<16xi32> to vector<16x1xi32>
        %parallel_loop3A_419 = vector.shape_cast %parallel_loop3A_418 : vector<16x1xi32> to vector<16xi32>
        %parallel_loop3A_420 = tpu.dynamic_gather %mul3A_121[%parallel_loop3A_419] in [0] : vector<16xf32>, vector<16xi32> -> vector<16xf32>
        %parallel_loop3A_421 = arith.constant 0.000000e+00 : f32
        %parallel_loop3A_422 = vector.broadcast %parallel_loop3A_421 : f32 to vector<16xf32>
        %parallel_loop3A_423 = arith.select %parallel_loop3A_410, %parallel_loop3A_420, %parallel_loop3A_422 : vector<16xi1>, vector<16xf32>
        %parallel_loop3A_424 = arith.addi %parallel_loop3A_186, %parallel_loop3A_407 : vector<16xi32>
        tpu.vector_store_idx %arg8[%parallel_loop3A_424], %parallel_loop3A_423 {add = true} : memref<16384xf32, #tpu.memory_space<vmem>>[vector<16xi32>], vector<16xf32>,
        %parallel_loop3A_425 = arith.select %parallel_loop3A_410, %broadcast_in_dim3A_50, %broadcast_in_dim3A_52 : vector<16xi1>, vector<16xi32>
        %parallel_loop3A_426 = arith.addi %parallel_loop3A_406, %parallel_loop3A_425 : vector<16xi32>
        %parallel_loop3A_427 = tpu.vector_load_idx %arg6[%broadcast_in_dim3A_63, %parallel_loop3A_182] : memref<16x1024xi32, #tpu.memory_space<vmem>>[vector<16xi32>, vector<16xi32>], vector<16xi32>,
        %parallel_loop3A_428 = arith.constant 0 : i32
        %parallel_loop3A_429 = vector.broadcast %parallel_loop3A_428 : i32 to vector<16xi32>
        %parallel_loop3A_430 = arith.cmpi ne, %parallel_loop3A_427, %parallel_loop3A_429 : vector<16xi32>
        %parallel_loop3A_431 = arith.constant 0 : i32
        %parallel_loop3A_432 = vector.broadcast %parallel_loop3A_431 : i32 to vector<16xi32>
        %parallel_loop3A_433 = arith.cmpi slt, %parallel_loop3A_426, %parallel_loop3A_432 : vector<16xi32>
        %parallel_loop3A_434 = arith.constant 16 : i32
        %parallel_loop3A_435 = vector.broadcast %parallel_loop3A_434 : i32 to vector<16xi32>
        %parallel_loop3A_436 = arith.addi %parallel_loop3A_426, %parallel_loop3A_435 : vector<16xi32>
        %parallel_loop3A_437 = arith.select %parallel_loop3A_433, %parallel_loop3A_436, %parallel_loop3A_426 : vector<16xi1>, vector<16xi32>
        %parallel_loop3A_438 = vector.shape_cast %parallel_loop3A_437 : vector<16xi32> to vector<16x1xi32>
        %parallel_loop3A_439 = vector.shape_cast %parallel_loop3A_438 : vector<16x1xi32> to vector<16xi32>
        %parallel_loop3A_440 = tpu.dynamic_gather %mul3A_121[%parallel_loop3A_439] in [0] : vector<16xf32>, vector<16xi32> -> vector<16xf32>
        %parallel_loop3A_441 = arith.constant 0.000000e+00 : f32
        %parallel_loop3A_442 = vector.broadcast %parallel_loop3A_441 : f32 to vector<16xf32>
        %parallel_loop3A_443 = arith.select %parallel_loop3A_430, %parallel_loop3A_440, %parallel_loop3A_442 : vector<16xi1>, vector<16xf32>
        %parallel_loop3A_444 = arith.addi %parallel_loop3A_186, %parallel_loop3A_427 : vector<16xi32>
        tpu.vector_store_idx %arg8[%parallel_loop3A_444], %parallel_loop3A_443 {add = true} : memref<16384xf32, #tpu.memory_space<vmem>>[vector<16xi32>], vector<16xf32>,
        %parallel_loop3A_445 = arith.select %parallel_loop3A_430, %broadcast_in_dim3A_50, %broadcast_in_dim3A_52 : vector<16xi1>, vector<16xi32>
        %parallel_loop3A_446 = arith.addi %parallel_loop3A_426, %parallel_loop3A_445 : vector<16xi32>
        %parallel_loop3A_447 = tpu.vector_load_idx %arg6[%broadcast_in_dim3A_61, %parallel_loop3A_182] : memref<16x1024xi32, #tpu.memory_space<vmem>>[vector<16xi32>, vector<16xi32>], vector<16xi32>,
        %parallel_loop3A_448 = arith.constant 0 : i32
        %parallel_loop3A_449 = vector.broadcast %parallel_loop3A_448 : i32 to vector<16xi32>
        %parallel_loop3A_450 = arith.cmpi ne, %parallel_loop3A_447, %parallel_loop3A_449 : vector<16xi32>
        %parallel_loop3A_451 = arith.constant 0 : i32
        %parallel_loop3A_452 = vector.broadcast %parallel_loop3A_451 : i32 to vector<16xi32>
        %parallel_loop3A_453 = arith.cmpi slt, %parallel_loop3A_446, %parallel_loop3A_452 : vector<16xi32>
        %parallel_loop3A_454 = arith.constant 16 : i32
        %parallel_loop3A_455 = vector.broadcast %parallel_loop3A_454 : i32 to vector<16xi32>
        %parallel_loop3A_456 = arith.addi %parallel_loop3A_446, %parallel_loop3A_455 : vector<16xi32>
        %parallel_loop3A_457 = arith.select %parallel_loop3A_453, %parallel_loop3A_456, %parallel_loop3A_446 : vector<16xi1>, vector<16xi32>
        %parallel_loop3A_458 = vector.shape_cast %parallel_loop3A_457 : vector<16xi32> to vector<16x1xi32>
        %parallel_loop3A_459 = vector.shape_cast %parallel_loop3A_458 : vector<16x1xi32> to vector<16xi32>
        %parallel_loop3A_460 = tpu.dynamic_gather %mul3A_121[%parallel_loop3A_459] in [0] : vector<16xf32>, vector<16xi32> -> vector<16xf32>
        %parallel_loop3A_461 = arith.constant 0.000000e+00 : f32
        %parallel_loop3A_462 = vector.broadcast %parallel_loop3A_461 : f32 to vector<16xf32>
        %parallel_loop3A_463 = arith.select %parallel_loop3A_450, %parallel_loop3A_460, %parallel_loop3A_462 : vector<16xi1>, vector<16xf32>
        %parallel_loop3A_464 = arith.addi %parallel_loop3A_186, %parallel_loop3A_447 : vector<16xi32>
        tpu.vector_store_idx %arg8[%parallel_loop3A_464], %parallel_loop3A_463 {add = true} : memref<16384xf32, #tpu.memory_space<vmem>>[vector<16xi32>], vector<16xf32>,
        %parallel_loop3A_465 = arith.select %parallel_loop3A_450, %broadcast_in_dim3A_50, %broadcast_in_dim3A_52 : vector<16xi1>, vector<16xi32>
        %parallel_loop3A_466 = arith.addi %parallel_loop3A_446, %parallel_loop3A_465 : vector<16xi32>
        %parallel_loop3A_467 = tpu.vector_load_idx %arg6[%broadcast_in_dim3A_59, %parallel_loop3A_182] : memref<16x1024xi32, #tpu.memory_space<vmem>>[vector<16xi32>, vector<16xi32>], vector<16xi32>,
        %parallel_loop3A_468 = arith.constant 0 : i32
        %parallel_loop3A_469 = vector.broadcast %parallel_loop3A_468 : i32 to vector<16xi32>
        %parallel_loop3A_470 = arith.cmpi ne, %parallel_loop3A_467, %parallel_loop3A_469 : vector<16xi32>
        %parallel_loop3A_471 = arith.constant 0 : i32
        %parallel_loop3A_472 = vector.broadcast %parallel_loop3A_471 : i32 to vector<16xi32>
        %parallel_loop3A_473 = arith.cmpi slt, %parallel_loop3A_466, %parallel_loop3A_472 : vector<16xi32>
        %parallel_loop3A_474 = arith.constant 16 : i32
        %parallel_loop3A_475 = vector.broadcast %parallel_loop3A_474 : i32 to vector<16xi32>
        %parallel_loop3A_476 = arith.addi %parallel_loop3A_466, %parallel_loop3A_475 : vector<16xi32>
        %parallel_loop3A_477 = arith.select %parallel_loop3A_473, %parallel_loop3A_476, %parallel_loop3A_466 : vector<16xi1>, vector<16xi32>
        %parallel_loop3A_478 = vector.shape_cast %parallel_loop3A_477 : vector<16xi32> to vector<16x1xi32>
        %parallel_loop3A_479 = vector.shape_cast %parallel_loop3A_478 : vector<16x1xi32> to vector<16xi32>
        %parallel_loop3A_480 = tpu.dynamic_gather %mul3A_121[%parallel_loop3A_479] in [0] : vector<16xf32>, vector<16xi32> -> vector<16xf32>
        %parallel_loop3A_481 = arith.constant 0.000000e+00 : f32
        %parallel_loop3A_482 = vector.broadcast %parallel_loop3A_481 : f32 to vector<16xf32>
        %parallel_loop3A_483 = arith.select %parallel_loop3A_470, %parallel_loop3A_480, %parallel_loop3A_482 : vector<16xi1>, vector<16xf32>
        %parallel_loop3A_484 = arith.addi %parallel_loop3A_186, %parallel_loop3A_467 : vector<16xi32>
        tpu.vector_store_idx %arg8[%parallel_loop3A_484], %parallel_loop3A_483 {add = true} : memref<16384xf32, #tpu.memory_space<vmem>>[vector<16xi32>], vector<16xf32>,
        %parallel_loop3A_485 = arith.select %parallel_loop3A_470, %broadcast_in_dim3A_50, %broadcast_in_dim3A_52 : vector<16xi1>, vector<16xi32>
        %parallel_loop3A_486 = arith.addi %parallel_loop3A_466, %parallel_loop3A_485 : vector<16xi32>
        %parallel_loop3A_487 = tpu.vector_load_idx %arg6[%broadcast_in_dim3A_57, %parallel_loop3A_182] : memref<16x1024xi32, #tpu.memory_space<vmem>>[vector<16xi32>, vector<16xi32>], vector<16xi32>,
        %parallel_loop3A_488 = arith.constant 0 : i32
        %parallel_loop3A_489 = vector.broadcast %parallel_loop3A_488 : i32 to vector<16xi32>
        %parallel_loop3A_490 = arith.cmpi ne, %parallel_loop3A_487, %parallel_loop3A_489 : vector<16xi32>
        %parallel_loop3A_491 = arith.constant 0 : i32
        %parallel_loop3A_492 = vector.broadcast %parallel_loop3A_491 : i32 to vector<16xi32>
        %parallel_loop3A_493 = arith.cmpi slt, %parallel_loop3A_486, %parallel_loop3A_492 : vector<16xi32>
        %parallel_loop3A_494 = arith.constant 16 : i32
        %parallel_loop3A_495 = vector.broadcast %parallel_loop3A_494 : i32 to vector<16xi32>
        %parallel_loop3A_496 = arith.addi %parallel_loop3A_486, %parallel_loop3A_495 : vector<16xi32>
        %parallel_loop3A_497 = arith.select %parallel_loop3A_493, %parallel_loop3A_496, %parallel_loop3A_486 : vector<16xi1>, vector<16xi32>
        %parallel_loop3A_498 = vector.shape_cast %parallel_loop3A_497 : vector<16xi32> to vector<16x1xi32>
        %parallel_loop3A_499 = vector.shape_cast %parallel_loop3A_498 : vector<16x1xi32> to vector<16xi32>
        %parallel_loop3A_500 = tpu.dynamic_gather %mul3A_121[%parallel_loop3A_499] in [0] : vector<16xf32>, vector<16xi32> -> vector<16xf32>
        %parallel_loop3A_501 = arith.constant 0.000000e+00 : f32
        %parallel_loop3A_502 = vector.broadcast %parallel_loop3A_501 : f32 to vector<16xf32>
        %parallel_loop3A_503 = arith.select %parallel_loop3A_490, %parallel_loop3A_500, %parallel_loop3A_502 : vector<16xi1>, vector<16xf32>
        %parallel_loop3A_504 = arith.addi %parallel_loop3A_186, %parallel_loop3A_487 : vector<16xi32>
        tpu.vector_store_idx %arg8[%parallel_loop3A_504], %parallel_loop3A_503 {add = true} : memref<16384xf32, #tpu.memory_space<vmem>>[vector<16xi32>], vector<16xf32>,
        %parallel_loop3A_505 = arith.select %parallel_loop3A_490, %broadcast_in_dim3A_50, %broadcast_in_dim3A_52 : vector<16xi1>, vector<16xi32>
        %parallel_loop3A_506 = arith.addi %parallel_loop3A_486, %parallel_loop3A_505 : vector<16xi32>
      } {sc.loop_unroll_factor = 4 : i64, sc.parallel_access}
      %mul3A_168 = arith.constant 128 : i32
      %mul3A_169 = arith.muli %add3A_159, %mul3A_168 : i32
      %add3A_170 = arith.addi %mul3A_2, %mul3A_169 : i32
      %mul3A_171 = arith.constant 128 : i32
      %mul3A_172 = arith.muli %add3A_170, %mul3A_171 : i32
      %dma_start3A_173 = tpu.memref_slice %arg4[%mul3A_172] : memref<4194304xf32, #tpu.memory_space<hbm>> -> memref<16384xf32, #tpu.memory_space<hbm>>
      %dma_start3A_174 = tpu.memref_slice %arg4[%mul3A_172] : memref<4194304xf32, #tpu.memory_space<hbm>> -> memref<16384xf32, #tpu.memory_space<hbm>>
      tpu.enqueue_dma source(%arg8 : memref<16384xf32, #tpu.memory_space<vmem>>) target(%dma_start3A_174 : memref<16384xf32, #tpu.memory_space<hbm>>) target_semaphore(%arg10 : memref<!tpu.dma_semaphore, #tpu.memory_space<semaphore_mem>>)
    }
    %scan3A_128 = arith.constant 4 : i32
    %add3A_129 = arith.constant 768 : i32
    %add3A_130 = arith.addi %mul3A_2, %add3A_129 : i32
    %mul3A_131 = arith.constant 128 : i32
    %mul3A_132 = arith.muli %add3A_130, %mul3A_131 : i32
    %dma_wait3A = tpu.memref_slice %arg4[%mul3A_132] : memref<4194304xf32, #tpu.memory_space<hbm>> -> memref<16384xf32, #tpu.memory_space<hbm>>
    %dma_wait3A_133 = tpu.memref_slice %arg4[%mul3A_132] : memref<4194304xf32, #tpu.memory_space<hbm>> -> memref<16384xf32, #tpu.memory_space<hbm>>
    tpu.wait_dma2 semaphore(%arg9 : memref<!tpu.dma_semaphore, #tpu.memory_space<semaphore_mem>>) src(%arg7 : memref<16384xf32, #tpu.memory_space<vmem>>) dst(%dma_wait3A_133 : memref<16384xf32, #tpu.memory_space<hbm>>)
    %add3A_134 = arith.constant 896 : i32
    %add3A_135 = arith.addi %mul3A_2, %add3A_134 : i32
    %mul3A_136 = arith.constant 128 : i32
    %mul3A_137 = arith.muli %add3A_135, %mul3A_136 : i32
    %dma_wait3A_138 = tpu.memref_slice %arg4[%mul3A_137] : memref<4194304xf32, #tpu.memory_space<hbm>> -> memref<16384xf32, #tpu.memory_space<hbm>>
    %dma_wait3A_139 = tpu.memref_slice %arg4[%mul3A_137] : memref<4194304xf32, #tpu.memory_space<hbm>> -> memref<16384xf32, #tpu.memory_space<hbm>>
    tpu.wait_dma2 semaphore(%arg10 : memref<!tpu.dma_semaphore, #tpu.memory_space<semaphore_mem>>) src(%arg8 : memref<16384xf32, #tpu.memory_space<vmem>>) dst(%dma_wait3A_139 : memref<16384xf32, #tpu.memory_space<hbm>>)
    return
  }
}

</mosaic_0001>

<sc_bundles>
// kernel: _fofe_sc.3.cloned.1.call-start
scs
__scs_entry_jumppad:
0x0: {  	(pc) =	sbr.rel $0x88, $3  }
0x1: {  	(tag) =	ssettag $0x0;
	lr =	simm.s32 $0x1  }
0x2: {  	[smem:$0x3F9F] =	sst lr;
	_ =	strace $0xD0000000  }
0x3: {  	_ = 	snop  }
0x4: {  	_ = 	snop  }
0x5: {  	_ = 	snop  }
0x6: {  	_ = 	snop  }
0x7: {  	_ = 	snop  }
__scs_overlays_trampoline_lowered:
0x8: {  	[smem:$0x3FAE] =	sst s0  }
0x9: {  	[smem:$0x3FAF] =	sst s1  }
0xa: {  	[smem:$0x3FB0] =	sst s2  }
0xb: {  	[smem:$0x3FB1] =	sst s3  }
0xc: {  	[smem:$0x3FB2] =	sst s4  }
0xd: {  	[smem:$0x3FB3] =	sst s5  }
0xe: {  	[smem:$0x3FB4] =	sst s6  }
0xf: {  	[smem:$0x3FB5] =	sst s7  }
0x10: {  	[smem:$0x3FB6] =	sst s8  }
0x11: {  	[smem:$0x3FB7] =	sst s9;
	s0 =	simm.s32 @!p0 $0x0  }
0x12: {  	s1 =	sld [smem:$0x3F9D];
	s0 =	simm.s32 @p0 $0x1  }
0x13: {  	[smem:$0x3FB8] =	sst s0;
	s0 =	simm.s32 @!p1 $0x0  }
0x14: {  	s2 =	sld [smem:$0x3F9C];
	s0 =	simm.s32 @p1 $0x1  }
0x15: {  	[smem:$0x3FB9] =	sst s0;
	s0 =	simm.s32 @!p2 $0x0  }
0x16: {  	s3 =	sld [smem:$0x3FDB];
	s0 =	simm.s32 @p2 $0x1  }
0x17: {  	s4 =	simm.s32 $0x1BF5;
	[smem:$0x3FBB] =	sst s0  }
0x18: {  	s0 =	sld [smem:$0x3F9E];
	_ =	swait.ge [sflag:s4], $0x0  }
0x19: {  	s7 =	sld [smem:$0x3F9F]  }
0x1a: {  	s8 =	sadd.s32 $0xFFFFE003, lr  }
0x1b: {  	s9 =	sadd.s32 $0xFFFFFEF7, lr;
	s5 =	simm.s32 $0xFFFFFFFF;
	p2 =	slt.u32 s8, $0xFFFFF086  }
0x1c: {  	p1 =	slt.u32 s9, $0xF7A;
	s5 =	simm.s32 @!p2 $0x0  }
0x1d: {  	s5 =	simm.s32 @p1 $0x1;
	p0 =	seq.s32 s7, s2  }
0x1e: {  	s7 =	smul.u32 @!p0 $0xF7A, s2;
	p2 =	seq.s32 @!p0 s5, $0x0  }
0x1f: {  	s9 =	smul.u32 $0xF7A, s1;
	s8 =	simm.s32 @!p0 $0x1BF5;
	p2 =	por !p2, p0  }
0x20: {  	[sflag:s8] =	ssyncset.s32 @!p0 $0xFFFFF086;
	s6 =	sadd.s32 @!p0 s3, s7;
	s7 =	simm.s32 @!p0 $0x108  }
0x21: {  	s3 =	sadd.s32 s3, s9;
	s6 =	sadd.s32 @!p0 $0x88, s6;
	s7 =	simm.s32 @p2 $0x1082  }
0x22: {  	[simem:s7], [sflag:s8] =	dma.local @!p0 [hbm:s6], $0xF7A  }
0x23: {  	s9 =	sor.u32 $0xD0000000, s2;
	s6 =	simm.s32 $0x108;
	_ =	swait.ge @!p0 [sflag:s8], $0x0  }
0x24: {  	s3 =	sadd.s32 $0x88, s3;
	s6 =	simm.s32 @!p1 $0x1082;
	[sflag:s4] =	ssyncset.s32 $0xFFFFF086  }
0x25: {  	[simem:s6], [sflag:s4] =	dma.local [hbm:s3], $0xF7A  }
0x26: {  	[smem:$0x3F9F] =	sst s1;
	(tag) =	ssettag s2;
	_ =	strace s9  }
0x27: {  	s1 =	sld [smem:$0x3FAF]  }
0x28: {  	s2 =	sld [smem:$0x3FB0]  }
0x29: {  	s4 =	sld [smem:$0x3FB2]  }
0x2a: {  	p0 =	seq.s32 s5, $0x0;
	s5 =	sld [smem:$0x3FB3]  }
0x2b: {  	s6 =	sld [smem:$0x3FB4]  }
0x2c: {  	s7 =	sld [smem:$0x3FB5]  }
0x2d: {  	s3 =	simm.s32 $0x108;
	s8 =	sld [smem:$0x3FB6]  }
0x2e: {  	s3 =	simm.s32 @!p0 $0x1082;
	s9 =	sld [smem:$0x3FB7]  }
0x2f: {  	lr =	sadd.s32 s0, s3;
	s0 =	sld [smem:$0x3FAE]  }
0x30: {  	s3 =	sld [smem:$0x3FB1]  }
0x31: {  	[smem:$0x3FBA] =	sst s10  }
0x32: {  	s10 =	sld [smem:$0x3FB8];
	_ =	sdelay $0x3  }
0x33: {  	p0 =	seq.s32 s10, $0x1;
	s10 =	sld [smem:$0x3FBA];
	_ =	sdelay $0x3  }
0x34: {  	[smem:$0x3FBA] =	sst s10  }
0x35: {  	s10 =	sld [smem:$0x3FB9];
	_ =	sdelay $0x3  }
0x36: {  	p1 =	seq.s32 s10, $0x1;
	s10 =	sld [smem:$0x3FBA];
	_ =	sdelay $0x3  }
0x37: {  	[smem:$0x3FBA] =	sst s10  }
0x38: {  	s10 =	sld [smem:$0x3FBB]  }
0x39: {  	_ = 	snop;
	(pc) =	sbr.ind lr, $3  }
0x3a: {  	_ = 	snop  }
0x3b: {  	_ = 	snop  }
0x3c: {  	p2 =	seq.s32 s10, $0x1;
	s10 =	sld [smem:$0x3FBA]  }
0x3d: {  	_ =	shalt  }
0x3e: {  	_ =	shalt  }
0x3f: {  	_ =	shalt  }
0x40: {  	_ =	shalt  }
0x41: {  	_ =	shalt  }
0x42: {  	_ =	shalt  }
0x43: {  	_ =	shalt  }
0x44: {  	_ =	shalt  }
0x45: {  	_ =	shalt  }
0x46: {  	_ =	shalt  }
0x47: {  	_ =	shalt  }
0x48: {  	_ =	shalt  }
0x49: {  	_ =	shalt  }
0x4a: {  	_ =	shalt  }
0x4b: {  	_ =	shalt  }
0x4c: {  	_ =	shalt  }
0x4d: {  	_ =	shalt  }
0x4e: {  	_ =	shalt  }
0x4f: {  	_ =	shalt  }
0x50: {  	_ =	shalt  }
0x51: {  	_ =	shalt  }
0x52: {  	_ =	shalt  }
0x53: {  	_ =	shalt  }
0x54: {  	_ =	shalt  }
0x55: {  	_ =	shalt  }
0x56: {  	_ =	shalt  }
0x57: {  	_ =	shalt  }
0x58: {  	_ =	shalt  }
0x59: {  	_ =	shalt  }
0x5a: {  	_ =	shalt  }
0x5b: {  	_ =	shalt  }
0x5c: {  	_ =	shalt  }
0x5d: {  	_ =	shalt  }
0x5e: {  	_ =	shalt  }
0x5f: {  	_ =	shalt  }
0x60: {  	_ =	shalt  }
0x61: {  	_ =	shalt  }
0x62: {  	_ =	shalt  }
0x63: {  	_ =	shalt  }
0x64: {  	_ =	shalt  }
0x65: {  	_ =	shalt  }
0x66: {  	_ =	shalt  }
0x67: {  	_ =	shalt  }
0x68: {  	_ =	shalt  }
0x69: {  	_ =	shalt  }
0x6a: {  	_ =	shalt  }
0x6b: {  	_ =	shalt  }
0x6c: {  	_ =	shalt  }
0x6d: {  	_ =	shalt  }
0x6e: {  	_ =	shalt  }
0x6f: {  	_ =	shalt  }
0x70: {  	_ =	shalt  }
0x71: {  	_ =	shalt  }
0x72: {  	_ =	shalt  }
0x73: {  	_ =	shalt  }
0x74: {  	_ =	shalt  }
0x75: {  	_ =	shalt  }
0x76: {  	_ =	shalt  }
0x77: {  	_ =	shalt  }
0x78: {  	_ =	shalt  }
0x79: {  	_ =	shalt  }
0x7a: {  	_ =	shalt  }
0x7b: {  	_ =	shalt  }
0x7c: {  	_ =	shalt  }
0x7d: {  	_ =	shalt  }
0x7e: {  	_ =	shalt  }
0x7f: {  	_ =	shalt  }
0x80: {  	_ =	shalt  }
0x81: {  	_ =	shalt  }
0x82: {  	_ =	shalt  }
0x83: {  	_ =	shalt  }
0x84: {  	_ =	shalt  }
0x85: {  	_ =	shalt  }
0x86: {  	_ =	shalt  }
0x87: {  	_ =	shalt  }
.Lfunc_end0:
.L_simem_size_0:
called_computation_lowered:
.L_overlay_start_0:
0x88: {  	s2 =	sld [smem:$0x3FD9]  }
0x89: {  	s3 =	sld [smem:$0x3FFE];
	_ =	sdelay $0x1  }
0x8a: {  	s1 =	srdreg.scid  }
0x8b: {  	s0 =	sand.u32 $0x1, s1  }
0x8c: {  	s18 =	sshll.u32 s0, $0xA;
	s2 =	sadd.s32 s3, s2  }
0x8d: {  	s2 =	sadd.s32 s2, s18  }
0x8e: {  	[smem:$0x3FC6] =	sst s2  }
0x8f: {  	_ = 	snop  }
0x90: {  	s2 =	sld [smem:$0x3FC9]  }
0x91: {  	s19 =	sld [smem:$0x3FC8]  }
0x92: {  	s4 =	sld [smem:$0x3FD0];
	(tm) =	ssettm $0x1  }
0x93: {  	s5 =	sld [smem:$0x3FFB];
	_ =	sdelay $0x3  }
0x94: {  	_ =	strace s5  }
0x95: {  	s5 =	sld [smem:$0x3FFC];
	_ =	sdelay $0x3  }
0x96: {  	_ =	strace s5  }
0x97: {  	s5 =	sld [smem:$0x3FFD];
	_ =	sdelay $0x3  }
0x98: {  	_ =	strace s5  }
0x99: {  	_ =	strace $0x8FFFFFFF  }
0x9a: {  	s20 =	sld [smem:$0x3FDB];
	_ =	sdelay $0x1  }
0x9b: {  	s6 =	simm.s32 $_scs_section_size  }
0x9c: {  	s7 =	simm.s32 $_size__tile_overlayer_lowered;
	s8 =	simm.s32 $_tile_overlayer_lowered  }
0x9d: {  	s23 =	simm.s32 $0x1BFF;
	s22 =	sshll.u32 s8, $0x1;
	s5 =	sadd.s32 s6, s20  }
0x9e: {  	s9 =	simm.s32 $0x0;
	s21 =	sshll.u32 s7, $0x1;
	s7 =	sadd.s32 s22, s5  }
0x9f: {  	[timem:s9], [sflag:s23] =	dma.local [hbm:s7], s21  }
0xa0: {  	_ =	swait.ge [sflag:s23], s21  }
0xa1: {  	s6 =	ssub.s32 $0x0, s21;
	[sflag:s23] =	ssyncset.done $0x0  }
0xa2: {  	[sflag:s23] =	ssyncadd.s32 s6;
	_ =	sdelay $0x1  }
0xa3: {  	s24 =	simm.s32 $0x1B8B  }
0xa4: {  	_ =	swait.ge [sflag:s24], $0x1  }
0xa5: {  	[sflag:s24] =	ssyncset.done $0x0  }
0xa6: {  	s25 =	simm.s32 $0x1B8E;
	[sflag:s24] =	ssyncadd.s32 $0xFFFFFFFF  }
0xa7: {  	s26 =	simm.s32 $execute0_lowered;
	[smem:$0x3FD2] =	sst s25  }
0xa8: {  	s6 =	sshll.u32 s26, $0x1;
	_ =	strace $0x80000046;
	[dreg:$0x1] =	wrdreg $0xFFFFFFFF  }
0xa9: {  	s28 =	simm.s32 $_size_execute0_lowered;
	s5 =	sadd.s32 s5, s6;
	[dreg:$0x0] =	wrdreg $0x0  }
0xaa: {  	s6 =	sshll.u32 s28, $0x1;
	[dreg:$0x2] =	wrdreg s5  }
0xab: {  	[dreg:$0x3] =	wrdreg s6  }
0xac: {  	[dreg:$0x4] =	wrdreg $0xC0  }
0xad: {  	_ =	task [dreg:s9], $0x5FFFF  }
0xae: {  	[dreg:$0x1] =	wrdreg $0xFFFFFFFF  }
0xaf: {  	[dreg:$0x0] =	wrdreg $0x60  }
0xb0: {  	[dreg:$0x2] =	wrdreg s2  }
0xb1: {  	[dreg:$0x3] =	wrdreg s19  }
0xb2: {  	[dreg:$0x4] =	wrdreg s4  }
0xb3: {  	[dreg:$0x5] =	wrdreg $0x9  }
0xb4: {  	_ =	task.clear_ibuf [dreg:s9], $0x6FFFF;
	_ =	strace $0x90000046  }
0xb5: {  	s29 =	simm.s32 $0x9;
	_ =	strace $0x80000048  }
0xb6: {  	_ =	swait.ge [sflag:s29], $0x1  }
0xb7: {  	[sflag:s29] =	ssyncadd.s32 $0xFFFFFFFF  }
0xb8: {  	_ =	strace $0x90000048  }
0xb9: {  	_ =	sfence  }
0xba: {  	s30 =	sld [smem:$0x0];
	_ =	sdelay $0x2  }
0xbb: {  	s31 =	sshll.u32 s1, $0xD;
	s1 =	sshrl.u32 s1, $0x2  }
0xbc: {  	s3 =	sand.u32 $0x4000, s31;
	s1 =	sadd.s32 s1, s30  }
0xbd: {  	s0 =	sor.u32 s3, s0;
	s1 =	sshll.u32 s1, $0x11  }
0xbe: {  	s0 =	sor.u32 s1, s0  }
0xbf: {  	s0 =	sadd.s32 $0x8F2B, s0  }
0xc0: {  	[sflag:s0] =	ssyncadd.remote.s32 $0x1  }
0xc1: {  	_ =	sfence.sel $0xFFFF  }
0xc2: {  	[dreg:$0x0] =	wrdreg $0xFFFFFFFF;
	(pc) =	sbr.abs _section_cstart, $3  }
0xc3: {  	[dreg:$0x1] =	wrdreg $0xFFFFFFFF  }
0xc4: {  	_ =	task.clear_ibuf [dreg:s9], $0x2FFFF;
	_ =	strace $0x9FFFFFFF  }
0xc5: {  	(tm) =	ssettm $0x7FFFFFFF  }
tec
execute0_lowered:
.L_overlay_start_1:
0x0: {  	(tag) =	ssettag $0x1  }
0x1: {  	s6 =	rddreg [dreg:$0x1]  }
0x2: {  	s1 =	srdreg.scid;
	s7 =	rddreg [dreg:$0x2]  }
0x3: {  	s0 =	stileid.u32;
	s8 =	simm.s32 $0x1;
	s2 =	rddreg [dreg:$0x3]  }
0x4: {  	vm0 =	vcmask $0xB08;
	vm1 =	vcmask $0x300;
	s3 =	simm.s32 $0x0;
	s4 =	sand.u32 $0x1, s1;
	s28 =	sshll.u32 s0, $0x1  }
0x5: {  	s11 =	simm.s32 $0x80;
	s12 =	simm.s32 $0x4080;
	vm0 =	vmor vm1, vm0;
	vm1 =	vcmask $0x1310;
	s5 =	sor.u32 s4, s28  }
0x6: {  	s13 =	simm.s32 $0x8080;
	p1 =	seq.s32 s4, $0x1;
	vm0 =	vmor vm0, vm1;
	vm1 =	vcmask $0x1B18;
	p0 =	seq.s32 s5, $0x0  }
0x7: {  	v0 =	vimm.s32 $0x0;
	s14 =	simm.s32 $0x2;
	s1 =	rddreg [dreg:$0x0];
	vm0 =	vmor vm0, vm1;
	vm1 =	vcmask $0x2320;
	p0 =	por !p0, !p1  }
0x8: {  	vm2 =	vcmask $0x1710;
	s15 =	simm.s32 $0x0;
	[smem:$0x7FF] =	sst s3;
	vm0 =	vmor vm0, vm1;
	vm1 =	vcmask $0x2B28;
	p0 =	por !p0, !p0  }
0x9: {  	vm3 =	vcmask $0x700;
	s9 =	ssub.s32 $0x2, s4;
	s4 =	sshll.u32 s4, $0xD;
	vm0 =	vmor vm0, vm1;
	vm1 =	vcmask $0x3330;
	s8 =	simm.s32 @!p0 $0x0  }
0xa: {  	v1 =	vimm.f32 $0.0e+00;
	v2 =	vlaneseq.u32;
	_ =	strace $0x80000047;
	s10 =	sshrl.u32 s9, $0x1;
	vm0 =	vmor vm0, vm1;
	s8 =	ssub.s32 s0, s8  }
0xb: {  	s30 =	sshll.u32 s5, $0xE;
	s29 =	ssub.s32 s9, s10;
	vm1 =	vmor vm3, vm2;
	vm2 =	vcmask $0x2720;
	vm3 =	vcmask $0x3B38;
	s8 =	sshll.u32 s8, $0xF  }
0xc: {  	s9 =	simm.s32 $0x2000;
	s10 =	simm.s32 $0x4000;
	vm1 =	vmor vm1, vm2;
	vm2 =	vcmask $0x3730;
	vm0 =	vmor vm0, vm3;
	s4 =	sor.u32 s4, s8  }
0xd: {  	vm3 =	vcmask $0xF00;
	vm1 =	vmor vm1, vm2;
	vm2 =	vcmask $0x2F20;
	s8 =	simm.s32 $0x3;
	s31 =	sshrl.u32 s4, $0x3;
	s4 =	simm.s32 $0x1  }
0xe: {  	v3 =	vmul.u32 $0x80, v2;
	vm2 =	vmor vm3, vm2;
	vm3 =	vmmov $0xff;
	s5 =	sadd.s32 s6, s31;
	s6 =	sadd.s32 s7, s30;
	s7 =	smax.u32 s29, $0x1  }
.LBB2_1:
0xf: {  	[tilespmem:s3], [sflag:$0x3] =	stream.linear.gather [hbm4b:s1+s3], $0x1, $0x38;
	[tilespmem:$0xC080] =	vst v63  }
0x10: {  	_ =	swait.ge [sflag:s8], $0x1  }
0x11: {  	[sflag:s8] =	ssyncset.done $0x0  }
0x12: {  	[sflag:s8] =	ssyncadd.s32 $0xFFFFFFFF  }
0x13: {  	[tilespmem:s11], [sflag:$0x3] =	stream.strided.gather [hbm4b:s5+s9], $0x4000, s10, s9, $0x38;
	[tilespmem:$0xC080] =	vst v63  }
0x14: {  	_ =	swait.ge [sflag:s8], $0x4000  }
0x15: {  	[sflag:s8] =	ssyncset.done $0x0  }
0x16: {  	s17 =	simm.s32 $0x4180;
	[sflag:s8] =	ssyncadd.s32 $0xFFFFC000  }
0x17: {  	v4 =	vld [tilespmem:$0x0];
	[tilespmem:s17+$0xFFFFFF80] =	vst v1  }
0x18: {  	[tilespmem:s17+$0x0] =	vst v1  }
0x19: {  	[tilespmem:s17+$0x80] =	vst v1  }
0x1a: {  	s16 =	simm.s32 $0x8180;
	[tilespmem:s17+$0xFFFFFF00] =	vst v1  }
0x1b: {  	[tilespmem:s16+$0xFFFFFF80] =	vst v1  }
0x1c: {  	[tilespmem:s16+$0x0] =	vst v1  }
0x1d: {  	[tilespmem:s16+$0x80] =	vst v1  }
0x1e: {  	[tilespmem:s16+$0xFFFFFF00] =	vst v1  }
0x1f: {  	[tilespmem:s17+$0xFFFFFF90] =	vst v1  }
0x20: {  	[tilespmem:s17+$0x10] =	vst v1  }
0x21: {  	[tilespmem:s17+$0x90] =	vst v1  }
0x22: {  	[tilespmem:s17+$0xFFFFFF10] =	vst v1  }
0x23: {  	[tilespmem:s16+$0xFFFFFF90] =	vst v1  }
0x24: {  	[tilespmem:s16+$0x10] =	vst v1  }
0x25: {  	[tilespmem:s16+$0x90] =	vst v1  }
0x26: {  	[tilespmem:s16+$0xFFFFFF10] =	vst v1  }
0x27: {  	[tilespmem:s17+$0xFFFFFFA0] =	vst v1  }
0x28: {  	[tilespmem:s17+$0x20] =	vst v1  }
0x29: {  	[tilespmem:s17+$0xA0] =	vst v1  }
0x2a: {  	[tilespmem:s17+$0xFFFFFF20] =	vst v1  }
0x2b: {  	[tilespmem:s16+$0xFFFFFFA0] =	vst v1  }
0x2c: {  	[tilespmem:s16+$0x20] =	vst v1  }
0x2d: {  	[tilespmem:s16+$0xA0] =	vst v1  }
0x2e: {  	[tilespmem:s16+$0xFFFFFF20] =	vst v1  }
0x2f: {  	[tilespmem:s17+$0xFFFFFFB0] =	vst v1  }
0x30: {  	[tilespmem:s17+$0x30] =	vst v1  }
0x31: {  	[tilespmem:s17+$0xB0] =	vst v1  }
0x32: {  	[tilespmem:s17+$0xFFFFFF30] =	vst v1  }
0x33: {  	[tilespmem:s16+$0xFFFFFFB0] =	vst v1  }
0x34: {  	[tilespmem:s16+$0x30] =	vst v1  }
0x35: {  	[tilespmem:s16+$0xB0] =	vst v1  }
0x36: {  	[tilespmem:s16+$0xFFFFFF30] =	vst v1  }
0x37: {  	[tilespmem:s17+$0xFFFFFFC0] =	vst v1  }
0x38: {  	[tilespmem:s17+$0x40] =	vst v1  }
0x39: {  	[tilespmem:s17+$0xC0] =	vst v1  }
0x3a: {  	[tilespmem:s17+$0xFFFFFF40] =	vst v1  }
0x3b: {  	[tilespmem:s16+$0xFFFFFFC0] =	vst v1  }
0x3c: {  	[tilespmem:s16+$0x40] =	vst v1  }
0x3d: {  	[tilespmem:s16+$0xC0] =	vst v1  }
0x3e: {  	[tilespmem:s16+$0xFFFFFF40] =	vst v1  }
0x3f: {  	[tilespmem:s17+$0xFFFFFFD0] =	vst v1  }
0x40: {  	[tilespmem:s17+$0x50] =	vst v1  }
0x41: {  	[tilespmem:s17+$0xD0] =	vst v1  }
0x42: {  	[tilespmem:s17+$0xFFFFFF50] =	vst v1  }
0x43: {  	[tilespmem:s16+$0xFFFFFFD0] =	vst v1  }
0x44: {  	[tilespmem:s16+$0x50] =	vst v1  }
0x45: {  	[tilespmem:s16+$0xD0] =	vst v1  }
0x46: {  	[tilespmem:s16+$0xFFFFFF50] =	vst v1  }
0x47: {  	[tilespmem:s17+$0xFFFFFFE0] =	vst v1  }
0x48: {  	[tilespmem:s17+$0x60] =	vst v1  }
0x49: {  	[tilespmem:s17+$0xE0] =	vst v1  }
0x4a: {  	[tilespmem:s17+$0xFFFFFF60] =	vst v1  }
0x4b: {  	[tilespmem:s16+$0xFFFFFFE0] =	vst v1  }
0x4c: {  	[tilespmem:s16+$0x60] =	vst v1  }
0x4d: {  	[tilespmem:s16+$0xE0] =	vst v1  }
0x4e: {  	[tilespmem:s16+$0xFFFFFF60] =	vst v1  }
0x4f: {  	[tilespmem:s17+$0xFFFFFFF0] =	vst v1  }
0x50: {  	[tilespmem:s17+$0x70] =	vst v1  }
0x51: {  	[tilespmem:s17+$0xF0] =	vst v1  }
0x52: {  	[tilespmem:s17+$0xFFFFFF70] =	vst v1  }
0x53: {  	[tilespmem:s16+$0xFFFFFFF0] =	vst v1  }
0x54: {  	[tilespmem:s16+$0x70] =	vst v1  }
0x55: {  	[tilespmem:s16+$0xF0] =	vst v1  }
0x56: {  	s18 =	simm.s32 $0x4380;
	v4 =	vperm.xlane v4, v0;
	s17 =	simm.s32 $0x0;
	[tilespmem:s16+$0xFFFFFF70] =	vst v1  }
.LBB2_2:
0x57: {  	[tilespmem:s18+$0xFFFFFF80] =	vst v1;
	s16 =	sadd.s32 $0x200, s16  }
0x58: {  	[tilespmem:s16+$0xFFFFFF80] =	vst v1  }
0x59: {  	[tilespmem:s18+$0xFFFFFF90] =	vst v1  }
0x5a: {  	[tilespmem:s16+$0xFFFFFF90] =	vst v1  }
0x5b: {  	[tilespmem:s18+$0xFFFFFFA0] =	vst v1  }
0x5c: {  	[tilespmem:s16+$0xFFFFFFA0] =	vst v1  }
0x5d: {  	[tilespmem:s18+$0xFFFFFFB0] =	vst v1  }
0x5e: {  	[tilespmem:s16+$0xFFFFFFB0] =	vst v1  }
0x5f: {  	[tilespmem:s18+$0xFFFFFFC0] =	vst v1  }
0x60: {  	[tilespmem:s16+$0xFFFFFFC0] =	vst v1  }
0x61: {  	[tilespmem:s18+$0xFFFFFFD0] =	vst v1  }
0x62: {  	[tilespmem:s16+$0xFFFFFFD0] =	vst v1  }
0x63: {  	[tilespmem:s18+$0xFFFFFFE0] =	vst v1  }
0x64: {  	[tilespmem:s16+$0xFFFFFFE0] =	vst v1  }
0x65: {  	[tilespmem:s18+$0xFFFFFFF0] =	vst v1  }
0x66: {  	[tilespmem:s16+$0xFFFFFFF0] =	vst v1  }
0x67: {  	[tilespmem:s18+$0x0] =	vst v1  }
0x68: {  	[tilespmem:s16+$0x0] =	vst v1  }
0x69: {  	[tilespmem:s18+$0x10] =	vst v1  }
0x6a: {  	[tilespmem:s16+$0x10] =	vst v1  }
0x6b: {  	[tilespmem:s18+$0x20] =	vst v1  }
0x6c: {  	[tilespmem:s16+$0x20] =	vst v1  }
0x6d: {  	[tilespmem:s18+$0x30] =	vst v1  }
0x6e: {  	[tilespmem:s16+$0x30] =	vst v1  }
0x6f: {  	[tilespmem:s18+$0x40] =	vst v1  }
0x70: {  	[tilespmem:s16+$0x40] =	vst v1  }
0x71: {  	[tilespmem:s18+$0x50] =	vst v1  }
0x72: {  	[tilespmem:s16+$0x50] =	vst v1  }
0x73: {  	[tilespmem:s18+$0x60] =	vst v1  }
0x74: {  	[tilespmem:s16+$0x60] =	vst v1  }
0x75: {  	[tilespmem:s18+$0x70] =	vst v1  }
0x76: {  	[tilespmem:s16+$0x70] =	vst v1  }
0x77: {  	[tilespmem:s18+$0x80] =	vst v1  }
0x78: {  	[tilespmem:s16+$0x80] =	vst v1  }
0x79: {  	[tilespmem:s18+$0x90] =	vst v1  }
0x7a: {  	[tilespmem:s16+$0x90] =	vst v1  }
0x7b: {  	[tilespmem:s18+$0xA0] =	vst v1  }
0x7c: {  	[tilespmem:s16+$0xA0] =	vst v1  }
0x7d: {  	[tilespmem:s18+$0xB0] =	vst v1  }
0x7e: {  	[tilespmem:s16+$0xB0] =	vst v1  }
0x7f: {  	[tilespmem:s18+$0xC0] =	vst v1  }
0x80: {  	[tilespmem:s16+$0xC0] =	vst v1  }
0x81: {  	[tilespmem:s18+$0xD0] =	vst v1  }
0x82: {  	[tilespmem:s16+$0xD0] =	vst v1  }
0x83: {  	[tilespmem:s18+$0xE0] =	vst v1  }
0x84: {  	[tilespmem:s16+$0xE0] =	vst v1  }
0x85: {  	[tilespmem:s18+$0xF0] =	vst v1  }
0x86: {  	[tilespmem:s16+$0xF0] =	vst v1  }
0x87: {  	[tilespmem:s18+$0xFFFFFF00] =	vst v1  }
0x88: {  	[tilespmem:s16+$0xFFFFFF00] =	vst v1  }
0x89: {  	[tilespmem:s18+$0xFFFFFF10] =	vst v1  }
0x8a: {  	[tilespmem:s16+$0xFFFFFF10] =	vst v1  }
0x8b: {  	[tilespmem:s18+$0xFFFFFF20] =	vst v1  }
0x8c: {  	[tilespmem:s16+$0xFFFFFF20] =	vst v1  }
0x8d: {  	[tilespmem:s18+$0xFFFFFF30] =	vst v1  }
0x8e: {  	[tilespmem:s16+$0xFFFFFF30] =	vst v1  }
0x8f: {  	[tilespmem:s18+$0xFFFFFF40] =	vst v1  }
0x90: {  	s17 =	sadd.s32 $0x4, s17;
	[tilespmem:s16+$0xFFFFFF40] =	vst v1  }
0x91: {  	p0 =	slt.u32 s17, $0x7C;
	[tilespmem:s18+$0xFFFFFF50] =	vst v1  }
.Ltmp0:
0x92: {  	[tilespmem:s16+$0xFFFFFF50] =	vst v1;
	(pc) =	sbr.rel @p0 .LBB2_2-.Ltmp0, $4  }
0x93: {  	[tilespmem:s18+$0xFFFFFF60] =	vst v1  }
0x94: {  	[tilespmem:s16+$0xFFFFFF60] =	vst v1  }
0x95: {  	[tilespmem:s18+$0xFFFFFF70] =	vst v1  }
0x96: {  	s18 =	sadd.s32 $0x200, s18;
	[tilespmem:s16+$0xFFFFFF70] =	vst v1  }
0x97: {  	v5 =	vmul.f32 v4, v4;
	_ =	sdelay $0x1  }
0x98: {  	v4 =	vsel vm0, $0x3F800000, v4;
	v6 =	vmul.f32 v5, v5;
	v5 =	vsel vm1, $0x3F800000, v5  }
0x99: {  	v4 =	vmul.f32 v5, v4  }
0x9a: {  	v5 =	vmul.f32 v6, v6;
	v6 =	vsel vm2, $0x3F800000, v6  }
0x9b: {  	v4 =	vmul.f32 v6, v4  }
0x9c: {  	v5 =	vsel vm3, $0x3F800000, v5  }
0x9d: {  	v4 =	vmul.f32 v5, v4;
	_ =	sdelay $0x1  }
0x9e: {  	s16 =	simm.s32 $0x0;
	v5 =	vperm.xlane v4, v0  }
.LBB2_4:
0x9f: {  	p0 =	seq.s32 s16, $0x0  }
.Ltmp1:
0xa0: {  	_ = 	snop;
	(pc) =	sbr.rel @p0 .LBB2_7-.Ltmp1, $2  }
0xa1: {  	_ =	sdelay $0x2  }
0xa2: {  	s17 =	simm.s32 $0x0  }
0xa3: {  	_ =	swait.ge [sflag:s4], $0x4000  }
0xa4: {  	s17 =	sshll.u32 s16, $0x8;
	s19 =	simm.s32 $0x0;
	[sflag:s4] =	ssyncset.done $0x0  }
0xa5: {  	p1 =	por $0x1, $0x1;
	s18 =	sadd.s32 $0xFFFFFF00, s17;
	[sflag:s4] =	ssyncadd.s32 $0xFFFFC000  }
.LBB2_6:
0xa6: {  	s20 =	sshll.u32 s19, $0x4  }
0xa7: {  	s21 =	sor.u32 $0x1, s19;
	s22 =	sor.u32 $0x2, s19;
	s25 =	sor.u32 $0x3, s19  }
0xa8: {  	s20 =	sor.u32 s18, s20;
	s23 =	sshll.u32 s21, $0x4;
	s24 =	sshll.u32 s22, $0x4  }
0xa9: {  	s31 =	sshll.u32 s25, $0x4;
	v6 =	vmov s20;
	v7 =	vor.u32 s20, v2;
	s29 =	sor.u32 s18, s23;
	s30 =	sor.u32 s18, s24  }
0xaa: {  	s26 =	sor.u32 s18, s31;
	v8 =	vmov s29;
	v9 =	vor.u32 s29, v2;
	v10 =	vmov s30  }
0xab: {  	v11 =	vor.u32 s30, v2;
	v12 =	vmov s26;
	v13 =	vor.u32 s26, v2  }
0xac: {  	v7 =	vand.u32 $0x4F, v7;
	v6 =	vshll.u32 v6, $0x3;
	v8 =	vshll.u32 v8, $0x3  }
0xad: {  	v6 =	vand.u32 $0xFFFFF800, v6;
	v9 =	vand.u32 $0x7F, v9;
	v39 =	vand.u32 $0x7F, v11  }
0xae: {  	v14 =	vand.u32 $0xFFFFFC00, v8;
	v8 =	vor.u32 v7, v6;
	v7 =	vshll.u32 v10, $0x3  }
0xaf: {  	v40 =	vshll.u32 v12, $0x3;
	v6 =	vor.u32 v9, v14;
	v7 =	vand.u32 $0xFFFFFC00, v7  }
0xb0: {  	v41 =	vand.u32 $0xFFFFFC00, v40;
	v10 =	vor.u32 v39, v7;
	v7 =	vand.u32 $0x7F, v13  }
0xb1: {  	v11 =	vor.u32 v7, v41;
	_ =	sdelay $0x1  }
0xb2: {  	v42 =	vld.idx.msk [tilespmem:v8+s11+$0x0], $0xffff  }
0xb3: {  	v43 =	vld.idx.msk [tilespmem:v6+s11+$0x0], $0xffff  }
0xb4: {  	v44 =	vld.idx.msk [tilespmem:v10+s11+$0x0], $0xffff  }
0xb5: {  	s28 =	sshll.u32 s19, $0xB;
	v45 =	vld.idx.msk [tilespmem:v11+s11+$0x0], $0xffff  }
0xb6: {  	s29 =	sshll.u32 s21, $0xB;
	v7 =	vor.u32 s28, v3  }
0xb7: {  	s30 =	sshll.u32 s22, $0xB;
	v9 =	vor.u32 s29, v3;
	v15 =	vadd.s32 v7, v42  }
0xb8: {  	s31 =	sshll.u32 s25, $0xB;
	v12 =	vor.u32 s30, v3;
	v16 =	vor.u32 $0x80, v8;
	v17 =	vadd.s32 v9, v43  }
0xb9: {  	v18 =	vor.u32 $0x80, v6;
	v13 =	vor.u32 s31, v3;
	v19 =	vadd.s32 v12, v44  }
0xba: {  	v20 =	vor.u32 $0x80, v10;
	v14 =	vadd.s32 v13, v45  }
0xbb: {  	v21 =	vor.u32 $0x80, v11  }
0xbc: {  	[tilespmem:v15+s12+$0x0] =	vst.idx.msk $0xffff, v1  }
0xbd: {  	v15 =	vld.idx.msk [tilespmem:v16+s11+$0x0], $0xffff;
	[tilespmem:v17+s12+$0x0] =	vst.idx.msk $0xffff, v1  }
0xbe: {  	v46 =	vld.idx.msk [tilespmem:v18+s11+$0x0], $0xffff;
	[tilespmem:v19+s12+$0x0] =	vst.idx.msk $0xffff, v1  }
0xbf: {  	v47 =	vld.idx.msk [tilespmem:v20+s11+$0x0], $0xffff;
	[tilespmem:v14+s12+$0x0] =	vst.idx.msk $0xffff, v1  }
0xc0: {  	v14 =	vld.idx.msk [tilespmem:v21+s11+$0x0], $0xffff;
	_ =	sdelay $0x1  }
0xc1: {  	v15 =	vadd.s32 v7, v15  }
0xc2: {  	v48 =	vor.u32 $0x100, v8;
	v16 =	vadd.s32 v9, v46  }
0xc3: {  	v49 =	vor.u32 $0x100, v6;
	v17 =	vadd.s32 v12, v47  }
0xc4: {  	v50 =	vor.u32 $0x100, v10;
	v14 =	vadd.s32 v13, v14  }
0xc5: {  	v51 =	vor.u32 $0x100, v11  }
0xc6: {  	[tilespmem:v15+s12+$0x0] =	vst.idx.msk $0xffff, v1  }
0xc7: {  	v15 =	vld.idx.msk [tilespmem:v48+s11+$0x0], $0xffff;
	[tilespmem:v16+s12+$0x0] =	vst.idx.msk $0xffff, v1  }
0xc8: {  	v16 =	vld.idx.msk [tilespmem:v49+s11+$0x0], $0xffff;
	[tilespmem:v17+s12+$0x0] =	vst.idx.msk $0xffff, v1  }
0xc9: {  	v17 =	vld.idx.msk [tilespmem:v50+s11+$0x0], $0xffff;
	[tilespmem:v14+s12+$0x0] =	vst.idx.msk $0xffff, v1  }
0xca: {  	v14 =	vld.idx.msk [tilespmem:v51+s11+$0x0], $0xffff;
	_ =	sdelay $0x1  }
0xcb: {  	v15 =	vadd.s32 v7, v15  }
0xcc: {  	v52 =	vor.u32 $0x180, v8;
	v16 =	vadd.s32 v9, v16  }
0xcd: {  	v53 =	vor.u32 $0x180, v6;
	v17 =	vadd.s32 v12, v17  }
0xce: {  	v54 =	vor.u32 $0x180, v10;
	v14 =	vadd.s32 v13, v14  }
0xcf: {  	v55 =	vor.u32 $0x180, v11  }
0xd0: {  	[tilespmem:v15+s12+$0x0] =	vst.idx.msk $0xffff, v1  }
0xd1: {  	v15 =	vld.idx.msk [tilespmem:v52+s11+$0x0], $0xffff;
	[tilespmem:v16+s12+$0x0] =	vst.idx.msk $0xffff, v1  }
0xd2: {  	v16 =	vld.idx.msk [tilespmem:v53+s11+$0x0], $0xffff;
	[tilespmem:v17+s12+$0x0] =	vst.idx.msk $0xffff, v1  }
0xd3: {  	v17 =	vld.idx.msk [tilespmem:v54+s11+$0x0], $0xffff;
	[tilespmem:v14+s12+$0x0] =	vst.idx.msk $0xffff, v1  }
0xd4: {  	v14 =	vld.idx.msk [tilespmem:v55+s11+$0x0], $0xffff;
	_ =	sdelay $0x1  }
0xd5: {  	v15 =	vadd.s32 v7, v15  }
0xd6: {  	v56 =	vor.u32 $0x200, v8;
	v16 =	vadd.s32 v9, v16  }
0xd7: {  	v57 =	vor.u32 $0x200, v6;
	v17 =	vadd.s32 v12, v17  }
0xd8: {  	v58 =	vor.u32 $0x200, v10;
	v14 =	vadd.s32 v13, v14  }
0xd9: {  	v59 =	vor.u32 $0x200, v11  }
0xda: {  	[tilespmem:v15+s12+$0x0] =	vst.idx.msk $0xffff, v1  }
0xdb: {  	v15 =	vld.idx.msk [tilespmem:v56+s11+$0x0], $0xffff;
	[tilespmem:v16+s12+$0x0] =	vst.idx.msk $0xffff, v1  }
0xdc: {  	v16 =	vld.idx.msk [tilespmem:v57+s11+$0x0], $0xffff;
	[tilespmem:v17+s12+$0x0] =	vst.idx.msk $0xffff, v1  }
0xdd: {  	v17 =	vld.idx.msk [tilespmem:v58+s11+$0x0], $0xffff;
	[tilespmem:v14+s12+$0x0] =	vst.idx.msk $0xffff, v1  }
0xde: {  	v14 =	vld.idx.msk [tilespmem:v59+s11+$0x0], $0xffff;
	_ =	sdelay $0x1  }
0xdf: {  	v15 =	vadd.s32 v7, v15  }
0xe0: {  	v60 =	vor.u32 $0x280, v8;
	v16 =	vadd.s32 v9, v16  }
0xe1: {  	v61 =	vor.u32 $0x280, v6;
	v17 =	vadd.s32 v12, v17  }
0xe2: {  	v62 =	vor.u32 $0x280, v10;
	v14 =	vadd.s32 v13, v14  }
0xe3: {  	v63 =	vor.u32 $0x280, v11  }
0xe4: {  	[tilespmem:v15+s12+$0x0] =	vst.idx.msk $0xffff, v1  }
0xe5: {  	v15 =	vld.idx.msk [tilespmem:v60+s11+$0x0], $0xffff;
	[tilespmem:v16+s12+$0x0] =	vst.idx.msk $0xffff, v1  }
0xe6: {  	v16 =	vld.idx.msk [tilespmem:v61+s11+$0x0], $0xffff;
	[tilespmem:v17+s12+$0x0] =	vst.idx.msk $0xffff, v1  }
0xe7: {  	v17 =	vld.idx.msk [tilespmem:v62+s11+$0x0], $0xffff;
	[tilespmem:v14+s12+$0x0] =	vst.idx.msk $0xffff, v1  }
0xe8: {  	v14 =	vld.idx.msk [tilespmem:v63+s11+$0x0], $0xffff;
	_ =	sdelay $0x1  }
0xe9: {  	v15 =	vadd.s32 v7, v15  }
0xea: {  	v24 =	vor.u32 $0x300, v8;
	v16 =	vadd.s32 v9, v16  }
0xeb: {  	v25 =	vor.u32 $0x300, v6;
	v17 =	vadd.s32 v12, v17  }
0xec: {  	v26 =	vor.u32 $0x300, v10;
	v14 =	vadd.s32 v13, v14  }
0xed: {  	v27 =	vor.u32 $0x300, v11  }
0xee: {  	[tilespmem:v15+s12+$0x0] =	vst.idx.msk $0xffff, v1  }
0xef: {  	v15 =	vld.idx.msk [tilespmem:v24+s11+$0x0], $0xffff;
	[tilespmem:v16+s12+$0x0] =	vst.idx.msk $0xffff, v1  }
0xf0: {  	v16 =	vld.idx.msk [tilespmem:v25+s11+$0x0], $0xffff;
	[tilespmem:v17+s12+$0x0] =	vst.idx.msk $0xffff, v1  }
0xf1: {  	v17 =	vld.idx.msk [tilespmem:v26+s11+$0x0], $0xffff;
	[tilespmem:v14+s12+$0x0] =	vst.idx.msk $0xffff, v1  }
0xf2: {  	v14 =	vld.idx.msk [tilespmem:v27+s11+$0x0], $0xffff;
	_ =	sdelay $0x1  }
0xf3: {  	v15 =	vadd.s32 v7, v15  }
0xf4: {  	v28 =	vor.u32 $0x380, v8;
	v16 =	vadd.s32 v9, v16  }
0xf5: {  	v29 =	vor.u32 $0x380, v6;
	v17 =	vadd.s32 v12, v17  }
0xf6: {  	v30 =	vor.u32 $0x380, v10;
	v14 =	vadd.s32 v13, v14  }
0xf7: {  	v31 =	vor.u32 $0x380, v11  }
0xf8: {  	[tilespmem:v15+s12+$0x0] =	vst.idx.msk $0xffff, v1  }
0xf9: {  	v15 =	vld.idx.msk [tilespmem:v28+s11+$0x0], $0xffff;
	[tilespmem:v16+s12+$0x0] =	vst.idx.msk $0xffff, v1  }
0xfa: {  	v16 =	vld.idx.msk [tilespmem:v29+s11+$0x0], $0xffff;
	[tilespmem:v17+s12+$0x0] =	vst.idx.msk $0xffff, v1  }
0xfb: {  	v17 =	vld.idx.msk [tilespmem:v30+s11+$0x0], $0xffff;
	[tilespmem:v14+s12+$0x0] =	vst.idx.msk $0xffff, v1  }
0xfc: {  	v14 =	vld.idx.msk [tilespmem:v31+s11+$0x0], $0xffff;
	_ =	sdelay $0x1  }
0xfd: {  	v15 =	vadd.s32 v7, v15  }
0xfe: {  	v32 =	vadd.s32 $0x2000, v8;
	v16 =	vadd.s32 v9, v16  }
0xff: {  	v33 =	vadd.s32 $0x2000, v6;
	v17 =	vadd.s32 v12, v17  }
0x100: {  	v34 =	vadd.s32 $0x2000, v10;
	v14 =	vadd.s32 v13, v14  }
0x101: {  	v35 =	vadd.s32 $0x2000, v11  }
0x102: {  	[tilespmem:v15+s12+$0x0] =	vst.idx.msk $0xffff, v1  }
0x103: {  	v15 =	vld.idx.msk [tilespmem:v32+s11+$0x0], $0xffff;
	[tilespmem:v16+s12+$0x0] =	vst.idx.msk $0xffff, v1  }
0x104: {  	v16 =	vld.idx.msk [tilespmem:v33+s11+$0x0], $0xffff;
	[tilespmem:v17+s12+$0x0] =	vst.idx.msk $0xffff, v1  }
0x105: {  	v17 =	vld.idx.msk [tilespmem:v34+s11+$0x0], $0xffff;
	[tilespmem:v14+s12+$0x0] =	vst.idx.msk $0xffff, v1  }
0x106: {  	v14 =	vld.idx.msk [tilespmem:v35+s11+$0x0], $0xffff;
	_ =	sdelay $0x1  }
0x107: {  	v15 =	vadd.s32 v7, v15  }
0x108: {  	v36 =	vadd.s32 $0x2080, v8;
	v16 =	vadd.s32 v9, v16  }
0x109: {  	v37 =	vadd.s32 $0x2080, v6;
	v17 =	vadd.s32 v12, v17  }
0x10a: {  	v38 =	vadd.s32 $0x2080, v10;
	v14 =	vadd.s32 v13, v14  }
0x10b: {  	v39 =	vadd.s32 $0x2080, v11  }
0x10c: {  	[tilespmem:v15+s12+$0x0] =	vst.idx.msk $0xffff, v1  }
0x10d: {  	v15 =	vld.idx.msk [tilespmem:v36+s11+$0x0], $0xffff;
	[tilespmem:v16+s12+$0x0] =	vst.idx.msk $0xffff, v1  }
0x10e: {  	v16 =	vld.idx.msk [tilespmem:v37+s11+$0x0], $0xffff;
	[tilespmem:v17+s12+$0x0] =	vst.idx.msk $0xffff, v1  }
0x10f: {  	v17 =	vld.idx.msk [tilespmem:v38+s11+$0x0], $0xffff;
	[tilespmem:v14+s12+$0x0] =	vst.idx.msk $0xffff, v1  }
0x110: {  	v14 =	vld.idx.msk [tilespmem:v39+s11+$0x0], $0xffff;
	_ =	sdelay $0x1  }
0x111: {  	v15 =	vadd.s32 v7, v15  }
0x112: {  	v40 =	vadd.s32 $0x2100, v8;
	v16 =	vadd.s32 v9, v16  }
0x113: {  	v41 =	vadd.s32 $0x2100, v6;
	v17 =	vadd.s32 v12, v17  }
0x114: {  	v42 =	vadd.s32 $0x2100, v10;
	v14 =	vadd.s32 v13, v14  }
0x115: {  	v43 =	vadd.s32 $0x2100, v11  }
0x116: {  	[tilespmem:v15+s12+$0x0] =	vst.idx.msk $0xffff, v1  }
0x117: {  	v15 =	vld.idx.msk [tilespmem:v40+s11+$0x0], $0xffff;
	[tilespmem:v16+s12+$0x0] =	vst.idx.msk $0xffff, v1  }
0x118: {  	v16 =	vld.idx.msk [tilespmem:v41+s11+$0x0], $0xffff;
	[tilespmem:v17+s12+$0x0] =	vst.idx.msk $0xffff, v1  }
0x119: {  	v17 =	vld.idx.msk [tilespmem:v42+s11+$0x0], $0xffff;
	[tilespmem:v14+s12+$0x0] =	vst.idx.msk $0xffff, v1  }
0x11a: {  	v14 =	vld.idx.msk [tilespmem:v43+s11+$0x0], $0xffff;
	_ =	sdelay $0x1  }
0x11b: {  	v15 =	vadd.s32 v7, v15  }
0x11c: {  	v44 =	vadd.s32 $0x2180, v8;
	v16 =	vadd.s32 v9, v16  }
0x11d: {  	v45 =	vadd.s32 $0x2180, v6;
	v17 =	vadd.s32 v12, v17  }
0x11e: {  	v46 =	vadd.s32 $0x2180, v10;
	v14 =	vadd.s32 v13, v14  }
0x11f: {  	v47 =	vadd.s32 $0x2180, v11  }
0x120: {  	[tilespmem:v15+s12+$0x0] =	vst.idx.msk $0xffff, v1  }
0x121: {  	v15 =	vld.idx.msk [tilespmem:v44+s11+$0x0], $0xffff;
	[tilespmem:v16+s12+$0x0] =	vst.idx.msk $0xffff, v1  }
0x122: {  	v16 =	vld.idx.msk [tilespmem:v45+s11+$0x0], $0xffff;
	[tilespmem:v17+s12+$0x0] =	vst.idx.msk $0xffff, v1  }
0x123: {  	v17 =	vld.idx.msk [tilespmem:v46+s11+$0x0], $0xffff;
	[tilespmem:v14+s12+$0x0] =	vst.idx.msk $0xffff, v1  }
0x124: {  	v14 =	vld.idx.msk [tilespmem:v47+s11+$0x0], $0xffff;
	_ =	sdelay $0x1  }
0x125: {  	v15 =	vadd.s32 v7, v15  }
0x126: {  	v48 =	vadd.s32 $0x2200, v8;
	v16 =	vadd.s32 v9, v16  }
0x127: {  	v49 =	vadd.s32 $0x2200, v6;
	v17 =	vadd.s32 v12, v17  }
0x128: {  	v50 =	vadd.s32 $0x2200, v10;
	v14 =	vadd.s32 v13, v14  }
0x129: {  	v51 =	vadd.s32 $0x2200, v11  }
0x12a: {  	[tilespmem:v15+s12+$0x0] =	vst.idx.msk $0xffff, v1  }
0x12b: {  	v15 =	vld.idx.msk [tilespmem:v48+s11+$0x0], $0xffff;
	[tilespmem:v16+s12+$0x0] =	vst.idx.msk $0xffff, v1  }
0x12c: {  	v16 =	vld.idx.msk [tilespmem:v49+s11+$0x0], $0xffff;
	[tilespmem:v17+s12+$0x0] =	vst.idx.msk $0xffff, v1  }
0x12d: {  	v17 =	vld.idx.msk [tilespmem:v50+s11+$0x0], $0xffff;
	[tilespmem:v14+s12+$0x0] =	vst.idx.msk $0xffff, v1  }
0x12e: {  	v14 =	vld.idx.msk [tilespmem:v51+s11+$0x0], $0xffff;
	_ =	sdelay $0x1  }
0x12f: {  	v15 =	vadd.s32 v7, v15  }
0x130: {  	v52 =	vadd.s32 $0x2280, v8;
	v16 =	vadd.s32 v9, v16  }
0x131: {  	v53 =	vadd.s32 $0x2280, v6;
	v17 =	vadd.s32 v12, v17  }
0x132: {  	v54 =	vadd.s32 $0x2280, v10;
	v14 =	vadd.s32 v13, v14  }
0x133: {  	v55 =	vadd.s32 $0x2280, v11  }
0x134: {  	[tilespmem:v15+s12+$0x0] =	vst.idx.msk $0xffff, v1  }
0x135: {  	v15 =	vld.idx.msk [tilespmem:v52+s11+$0x0], $0xffff;
	[tilespmem:v16+s12+$0x0] =	vst.idx.msk $0xffff, v1  }
0x136: {  	v16 =	vld.idx.msk [tilespmem:v53+s11+$0x0], $0xffff;
	[tilespmem:v17+s12+$0x0] =	vst.idx.msk $0xffff, v1  }
0x137: {  	v17 =	vld.idx.msk [tilespmem:v54+s11+$0x0], $0xffff;
	[tilespmem:v14+s12+$0x0] =	vst.idx.msk $0xffff, v1  }
0x138: {  	v14 =	vld.idx.msk [tilespmem:v55+s11+$0x0], $0xffff;
	_ =	sdelay $0x1  }
0x139: {  	v15 =	vadd.s32 v7, v15  }
0x13a: {  	v56 =	vadd.s32 $0x2300, v8;
	v16 =	vadd.s32 v9, v16  }
0x13b: {  	v57 =	vadd.s32 $0x2300, v6;
	v17 =	vadd.s32 v12, v17  }
0x13c: {  	v58 =	vadd.s32 $0x2300, v10;
	v14 =	vadd.s32 v13, v14  }
0x13d: {  	v59 =	vadd.s32 $0x2300, v11  }
0x13e: {  	[tilespmem:v15+s12+$0x0] =	vst.idx.msk $0xffff, v1  }
0x13f: {  	[tilespmem:v16+s12+$0x0] =	vst.idx.msk $0xffff, v1;
	v15 =	vld.idx.msk [tilespmem:v56+s11+$0x0], $0xffff  }
0x140: {  	[tilespmem:v17+s12+$0x0] =	vst.idx.msk $0xffff, v1;
	v16 =	vld.idx.msk [tilespmem:v57+s11+$0x0], $0xffff  }
0x141: {  	[tilespmem:v14+s12+$0x0] =	vst.idx.msk $0xffff, v1;
	v60 =	vld.idx.msk [tilespmem:v58+s11+$0x0], $0xffff  }
0x142: {  	v61 =	vld.idx.msk [tilespmem:v59+s11+$0x0], $0xffff;
	_ =	sdelay $0x1  }
0x143: {  	v15 =	vadd.s32 v7, v15  }
0x144: {  	v8 =	vadd.s32 $0x2380, v8;
	v16 =	vadd.s32 v9, v16  }
0x145: {  	v6 =	vadd.s32 $0x2380, v6;
	v14 =	vadd.s32 v12, v60  }
0x146: {  	v10 =	vadd.s32 $0x2380, v10;
	v17 =	vadd.s32 v13, v61  }
0x147: {  	v11 =	vadd.s32 $0x2380, v11  }
0x148: {  	[tilespmem:v15+s12+$0x0] =	vst.idx.msk $0xffff, v1  }
0x149: {  	[tilespmem:v16+s12+$0x0] =	vst.idx.msk $0xffff, v1;
	v8 =	vld.idx.msk [tilespmem:v8+s11+$0x0], $0xffff  }
0x14a: {  	[tilespmem:v14+s12+$0x0] =	vst.idx.msk $0xffff, v1;
	v6 =	vld.idx.msk [tilespmem:v6+s11+$0x0], $0xffff  }
0x14b: {  	[tilespmem:v17+s12+$0x0] =	vst.idx.msk $0xffff, v1;
	v10 =	vld.idx.msk [tilespmem:v10+s11+$0x0], $0xffff  }
0x14c: {  	v11 =	vld.idx.msk [tilespmem:v11+s11+$0x0], $0xffff;
	_ =	sdelay $0x1  }
0x14d: {  	v7 =	vadd.s32 v7, v8  }
0x14e: {  	v6 =	vadd.s32 v9, v6  }
0x14f: {  	v62 =	vadd.s32 v12, v10  }
0x150: {  	p2 =	por p1, p1;
	v63 =	vadd.s32 v13, v11  }
.Ltmp2:
0x151: {  	_ = 	snop;
	(pc) =	sbr.rel @p2 .LBB2_6-.Ltmp2, $4  }
0x152: {  	[tilespmem:v7+s12+$0x0] =	vst.idx.msk $0xffff, v1  }
0x153: {  	[tilespmem:v6+s12+$0x0] =	vst.idx.msk $0xffff, v1  }
0x154: {  	[tilespmem:v62+s12+$0x0] =	vst.idx.msk $0xffff, v1  }
0x155: {  	s19 =	simm.s32 $0x4;
	p1 =	por $0x0, $0x0;
	[tilespmem:v63+s12+$0x0] =	vst.idx.msk $0xffff, v1  }
.LBB2_7:
0x156: {  	s18 =	sshll.u32 s16, $0x1;
	s19 =	simm.s32 $0x0;
	p1 =	por $0x1, $0x1  }
.LBB2_8:
0x157: {  	s20 =	sshll.u32 s19, $0x4  }
0x158: {  	s20 =	sor.u32 s17, s20  }
0x159: {  	s21 =	sor.u32 $0x1, s19;
	v6 =	vmov s20  }
0x15a: {  	s24 =	sshll.u32 s21, $0x4;
	v7 =	vor.u32 s20, v2;
	v14 =	vshll.u32 v6, $0x3  }
0x15b: {  	s22 =	sor.u32 $0x2, s19;
	s20 =	sor.u32 s17, s24;
	v16 =	vand.u32 $0x4F, v7;
	v6 =	vand.u32 $0x1800, v14  }
0x15c: {  	s23 =	sor.u32 $0x3, s19;
	s25 =	sshll.u32 s22, $0x4;
	v7 =	vmov s20;
	v6 =	vor.u32 v6, v16  }
0x15d: {  	s24 =	sshll.u32 s23, $0x4;
	v9 =	vor.u32 s20, v2;
	s20 =	sor.u32 s17, s25;
	v17 =	vshll.u32 v7, $0x3;
	v8 =	vor.u32 $0x2380, v6  }
0x15e: {  	s26 =	sor.u32 s17, s24;
	v20 =	vand.u32 $0x7F, v9;
	v47 =	vmov s20;
	v10 =	vor.u32 s20, v2  }
0x15f: {  	v48 =	vmov s26;
	v12 =	vor.u32 s26, v2;
	v7 =	vand.u32 $0x7FFFFC00, v17  }
0x160: {  	v15 =	vshll.u32 v47, $0x3;
	v19 =	vand.u32 $0x7F, v10;
	v7 =	vor.u32 v7, v20  }
0x161: {  	v18 =	vshll.u32 v48, $0x3;
	v9 =	vand.u32 $0x7FFFFC00, v15;
	v11 =	vadd.s32 $0x2380, v7  }
0x162: {  	v21 =	vand.u32 $0x7F, v12;
	v49 =	vand.u32 $0x7FFFFC00, v18;
	v13 =	vld.idx.msk [tilespmem:v8+s11+$0x0], $0xffff;
	v8 =	vor.u32 v9, v19  }
0x163: {  	v9 =	vor.u32 v49, v21;
	v22 =	vadd.s32 $0x2380, v8  }
0x164: {  	v50 =	vadd.s32 $0x2380, v9;
	_ =	sdelay $0x1  }
0x165: {  	v23 =	vld.idx.msk [tilespmem:v11+s11+$0x0], $0xffff  }
0x166: {  	s28 =	sshll.u32 s19, $0xB  }
0x167: {  	v10 =	vor.u32 s28, v3;
	v22 =	vld.idx.msk [tilespmem:v22+s11+$0x0], $0xffff  }
0x168: {  	s29 =	sshll.u32 s21, $0xB;
	v24 =	vadd.s32 v10, v13;
	v27 =	vld.idx.msk [tilespmem:v50+s11+$0x0], $0xffff  }
0x169: {  	v25 =	vor.u32 $0x2300, v6;
	v11 =	vor.u32 s29, v3  }
0x16a: {  	s30 =	sshll.u32 s22, $0xB;
	v26 =	vadd.s32 v11, v23  }
0x16b: {  	s31 =	sshll.u32 s23, $0xB;
	v12 =	vor.u32 s30, v3;
	v28 =	vadd.s32 $0x2300, v7;
	vm4 =	vne.s32 v13, $0x0  }
0x16c: {  	v13 =	vor.u32 s31, v3;
	v51 =	vnsel vm4, $0x0, v5;
	v52 =	vadd.s32 v12, v22  }
0x16d: {  	vm5 =	vne.s32 v23, $0x0;
	[tilespmem:v24+s12+$0x0] =	vst.idx.add.f32.msk $0xffff, v51;
	v54 =	vadd.s32 v13, v27  }
0x16e: {  	v29 =	vadd.s32 $0x2300, v8;
	v53 =	vnsel vm5, $0x0, v5;
	v24 =	vld.idx.msk [tilespmem:v25+s11+$0x0], $0xffff  }
0x16f: {  	v55 =	vadd.s32 $0x2300, v9;
	[tilespmem:v26+s12+$0x0] =	vst.idx.add.f32.msk $0xffff, v53;
	vm6 =	vne.s32 v22, $0x0  }
0x170: {  	vm7 =	vne.s32 v27, $0x0;
	v26 =	vld.idx.msk [tilespmem:v28+s11+$0x0], $0xffff;
	v56 =	vnsel vm6, $0x0, v5  }
0x171: {  	v59 =	vnsel vm7, $0x0, v5;
	[tilespmem:v52+s12+$0x0] =	vst.idx.add.f32.msk $0xffff, v56  }
0x172: {  	[tilespmem:v54+s12+$0x0] =	vst.idx.add.f32.msk $0xffff, v59  }
0x173: {  	v28 =	vld.idx.msk [tilespmem:v29+s11+$0x0], $0xffff  }
0x174: {  	v30 =	vadd.s32 v10, v24;
	v22 =	vld.idx.msk [tilespmem:v55+s11+$0x0], $0xffff  }
0x175: {  	v58 =	vor.u32 $0x2280, v6;
	v57 =	vsel vm4, $0x1, v0  }
0x176: {  	v63 =	vadd.s32 $0x2280, v7;
	v31 =	vperm.xlane v4, v57;
	v60 =	vadd.s32 v11, v26  }
0x177: {  	v32 =	vadd.s32 $0x2280, v8;
	v62 =	vsel vm5, $0x1, v0;
	vm4 =	vne.s32 v24, $0x0  }
0x178: {  	v35 =	vperm.xlane v4, v62;
	v61 =	vnsel vm4, $0x0, v31;
	v36 =	vadd.s32 v12, v28  }
0x179: {  	v37 =	vsel vm6, $0x1, v0;
	vm5 =	vne.s32 v26, $0x0;
	[tilespmem:v30+s12+$0x0] =	vst.idx.add.f32.msk $0xffff, v61;
	v39 =	vadd.s32 v13, v22  }
0x17a: {  	v40 =	vsel vm7, $0x1, v0;
	v38 =	vperm.xlane v4, v37;
	v25 =	vnsel vm5, $0x0, v35;
	v27 =	vld.idx.msk [tilespmem:v58+s11+$0x0], $0xffff  }
0x17b: {  	v33 =	vadd.s32 $0x2280, v9;
	v34 =	vperm.xlane v4, v40;
	[tilespmem:v60+s12+$0x0] =	vst.idx.add.f32.msk $0xffff, v25;
	vm9 =	vne.s32 v28, $0x0  }
0x17c: {  	v41 =	vsel vm4, $0x1, v0;
	vm4 =	vne.s32 v22, $0x0;
	v31 =	vld.idx.msk [tilespmem:v63+s11+$0x0], $0xffff;
	v24 =	vnsel vm9, $0x0, v38  }
0x17d: {  	v46 =	vnsel vm4, $0x0, v34;
	[tilespmem:v36+s12+$0x0] =	vst.idx.add.f32.msk $0xffff, v24  }
0x17e: {  	[tilespmem:v39+s12+$0x0] =	vst.idx.add.f32.msk $0xffff, v46  }
0x17f: {  	v45 =	vld.idx.msk [tilespmem:v32+s11+$0x0], $0xffff  }
0x180: {  	v44 =	vor.u32 $0x2200, v6;
	v51 =	vadd.s32 $0x2200, v7;
	v42 =	vadd.s32 v10, v27;
	v32 =	vld.idx.msk [tilespmem:v33+s11+$0x0], $0xffff  }
0x181: {  	v55 =	vadd.s32 $0x2200, v8;
	v43 =	vadd.s32 v57, v41;
	v48 =	vsel vm5, $0x1, v0  }
0x182: {  	v47 =	vperm.xlane v4, v43;
	v25 =	vadd.s32 v62, v48;
	v49 =	vadd.s32 v11, v31  }
0x183: {  	v52 =	vperm.xlane v4, v25;
	v53 =	vsel vm9, $0x1, v0;
	vm10 =	vne.s32 v27, $0x0  }
0x184: {  	v57 =	vsel vm4, $0x1, v0;
	v50 =	vnsel vm10, $0x0, v47;
	v54 =	vadd.s32 v12, v45  }
0x185: {  	v30 =	vadd.s32 v37, v53;
	vm5 =	vne.s32 v31, $0x0;
	[tilespmem:v42+s12+$0x0] =	vst.idx.add.f32.msk $0xffff, v50;
	v58 =	vadd.s32 v13, v32  }
0x186: {  	v59 =	vadd.s32 v40, v57;
	v56 =	vperm.xlane v4, v30;
	v26 =	vnsel vm5, $0x0, v52;
	v23 =	vld.idx.msk [tilespmem:v44+s11+$0x0], $0xffff  }
0x187: {  	v60 =	vadd.s32 $0x2200, v9;
	v28 =	vperm.xlane v4, v59;
	[tilespmem:v49+s12+$0x0] =	vst.idx.add.f32.msk $0xffff, v26;
	vm4 =	vne.s32 v45, $0x0  }
0x188: {  	vm11 =	vne.s32 v32, $0x0;
	v29 =	vld.idx.msk [tilespmem:v51+s11+$0x0], $0xffff;
	v26 =	vnsel vm4, $0x0, v56  }
0x189: {  	v28 =	vnsel vm11, $0x0, v28;
	[tilespmem:v54+s12+$0x0] =	vst.idx.add.f32.msk $0xffff, v26  }
0x18a: {  	[tilespmem:v58+s12+$0x0] =	vst.idx.add.f32.msk $0xffff, v28  }
0x18b: {  	v63 =	vor.u32 $0x2180, v6;
	v31 =	vld.idx.msk [tilespmem:v55+s11+$0x0], $0xffff  }
0x18c: {  	v39 =	vadd.s32 $0x2180, v7;
	v61 =	vsel vm10, $0x1, v0;
	v62 =	vadd.s32 v10, v23;
	v27 =	vld.idx.msk [tilespmem:v60+s11+$0x0], $0xffff  }
0x18d: {  	v22 =	vadd.s32 v61, v43;
	v37 =	vsel vm5, $0x1, v0;
	v43 =	vadd.s32 $0x2180, v8  }
0x18e: {  	v36 =	vperm.xlane v4, v22;
	v41 =	vsel vm4, $0x1, v0;
	v38 =	vadd.s32 v11, v29  }
0x18f: {  	v45 =	vsel vm11, $0x1, v0;
	vm12 =	vne.s32 v23, $0x0;
	v23 =	vadd.s32 v37, v25  }
0x190: {  	v32 =	vnsel vm12, $0x0, v36;
	v40 =	vperm.xlane v4, v23;
	v42 =	vadd.s32 v12, v31  }
0x191: {  	vm5 =	vne.s32 v29, $0x0;
	v29 =	vadd.s32 v41, v30;
	[tilespmem:v62+s12+$0x0] =	vst.idx.add.f32.msk $0xffff, v32;
	v46 =	vadd.s32 v13, v27  }
0x192: {  	v24 =	vadd.s32 v45, v59;
	v44 =	vperm.xlane v4, v29;
	v32 =	vnsel vm5, $0x0, v40;
	v26 =	vld.idx.msk [tilespmem:v63+s11+$0x0], $0xffff  }
0x193: {  	v47 =	vadd.s32 $0x2180, v9;
	[tilespmem:v38+s12+$0x0] =	vst.idx.add.f32.msk $0xffff, v32;
	vm4 =	vne.s32 v31, $0x0;
	v32 =	vperm.xlane v4, v24  }
0x194: {  	vm13 =	vne.s32 v27, $0x0;
	v25 =	vld.idx.msk [tilespmem:v39+s11+$0x0], $0xffff;
	v28 =	vnsel vm4, $0x0, v44  }
0x195: {  	v52 =	vnsel vm13, $0x0, v32;
	[tilespmem:v42+s12+$0x0] =	vst.idx.add.f32.msk $0xffff, v28  }
0x196: {  	[tilespmem:v46+s12+$0x0] =	vst.idx.add.f32.msk $0xffff, v52  }
0x197: {  	v50 =	vor.u32 $0x2100, v6;
	v51 =	vld.idx.msk [tilespmem:v43+s11+$0x0], $0xffff  }
0x198: {  	v56 =	vadd.s32 $0x2100, v7;
	v48 =	vsel vm12, $0x1, v0;
	v49 =	vadd.s32 v10, v26;
	v31 =	vld.idx.msk [tilespmem:v47+s11+$0x0], $0xffff  }
0x199: {  	v60 =	vadd.s32 $0x2100, v8;
	v22 =	vadd.s32 v48, v22;
	v54 =	vsel vm5, $0x1, v0  }
0x19a: {  	v53 =	vperm.xlane v4, v22;
	v23 =	vadd.s32 v54, v23;
	v55 =	vadd.s32 v11, v25  }
0x19b: {  	v57 =	vperm.xlane v4, v23;
	v58 =	vsel vm4, $0x1, v0;
	vm14 =	vne.s32 v26, $0x0  }
0x19c: {  	v62 =	vsel vm13, $0x1, v0;
	v32 =	vnsel vm14, $0x0, v53;
	v59 =	vadd.s32 v12, v51  }
0x19d: {  	vm5 =	vne.s32 v25, $0x0;
	v25 =	vadd.s32 v58, v29;
	[tilespmem:v49+s12+$0x0] =	vst.idx.add.f32.msk $0xffff, v32;
	v63 =	vadd.s32 v13, v31  }
0x19e: {  	v24 =	vadd.s32 v62, v24;
	v61 =	vperm.xlane v4, v25;
	v32 =	vnsel vm5, $0x0, v57;
	v27 =	vld.idx.msk [tilespmem:v50+s11+$0x0], $0xffff  }
0x19f: {  	v36 =	vadd.s32 $0x2100, v9;
	[tilespmem:v55+s12+$0x0] =	vst.idx.add.f32.msk $0xffff, v32;
	vm4 =	vne.s32 v51, $0x0;
	v32 =	vperm.xlane v4, v24  }
0x1a0: {  	vm15 =	vne.s32 v31, $0x0;
	v26 =	vld.idx.msk [tilespmem:v56+s11+$0x0], $0xffff;
	v30 =	vnsel vm4, $0x0, v61  }
0x1a1: {  	v31 =	vnsel vm15, $0x0, v32;
	[tilespmem:v59+s12+$0x0] =	vst.idx.add.f32.msk $0xffff, v30  }
0x1a2: {  	[tilespmem:v63+s12+$0x0] =	vst.idx.add.f32.msk $0xffff, v31  }
0x1a3: {  	v39 =	vor.u32 $0x2080, v6;
	v29 =	vld.idx.msk [tilespmem:v60+s11+$0x0], $0xffff  }
0x1a4: {  	v37 =	vsel vm14, $0x1, v0;
	v43 =	vadd.s32 $0x2080, v7;
	v38 =	vadd.s32 v10, v27;
	v28 =	vld.idx.msk [tilespmem:v36+s11+$0x0], $0xffff  }
0x1a5: {  	v47 =	vadd.s32 $0x2080, v8;
	v22 =	vadd.s32 v37, v22;
	v41 =	vsel vm5, $0x1, v0  }
0x1a6: {  	v40 =	vperm.xlane v4, v22;
	v23 =	vadd.s32 v41, v23;
	v42 =	vadd.s32 v11, v26  }
0x1a7: {  	v44 =	vperm.xlane v4, v23;
	v45 =	vsel vm4, $0x1, v0;
	vm9 =	vne.s32 v27, $0x0  }
0x1a8: {  	v49 =	vsel vm15, $0x1, v0;
	v32 =	vnsel vm9, $0x0, v40;
	v46 =	vadd.s32 v12, v29  }
0x1a9: {  	v25 =	vadd.s32 v45, v25;
	vm5 =	vne.s32 v26, $0x0;
	[tilespmem:v38+s12+$0x0] =	vst.idx.add.f32.msk $0xffff, v32;
	v50 =	vadd.s32 v13, v28  }
0x1aa: {  	v24 =	vadd.s32 v49, v24;
	v48 =	vperm.xlane v4, v25;
	v32 =	vnsel vm5, $0x0, v44;
	v30 =	vld.idx.msk [tilespmem:v39+s11+$0x0], $0xffff  }
0x1ab: {  	v51 =	vadd.s32 $0x2080, v9;
	[tilespmem:v42+s12+$0x0] =	vst.idx.add.f32.msk $0xffff, v32;
	vm4 =	vne.s32 v29, $0x0;
	v32 =	vperm.xlane v4, v24  }
0x1ac: {  	vm10 =	vne.s32 v28, $0x0;
	v27 =	vld.idx.msk [tilespmem:v43+s11+$0x0], $0xffff;
	v31 =	vnsel vm4, $0x0, v48  }
0x1ad: {  	v55 =	vnsel vm10, $0x0, v32;
	[tilespmem:v46+s12+$0x0] =	vst.idx.add.f32.msk $0xffff, v31  }
0x1ae: {  	[tilespmem:v50+s12+$0x0] =	vst.idx.add.f32.msk $0xffff, v55  }
0x1af: {  	v54 =	vor.u32 $0x2000, v6;
	v26 =	vld.idx.msk [tilespmem:v47+s11+$0x0], $0xffff  }
0x1b0: {  	v59 =	vadd.s32 $0x2000, v7;
	v52 =	vsel vm9, $0x1, v0;
	v53 =	vadd.s32 v10, v30;
	v29 =	vld.idx.msk [tilespmem:v51+s11+$0x0], $0xffff  }
0x1b1: {  	v63 =	vadd.s32 $0x2000, v8;
	v22 =	vadd.s32 v52, v22;
	v57 =	vsel vm5, $0x1, v0  }
0x1b2: {  	v56 =	vperm.xlane v4, v22;
	v23 =	vadd.s32 v57, v23;
	v58 =	vadd.s32 v11, v27  }
0x1b3: {  	v60 =	vperm.xlane v4, v23;
	v61 =	vsel vm4, $0x1, v0;
	vm11 =	vne.s32 v30, $0x0  }
0x1b4: {  	v37 =	vsel vm10, $0x1, v0;
	v32 =	vnsel vm11, $0x0, v56;
	v62 =	vadd.s32 v12, v26  }
0x1b5: {  	v25 =	vadd.s32 v61, v25;
	vm5 =	vne.s32 v27, $0x0;
	[tilespmem:v53+s12+$0x0] =	vst.idx.add.f32.msk $0xffff, v32;
	v38 =	vadd.s32 v13, v29  }
0x1b6: {  	v24 =	vadd.s32 v37, v24;
	v36 =	vperm.xlane v4, v25;
	v32 =	vnsel vm5, $0x0, v60;
	v28 =	vld.idx.msk [tilespmem:v54+s11+$0x0], $0xffff  }
0x1b7: {  	v39 =	vadd.s32 $0x2000, v9;
	[tilespmem:v58+s12+$0x0] =	vst.idx.add.f32.msk $0xffff, v32;
	vm12 =	vne.s32 v26, $0x0;
	v32 =	vperm.xlane v4, v24  }
0x1b8: {  	vm13 =	vne.s32 v29, $0x0;
	v30 =	vld.idx.msk [tilespmem:v59+s11+$0x0], $0xffff;
	v31 =	vnsel vm12, $0x0, v36  }
0x1b9: {  	v43 =	vnsel vm13, $0x0, v32;
	[tilespmem:v62+s12+$0x0] =	vst.idx.add.f32.msk $0xffff, v31  }
0x1ba: {  	v14 =	vor.u32 v16, v14;
	v17 =	vor.u32 v20, v17;
	[tilespmem:v38+s12+$0x0] =	vst.idx.add.f32.msk $0xffff, v43  }
0x1bb: {  	v14 =	vor.u32 $0x380, v14;
	v17 =	vor.u32 $0x380, v17;
	v15 =	vor.u32 v19, v15;
	v42 =	vld.idx.msk [tilespmem:v63+s11+$0x0], $0xffff  }
0x1bc: {  	v18 =	vor.u32 v21, v18;
	v40 =	vsel vm11, $0x1, v0;
	v41 =	vadd.s32 v10, v28;
	v26 =	vld.idx.msk [tilespmem:v39+s11+$0x0], $0xffff  }
0x1bd: {  	v15 =	vor.u32 $0x380, v15;
	v22 =	vadd.s32 v40, v22;
	v45 =	vsel vm5, $0x1, v0  }
0x1be: {  	v44 =	vperm.xlane v4, v22;
	v23 =	vadd.s32 v45, v23;
	v46 =	vadd.s32 v11, v30  }
0x1bf: {  	v47 =	vperm.xlane v4, v23;
	v48 =	vsel vm12, $0x1, v0;
	vm4 =	vne.s32 v28, $0x0  }
0x1c0: {  	v52 =	vsel vm13, $0x1, v0;
	v27 =	vnsel vm4, $0x0, v44;
	v49 =	vadd.s32 v12, v42  }
0x1c1: {  	v25 =	vadd.s32 v48, v25;
	vm5 =	vne.s32 v30, $0x0;
	[tilespmem:v41+s12+$0x0] =	vst.idx.add.f32.msk $0xffff, v27;
	v53 =	vadd.s32 v13, v26  }
0x1c2: {  	v54 =	vadd.s32 v52, v24;
	v51 =	vperm.xlane v4, v25;
	v50 =	vnsel vm5, $0x0, v47;
	v14 =	vld.idx.msk [tilespmem:v14+s11+$0x0], $0xffff  }
0x1c3: {  	v18 =	vor.u32 $0x380, v18;
	v56 =	vperm.xlane v4, v54;
	[tilespmem:v46+s12+$0x0] =	vst.idx.add.f32.msk $0xffff, v50;
	vm14 =	vne.s32 v42, $0x0  }
0x1c4: {  	vm15 =	vne.s32 v26, $0x0;
	v17 =	vld.idx.msk [tilespmem:v17+s11+$0x0], $0xffff;
	v55 =	vnsel vm14, $0x0, v51  }
0x1c5: {  	v21 =	vnsel vm15, $0x0, v56;
	[tilespmem:v49+s12+$0x0] =	vst.idx.add.f32.msk $0xffff, v55  }
0x1c6: {  	[tilespmem:v53+s12+$0x0] =	vst.idx.add.f32.msk $0xffff, v21  }
0x1c7: {  	v59 =	vor.u32 $0x300, v6;
	v15 =	vld.idx.msk [tilespmem:v15+s11+$0x0], $0xffff  }
0x1c8: {  	v28 =	vor.u32 $0x300, v7;
	v57 =	vsel vm4, $0x1, v0;
	v58 =	vadd.s32 v10, v14;
	v18 =	vld.idx.msk [tilespmem:v18+s11+$0x0], $0xffff  }
0x1c9: {  	v31 =	vor.u32 $0x300, v8;
	v19 =	vadd.s32 v57, v22;
	v61 =	vsel vm5, $0x1, v0  }
0x1ca: {  	v60 =	vperm.xlane v4, v19;
	v63 =	vadd.s32 v61, v23;
	v62 =	vadd.s32 v11, v17  }
0x1cb: {  	v23 =	vperm.xlane v4, v63;
	v29 =	vsel vm14, $0x1, v0;
	vm4 =	vne.s32 v14, $0x0  }
0x1cc: {  	v33 =	vsel vm15, $0x1, v0;
	v20 =	vnsel vm4, $0x0, v60;
	v30 =	vadd.s32 v12, v15  }
0x1cd: {  	vm5 =	vne.s32 v17, $0x0;
	v17 =	vadd.s32 v29, v25;
	[tilespmem:v58+s12+$0x0] =	vst.idx.add.f32.msk $0xffff, v20;
	v34 =	vadd.s32 v13, v18  }
0x1ce: {  	v35 =	vadd.s32 v33, v54;
	v23 =	vnsel vm5, $0x0, v23;
	v32 =	vperm.xlane v4, v17;
	v22 =	vld.idx.msk [tilespmem:v59+s11+$0x0], $0xffff  }
0x1cf: {  	v36 =	vor.u32 $0x300, v9;
	v25 =	vperm.xlane v4, v35;
	[tilespmem:v62+s12+$0x0] =	vst.idx.add.f32.msk $0xffff, v23;
	vm9 =	vne.s32 v15, $0x0  }
0x1d0: {  	vm10 =	vne.s32 v18, $0x0;
	v21 =	vld.idx.msk [tilespmem:v28+s11+$0x0], $0xffff;
	v23 =	vnsel vm9, $0x0, v32  }
0x1d1: {  	v39 =	vnsel vm10, $0x0, v25;
	[tilespmem:v30+s12+$0x0] =	vst.idx.add.f32.msk $0xffff, v23  }
0x1d2: {  	[tilespmem:v34+s12+$0x0] =	vst.idx.add.f32.msk $0xffff, v39  }
0x1d3: {  	v40 =	vor.u32 $0x280, v6;
	v23 =	vld.idx.msk [tilespmem:v31+s11+$0x0], $0xffff  }
0x1d4: {  	v48 =	vor.u32 $0x280, v8;
	v37 =	vsel vm4, $0x1, v0;
	v38 =	vadd.s32 v10, v22;
	v16 =	vld.idx.msk [tilespmem:v36+s11+$0x0], $0xffff  }
0x1d5: {  	v44 =	vor.u32 $0x280, v7;
	v42 =	vsel vm5, $0x1, v0;
	v18 =	vadd.s32 v37, v19  }
0x1d6: {  	v14 =	vadd.s32 v42, v63;
	v41 =	vperm.xlane v4, v18;
	v43 =	vadd.s32 v11, v21  }
0x1d7: {  	v25 =	vperm.xlane v4, v14;
	v45 =	vsel vm9, $0x1, v0;
	vm4 =	vne.s32 v22, $0x0  }
0x1d8: {  	v50 =	vsel vm10, $0x1, v0;
	v24 =	vnsel vm4, $0x0, v41;
	v46 =	vadd.s32 v12, v23  }
0x1d9: {  	v17 =	vadd.s32 v45, v17;
	vm5 =	vne.s32 v21, $0x0;
	[tilespmem:v38+s12+$0x0] =	vst.idx.add.f32.msk $0xffff, v24;
	v51 =	vadd.s32 v13, v16  }
0x1da: {  	v15 =	vadd.s32 v50, v35;
	v49 =	vperm.xlane v4, v17;
	v47 =	vnsel vm5, $0x0, v25;
	v19 =	vld.idx.msk [tilespmem:v40+s11+$0x0], $0xffff  }
0x1db: {  	v52 =	vor.u32 $0x280, v9;
	v25 =	vperm.xlane v4, v15;
	[tilespmem:v43+s12+$0x0] =	vst.idx.add.f32.msk $0xffff, v47;
	vm11 =	vne.s32 v23, $0x0  }
0x1dc: {  	vm12 =	vne.s32 v16, $0x0;
	v22 =	vld.idx.msk [tilespmem:v44+s11+$0x0], $0xffff;
	v24 =	vnsel vm11, $0x0, v49  }
0x1dd: {  	v55 =	vnsel vm12, $0x0, v25;
	[tilespmem:v46+s12+$0x0] =	vst.idx.add.f32.msk $0xffff, v24  }
0x1de: {  	[tilespmem:v51+s12+$0x0] =	vst.idx.add.f32.msk $0xffff, v55  }
0x1df: {  	v56 =	vor.u32 $0x200, v6;
	v20 =	vld.idx.msk [tilespmem:v48+s11+$0x0], $0xffff  }
0x1e0: {  	v60 =	vor.u32 $0x200, v7;
	v53 =	vsel vm4, $0x1, v0;
	v54 =	vadd.s32 v10, v19;
	v23 =	vld.idx.msk [tilespmem:v52+s11+$0x0], $0xffff  }
0x1e1: {  	v28 =	vor.u32 $0x200, v8;
	v58 =	vsel vm5, $0x1, v0;
	v16 =	vadd.s32 v53, v18  }
0x1e2: {  	v14 =	vadd.s32 v58, v14;
	v57 =	vperm.xlane v4, v16;
	v59 =	vadd.s32 v11, v22  }
0x1e3: {  	v25 =	vperm.xlane v4, v14;
	v61 =	vsel vm11, $0x1, v0;
	vm4 =	vne.s32 v19, $0x0  }
0x1e4: {  	v30 =	vsel vm12, $0x1, v0;
	v24 =	vnsel vm4, $0x0, v57;
	v62 =	vadd.s32 v12, v20  }
0x1e5: {  	v17 =	vadd.s32 v61, v17;
	vm5 =	vne.s32 v22, $0x0;
	[tilespmem:v54+s12+$0x0] =	vst.idx.add.f32.msk $0xffff, v24;
	v31 =	vadd.s32 v13, v23  }
0x1e6: {  	v15 =	vadd.s32 v30, v15;
	v29 =	vperm.xlane v4, v17;
	v63 =	vnsel vm5, $0x0, v25;
	v18 =	vld.idx.msk [tilespmem:v56+s11+$0x0], $0xffff  }
0x1e7: {  	v32 =	vor.u32 $0x200, v9;
	v25 =	vperm.xlane v4, v15;
	[tilespmem:v59+s12+$0x0] =	vst.idx.add.f32.msk $0xffff, v63;
	vm13 =	vne.s32 v20, $0x0  }
0x1e8: {  	vm14 =	vne.s32 v23, $0x0;
	v19 =	vld.idx.msk [tilespmem:v60+s11+$0x0], $0xffff;
	v24 =	vnsel vm13, $0x0, v29  }
0x1e9: {  	v35 =	vnsel vm14, $0x0, v25;
	[tilespmem:v62+s12+$0x0] =	vst.idx.add.f32.msk $0xffff, v24  }
0x1ea: {  	[tilespmem:v31+s12+$0x0] =	vst.idx.add.f32.msk $0xffff, v35  }
0x1eb: {  	v36 =	vor.u32 $0x180, v6;
	v21 =	vld.idx.msk [tilespmem:v28+s11+$0x0], $0xffff  }
0x1ec: {  	v40 =	vor.u32 $0x180, v7;
	v33 =	vsel vm4, $0x1, v0;
	v34 =	vadd.s32 v10, v18;
	v20 =	vld.idx.msk [tilespmem:v32+s11+$0x0], $0xffff  }
0x1ed: {  	v44 =	vor.u32 $0x180, v8;
	v16 =	vadd.s32 v33, v16;
	v38 =	vsel vm5, $0x1, v0  }
0x1ee: {  	v37 =	vperm.xlane v4, v16;
	v14 =	vadd.s32 v38, v14;
	v39 =	vadd.s32 v11, v19  }
0x1ef: {  	v25 =	vperm.xlane v4, v14;
	v41 =	vsel vm13, $0x1, v0;
	vm4 =	vne.s32 v18, $0x0  }
0x1f0: {  	v46 =	vsel vm14, $0x1, v0;
	v24 =	vnsel vm4, $0x0, v37;
	v42 =	vadd.s32 v12, v21  }
0x1f1: {  	v17 =	vadd.s32 v41, v17;
	vm5 =	vne.s32 v19, $0x0;
	[tilespmem:v34+s12+$0x0] =	vst.idx.add.f32.msk $0xffff, v24;
	v47 =	vadd.s32 v13, v20  }
0x1f2: {  	v15 =	vadd.s32 v46, v15;
	v45 =	vperm.xlane v4, v17;
	v43 =	vnsel vm5, $0x0, v25;
	v22 =	vld.idx.msk [tilespmem:v36+s11+$0x0], $0xffff  }
0x1f3: {  	v48 =	vor.u32 $0x180, v9;
	v25 =	vperm.xlane v4, v15;
	[tilespmem:v39+s12+$0x0] =	vst.idx.add.f32.msk $0xffff, v43;
	vm15 =	vne.s32 v21, $0x0  }
0x1f4: {  	vm9 =	vne.s32 v20, $0x0;
	v18 =	vld.idx.msk [tilespmem:v40+s11+$0x0], $0xffff;
	v24 =	vnsel vm15, $0x0, v45  }
0x1f5: {  	v51 =	vnsel vm9, $0x0, v25;
	[tilespmem:v42+s12+$0x0] =	vst.idx.add.f32.msk $0xffff, v24  }
0x1f6: {  	[tilespmem:v47+s12+$0x0] =	vst.idx.add.f32.msk $0xffff, v51  }
0x1f7: {  	v52 =	vor.u32 $0x100, v6;
	v19 =	vld.idx.msk [tilespmem:v44+s11+$0x0], $0xffff  }
0x1f8: {  	v56 =	vor.u32 $0x100, v7;
	v49 =	vsel vm4, $0x1, v0;
	v50 =	vadd.s32 v10, v22;
	v21 =	vld.idx.msk [tilespmem:v48+s11+$0x0], $0xffff  }
0x1f9: {  	v60 =	vor.u32 $0x100, v8;
	v16 =	vadd.s32 v49, v16;
	v54 =	vsel vm5, $0x1, v0  }
0x1fa: {  	v53 =	vperm.xlane v4, v16;
	v14 =	vadd.s32 v54, v14;
	v55 =	vadd.s32 v11, v18  }
0x1fb: {  	v25 =	vperm.xlane v4, v14;
	v57 =	vsel vm15, $0x1, v0;
	vm4 =	vne.s32 v22, $0x0  }
0x1fc: {  	v62 =	vsel vm9, $0x1, v0;
	v24 =	vnsel vm4, $0x0, v53;
	v58 =	vadd.s32 v12, v19  }
0x1fd: {  	v17 =	vadd.s32 v57, v17;
	vm5 =	vne.s32 v18, $0x0;
	[tilespmem:v50+s12+$0x0] =	vst.idx.add.f32.msk $0xffff, v24;
	v63 =	vadd.s32 v13, v21  }
0x1fe: {  	v15 =	vadd.s32 v62, v15;
	v61 =	vperm.xlane v4, v17;
	v59 =	vnsel vm5, $0x0, v25;
	v20 =	vld.idx.msk [tilespmem:v52+s11+$0x0], $0xffff  }
0x1ff: {  	v28 =	vor.u32 $0x100, v9;
	v25 =	vperm.xlane v4, v15;
	[tilespmem:v55+s12+$0x0] =	vst.idx.add.f32.msk $0xffff, v59;
	vm10 =	vne.s32 v19, $0x0  }
0x200: {  	vm11 =	vne.s32 v21, $0x0;
	v22 =	vld.idx.msk [tilespmem:v56+s11+$0x0], $0xffff;
	v24 =	vnsel vm10, $0x0, v61  }
0x201: {  	v30 =	vnsel vm11, $0x0, v25;
	[tilespmem:v58+s12+$0x0] =	vst.idx.add.f32.msk $0xffff, v24  }
0x202: {  	[tilespmem:v63+s12+$0x0] =	vst.idx.add.f32.msk $0xffff, v30  }
0x203: {  	v35 =	vor.u32 $0x80, v6;
	v18 =	vld.idx.msk [tilespmem:v60+s11+$0x0], $0xffff  }
0x204: {  	v36 =	vor.u32 $0x80, v7;
	v29 =	vsel vm4, $0x1, v0;
	v31 =	vadd.s32 v10, v20;
	v19 =	vld.idx.msk [tilespmem:v28+s11+$0x0], $0xffff  }
0x205: {  	v16 =	vadd.s32 v29, v16;
	v33 =	vsel vm5, $0x1, v0;
	v34 =	vadd.s32 v11, v22  }
0x206: {  	v32 =	vperm.xlane v4, v16;
	v14 =	vadd.s32 v33, v14;
	v37 =	vsel vm10, $0x1, v0  }
0x207: {  	v42 =	vsel vm11, $0x1, v0;
	vm4 =	vne.s32 v20, $0x0;
	v24 =	vperm.xlane v4, v14  }
0x208: {  	v23 =	vnsel vm4, $0x0, v32;
	vm5 =	vne.s32 v22, $0x0;
	v38 =	vadd.s32 v12, v18  }
0x209: {  	v17 =	vadd.s32 v37, v17;
	v39 =	vnsel vm5, $0x0, v24;
	[tilespmem:v31+s12+$0x0] =	vst.idx.add.f32.msk $0xffff, v23;
	v43 =	vadd.s32 v13, v19  }
0x20a: {  	v40 =	vor.u32 $0x80, v8;
	v15 =	vadd.s32 v42, v15;
	v41 =	vperm.xlane v4, v17;
	[tilespmem:v34+s12+$0x0] =	vst.idx.add.f32.msk $0xffff, v39  }
0x20b: {  	v44 =	vor.u32 $0x80, v9;
	v46 =	vperm.xlane v4, v15;
	v20 =	vld.idx.msk [tilespmem:v35+s11+$0x0], $0xffff;
	vm12 =	vne.s32 v18, $0x0  }
0x20c: {  	vm13 =	vne.s32 v19, $0x0;
	v45 =	vld.idx.msk [tilespmem:v36+s11+$0x0], $0xffff;
	v21 =	vnsel vm12, $0x0, v41  }
0x20d: {  	v48 =	vnsel vm13, $0x0, v46;
	[tilespmem:v38+s12+$0x0] =	vst.idx.add.f32.msk $0xffff, v21  }
0x20e: {  	[tilespmem:v43+s12+$0x0] =	vst.idx.add.f32.msk $0xffff, v48  }
0x20f: {  	v21 =	vld.idx.msk [tilespmem:v40+s11+$0x0], $0xffff  }
0x210: {  	v47 =	vsel vm4, $0x1, v0;
	vm4 =	vne.s32 v20, $0x0;
	v20 =	vadd.s32 v10, v20;
	v18 =	vld.idx.msk [tilespmem:v44+s11+$0x0], $0xffff  }
0x211: {  	v16 =	vadd.s32 v47, v16;
	v49 =	vsel vm5, $0x1, v0;
	v50 =	vadd.s32 v11, v45  }
0x212: {  	v14 =	vadd.s32 v49, v14;
	v19 =	vperm.xlane v4, v16  }
0x213: {  	v53 =	vperm.xlane v4, v14;
	v51 =	vsel vm12, $0x1, v0;
	v54 =	vsel vm13, $0x1, v0  }
0x214: {  	v19 =	vnsel vm4, $0x0, v19;
	vm5 =	vne.s32 v45, $0x0;
	v52 =	vadd.s32 v12, v21  }
0x215: {  	v17 =	vadd.s32 v51, v17;
	v56 =	vnsel vm5, $0x0, v53;
	[tilespmem:v20+s12+$0x0] =	vst.idx.add.f32.msk $0xffff, v19;
	v55 =	vadd.s32 v13, v18  }
0x216: {  	v15 =	vadd.s32 v54, v15;
	v22 =	vperm.xlane v4, v17;
	[tilespmem:v50+s12+$0x0] =	vst.idx.add.f32.msk $0xffff, v56  }
0x217: {  	v58 =	vperm.xlane v4, v15;
	vm14 =	vne.s32 v21, $0x0;
	v6 =	vld.idx.msk [tilespmem:v6+s11+$0x0], $0xffff  }
0x218: {  	vm15 =	vne.s32 v18, $0x0;
	v57 =	vnsel vm14, $0x0, v22;
	v7 =	vld.idx.msk [tilespmem:v7+s11+$0x0], $0xffff  }
0x219: {  	v18 =	vnsel vm15, $0x0, v58;
	[tilespmem:v52+s12+$0x0] =	vst.idx.add.f32.msk $0xffff, v57  }
0x21a: {  	[tilespmem:v55+s12+$0x0] =	vst.idx.add.f32.msk $0xffff, v18  }
0x21b: {  	v8 =	vld.idx.msk [tilespmem:v8+s11+$0x0], $0xffff  }
0x21c: {  	v59 =	vsel vm4, $0x1, v0;
	v9 =	vld.idx.msk [tilespmem:v9+s11+$0x0], $0xffff  }
0x21d: {  	v16 =	vadd.s32 v59, v16;
	v60 =	vsel vm5, $0x1, v0  }
0x21e: {  	v16 =	vperm.xlane v4, v16;
	vm4 =	veq.s32 v6, $0x0;
	v6 =	vadd.s32 v10, v6  }
0x21f: {  	v61 =	vsel vm14, $0x1, v0;
	v63 =	vsel vm15, $0x1, v0;
	v11 =	vadd.s32 v11, v7  }
0x220: {  	v62 =	vadd.s32 v61, v17;
	v10 =	vadd.s32 v60, v14;
	v12 =	vadd.s32 v12, v8  }
0x221: {  	p2 =	por p1, p1;
	v14 =	vperm.xlane v4, v62;
	v10 =	vperm.xlane v4, v10;
	v13 =	vadd.s32 v13, v9  }
.Ltmp3:
0x222: {  	v16 =	vsel vm4, $0x0, v16;
	vm4 =	veq.s32 v7, $0x0;
	v7 =	vadd.s32 v63, v15;
	(pc) =	sbr.rel @p2 .LBB2_8-.Ltmp3, $4  }
0x223: {  	v7 =	vperm.xlane v4, v7;
	[tilespmem:v6+s12+$0x0] =	vst.idx.add.f32.msk $0xffff, v16;
	v6 =	vsel vm4, $0x0, v10;
	vm4 =	veq.s32 v8, $0x0  }
0x224: {  	[tilespmem:v11+s12+$0x0] =	vst.idx.add.f32.msk $0xffff, v6;
	v6 =	vsel vm4, $0x0, v14;
	vm4 =	veq.s32 v9, $0x0  }
0x225: {  	[tilespmem:v12+s12+$0x0] =	vst.idx.add.f32.msk $0xffff, v6;
	v6 =	vsel vm4, $0x0, v7  }
0x226: {  	s19 =	simm.s32 $0x4;
	p1 =	por $0x0, $0x0;
	[tilespmem:v13+s12+$0x0] =	vst.idx.add.f32.msk $0xffff, v6  }
.Ltmp4:
0x227: {  	(pc) =	sbr.rel @p0 .LBB2_12-.Ltmp4, $4  }
0x228: {  	_ = 	snop  }
0x229: {  	s19 =	sshll.u32 s16, $0xC  }
0x22a: {  	s19 =	sadd.s32 s19, s6  }
0x22b: {  	[hbm4b:s19+s3] =	stream.linear.scatter [tilespmem:s12], [sflag:$0x1], $0x4000, $0x38;
	[tilespmem:$0xC080] =	vst v63  }
0x22c: {  	_ =	swait.ge [sflag:s14], $0x4000  }
0x22d: {  	s17 =	sadd.s32 $0xFFFFFF80, s17;
	[sflag:s14] =	ssyncset.done $0x0  }
0x22e: {  	s19 =	simm.s32 $0x0;
	p0 =	por $0x1, $0x1;
	[sflag:s14] =	ssyncadd.s32 $0xFFFFC000  }
.LBB2_11:
0x22f: {  	s20 =	sshll.u32 s19, $0x4  }
0x230: {  	s21 =	sor.u32 $0x1, s19;
	s22 =	sor.u32 $0x2, s19;
	s25 =	sor.u32 $0x3, s19  }
0x231: {  	s20 =	sor.u32 s17, s20;
	s23 =	sshll.u32 s21, $0x4;
	s24 =	sshll.u32 s22, $0x4  }
0x232: {  	s31 =	sshll.u32 s25, $0x4;
	v6 =	vmov s20;
	v7 =	vor.u32 s20, v2;
	s29 =	sor.u32 s17, s23;
	s30 =	sor.u32 s17, s24  }
0x233: {  	s26 =	sor.u32 s17, s31;
	v8 =	vmov s29;
	v9 =	vor.u32 s29, v2;
	v10 =	vmov s30  }
0x234: {  	v11 =	vor.u32 s30, v2;
	v12 =	vmov s26;
	v13 =	vor.u32 s26, v2  }
0x235: {  	v7 =	vand.u32 $0x4F, v7;
	v6 =	vshll.u32 v6, $0x3;
	v8 =	vshll.u32 v8, $0x3  }
0x236: {  	v6 =	vand.u32 $0xFFFFFC00, v6;
	v9 =	vand.u32 $0x7F, v9;
	v39 =	vand.u32 $0x7F, v11  }
0x237: {  	v14 =	vand.u32 $0xFFFFFC00, v8;
	v8 =	vor.u32 v7, v6;
	v7 =	vshll.u32 v10, $0x3  }
0x238: {  	v40 =	vshll.u32 v12, $0x3;
	v6 =	vor.u32 v9, v14;
	v7 =	vand.u32 $0xFFFFFC00, v7  }
0x239: {  	v41 =	vand.u32 $0xFFFFFC00, v40;
	v10 =	vor.u32 v39, v7;
	v7 =	vand.u32 $0x7F, v13  }
0x23a: {  	v11 =	vor.u32 v7, v41;
	_ =	sdelay $0x1  }
0x23b: {  	v42 =	vld.idx.msk [tilespmem:v8+s11+$0x0], $0xffff  }
0x23c: {  	v43 =	vld.idx.msk [tilespmem:v6+s11+$0x0], $0xffff  }
0x23d: {  	v44 =	vld.idx.msk [tilespmem:v10+s11+$0x0], $0xffff  }
0x23e: {  	s28 =	sshll.u32 s19, $0xB;
	v45 =	vld.idx.msk [tilespmem:v11+s11+$0x0], $0xffff  }
0x23f: {  	s29 =	sshll.u32 s21, $0xB;
	v7 =	vor.u32 s28, v3  }
0x240: {  	s30 =	sshll.u32 s22, $0xB;
	v9 =	vor.u32 s29, v3;
	v15 =	vadd.s32 v7, v42  }
0x241: {  	s31 =	sshll.u32 s25, $0xB;
	v12 =	vor.u32 s30, v3;
	v16 =	vor.u32 $0x80, v8;
	v17 =	vadd.s32 v9, v43  }
0x242: {  	v18 =	vor.u32 $0x80, v6;
	v13 =	vor.u32 s31, v3;
	v19 =	vadd.s32 v12, v44  }
0x243: {  	v20 =	vor.u32 $0x80, v10;
	v14 =	vadd.s32 v13, v45  }
0x244: {  	v21 =	vor.u32 $0x80, v11  }
0x245: {  	[tilespmem:v15+s13+$0x0] =	vst.idx.msk $0xffff, v1  }
0x246: {  	v15 =	vld.idx.msk [tilespmem:v16+s11+$0x0], $0xffff;
	[tilespmem:v17+s13+$0x0] =	vst.idx.msk $0xffff, v1  }
0x247: {  	v46 =	vld.idx.msk [tilespmem:v18+s11+$0x0], $0xffff;
	[tilespmem:v19+s13+$0x0] =	vst.idx.msk $0xffff, v1  }
0x248: {  	v47 =	vld.idx.msk [tilespmem:v20+s11+$0x0], $0xffff;
	[tilespmem:v14+s13+$0x0] =	vst.idx.msk $0xffff, v1  }
0x249: {  	v14 =	vld.idx.msk [tilespmem:v21+s11+$0x0], $0xffff;
	_ =	sdelay $0x1  }
0x24a: {  	v15 =	vadd.s32 v7, v15  }
0x24b: {  	v48 =	vor.u32 $0x100, v8;
	v16 =	vadd.s32 v9, v46  }
0x24c: {  	v49 =	vor.u32 $0x100, v6;
	v17 =	vadd.s32 v12, v47  }
0x24d: {  	v50 =	vor.u32 $0x100, v10;
	v14 =	vadd.s32 v13, v14  }
0x24e: {  	v51 =	vor.u32 $0x100, v11  }
0x24f: {  	[tilespmem:v15+s13+$0x0] =	vst.idx.msk $0xffff, v1  }
0x250: {  	v15 =	vld.idx.msk [tilespmem:v48+s11+$0x0], $0xffff;
	[tilespmem:v16+s13+$0x0] =	vst.idx.msk $0xffff, v1  }
0x251: {  	v16 =	vld.idx.msk [tilespmem:v49+s11+$0x0], $0xffff;
	[tilespmem:v17+s13+$0x0] =	vst.idx.msk $0xffff, v1  }
0x252: {  	v17 =	vld.idx.msk [tilespmem:v50+s11+$0x0], $0xffff;
	[tilespmem:v14+s13+$0x0] =	vst.idx.msk $0xffff, v1  }
0x253: {  	v14 =	vld.idx.msk [tilespmem:v51+s11+$0x0], $0xffff;
	_ =	sdelay $0x1  }
0x254: {  	v15 =	vadd.s32 v7, v15  }
0x255: {  	v52 =	vor.u32 $0x180, v8;
	v16 =	vadd.s32 v9, v16  }
0x256: {  	v53 =	vor.u32 $0x180, v6;
	v17 =	vadd.s32 v12, v17  }
0x257: {  	v54 =	vor.u32 $0x180, v10;
	v14 =	vadd.s32 v13, v14  }
0x258: {  	v55 =	vor.u32 $0x180, v11  }
0x259: {  	[tilespmem:v15+s13+$0x0] =	vst.idx.msk $0xffff, v1  }
0x25a: {  	v15 =	vld.idx.msk [tilespmem:v52+s11+$0x0], $0xffff;
	[tilespmem:v16+s13+$0x0] =	vst.idx.msk $0xffff, v1  }
0x25b: {  	v16 =	vld.idx.msk [tilespmem:v53+s11+$0x0], $0xffff;
	[tilespmem:v17+s13+$0x0] =	vst.idx.msk $0xffff, v1  }
0x25c: {  	v17 =	vld.idx.msk [tilespmem:v54+s11+$0x0], $0xffff;
	[tilespmem:v14+s13+$0x0] =	vst.idx.msk $0xffff, v1  }
0x25d: {  	v14 =	vld.idx.msk [tilespmem:v55+s11+$0x0], $0xffff;
	_ =	sdelay $0x1  }
0x25e: {  	v15 =	vadd.s32 v7, v15  }
0x25f: {  	v56 =	vor.u32 $0x200, v8;
	v16 =	vadd.s32 v9, v16  }
0x260: {  	v57 =	vor.u32 $0x200, v6;
	v17 =	vadd.s32 v12, v17  }
0x261: {  	v58 =	vor.u32 $0x200, v10;
	v14 =	vadd.s32 v13, v14  }
0x262: {  	v59 =	vor.u32 $0x200, v11  }
0x263: {  	[tilespmem:v15+s13+$0x0] =	vst.idx.msk $0xffff, v1  }
0x264: {  	v15 =	vld.idx.msk [tilespmem:v56+s11+$0x0], $0xffff;
	[tilespmem:v16+s13+$0x0] =	vst.idx.msk $0xffff, v1  }
0x265: {  	v16 =	vld.idx.msk [tilespmem:v57+s11+$0x0], $0xffff;
	[tilespmem:v17+s13+$0x0] =	vst.idx.msk $0xffff, v1  }
0x266: {  	v17 =	vld.idx.msk [tilespmem:v58+s11+$0x0], $0xffff;
	[tilespmem:v14+s13+$0x0] =	vst.idx.msk $0xffff, v1  }
0x267: {  	v14 =	vld.idx.msk [tilespmem:v59+s11+$0x0], $0xffff;
	_ =	sdelay $0x1  }
0x268: {  	v15 =	vadd.s32 v7, v15  }
0x269: {  	v60 =	vor.u32 $0x280, v8;
	v16 =	vadd.s32 v9, v16  }
0x26a: {  	v61 =	vor.u32 $0x280, v6;
	v17 =	vadd.s32 v12, v17  }
0x26b: {  	v62 =	vor.u32 $0x280, v10;
	v14 =	vadd.s32 v13, v14  }
0x26c: {  	v63 =	vor.u32 $0x280, v11  }
0x26d: {  	[tilespmem:v15+s13+$0x0] =	vst.idx.msk $0xffff, v1  }
0x26e: {  	v15 =	vld.idx.msk [tilespmem:v60+s11+$0x0], $0xffff;
	[tilespmem:v16+s13+$0x0] =	vst.idx.msk $0xffff, v1  }
0x26f: {  	v16 =	vld.idx.msk [tilespmem:v61+s11+$0x0], $0xffff;
	[tilespmem:v17+s13+$0x0] =	vst.idx.msk $0xffff, v1  }
0x270: {  	v17 =	vld.idx.msk [tilespmem:v62+s11+$0x0], $0xffff;
	[tilespmem:v14+s13+$0x0] =	vst.idx.msk $0xffff, v1  }
0x271: {  	v14 =	vld.idx.msk [tilespmem:v63+s11+$0x0], $0xffff;
	_ =	sdelay $0x1  }
0x272: {  	v15 =	vadd.s32 v7, v15  }
0x273: {  	v24 =	vor.u32 $0x300, v8;
	v16 =	vadd.s32 v9, v16  }
0x274: {  	v25 =	vor.u32 $0x300, v6;
	v17 =	vadd.s32 v12, v17  }
0x275: {  	v26 =	vor.u32 $0x300, v10;
	v14 =	vadd.s32 v13, v14  }
0x276: {  	v27 =	vor.u32 $0x300, v11  }
0x277: {  	[tilespmem:v15+s13+$0x0] =	vst.idx.msk $0xffff, v1  }
0x278: {  	v15 =	vld.idx.msk [tilespmem:v24+s11+$0x0], $0xffff;
	[tilespmem:v16+s13+$0x0] =	vst.idx.msk $0xffff, v1  }
0x279: {  	v16 =	vld.idx.msk [tilespmem:v25+s11+$0x0], $0xffff;
	[tilespmem:v17+s13+$0x0] =	vst.idx.msk $0xffff, v1  }
0x27a: {  	v17 =	vld.idx.msk [tilespmem:v26+s11+$0x0], $0xffff;
	[tilespmem:v14+s13+$0x0] =	vst.idx.msk $0xffff, v1  }
0x27b: {  	v14 =	vld.idx.msk [tilespmem:v27+s11+$0x0], $0xffff;
	_ =	sdelay $0x1  }
0x27c: {  	v15 =	vadd.s32 v7, v15  }
0x27d: {  	v28 =	vor.u32 $0x380, v8;
	v16 =	vadd.s32 v9, v16  }
0x27e: {  	v29 =	vor.u32 $0x380, v6;
	v17 =	vadd.s32 v12, v17  }
0x27f: {  	v30 =	vor.u32 $0x380, v10;
	v14 =	vadd.s32 v13, v14  }
0x280: {  	v31 =	vor.u32 $0x380, v11  }
0x281: {  	[tilespmem:v15+s13+$0x0] =	vst.idx.msk $0xffff, v1  }
0x282: {  	v15 =	vld.idx.msk [tilespmem:v28+s11+$0x0], $0xffff;
	[tilespmem:v16+s13+$0x0] =	vst.idx.msk $0xffff, v1  }
0x283: {  	v16 =	vld.idx.msk [tilespmem:v29+s11+$0x0], $0xffff;
	[tilespmem:v17+s13+$0x0] =	vst.idx.msk $0xffff, v1  }
0x284: {  	v17 =	vld.idx.msk [tilespmem:v30+s11+$0x0], $0xffff;
	[tilespmem:v14+s13+$0x0] =	vst.idx.msk $0xffff, v1  }
0x285: {  	v14 =	vld.idx.msk [tilespmem:v31+s11+$0x0], $0xffff;
	_ =	sdelay $0x1  }
0x286: {  	v15 =	vadd.s32 v7, v15  }
0x287: {  	v32 =	vadd.s32 $0x2000, v8;
	v16 =	vadd.s32 v9, v16  }
0x288: {  	v33 =	vadd.s32 $0x2000, v6;
	v17 =	vadd.s32 v12, v17  }
0x289: {  	v34 =	vadd.s32 $0x2000, v10;
	v14 =	vadd.s32 v13, v14  }
0x28a: {  	v35 =	vadd.s32 $0x2000, v11  }
0x28b: {  	[tilespmem:v15+s13+$0x0] =	vst.idx.msk $0xffff, v1  }
0x28c: {  	v15 =	vld.idx.msk [tilespmem:v32+s11+$0x0], $0xffff;
	[tilespmem:v16+s13+$0x0] =	vst.idx.msk $0xffff, v1  }
0x28d: {  	v16 =	vld.idx.msk [tilespmem:v33+s11+$0x0], $0xffff;
	[tilespmem:v17+s13+$0x0] =	vst.idx.msk $0xffff, v1  }
0x28e: {  	v17 =	vld.idx.msk [tilespmem:v34+s11+$0x0], $0xffff;
	[tilespmem:v14+s13+$0x0] =	vst.idx.msk $0xffff, v1  }
0x28f: {  	v14 =	vld.idx.msk [tilespmem:v35+s11+$0x0], $0xffff;
	_ =	sdelay $0x1  }
0x290: {  	v15 =	vadd.s32 v7, v15  }
0x291: {  	v36 =	vadd.s32 $0x2080, v8;
	v16 =	vadd.s32 v9, v16  }
0x292: {  	v37 =	vadd.s32 $0x2080, v6;
	v17 =	vadd.s32 v12, v17  }
0x293: {  	v38 =	vadd.s32 $0x2080, v10;
	v14 =	vadd.s32 v13, v14  }
0x294: {  	v39 =	vadd.s32 $0x2080, v11  }
0x295: {  	[tilespmem:v15+s13+$0x0] =	vst.idx.msk $0xffff, v1  }
0x296: {  	v15 =	vld.idx.msk [tilespmem:v36+s11+$0x0], $0xffff;
	[tilespmem:v16+s13+$0x0] =	vst.idx.msk $0xffff, v1  }
0x297: {  	v16 =	vld.idx.msk [tilespmem:v37+s11+$0x0], $0xffff;
	[tilespmem:v17+s13+$0x0] =	vst.idx.msk $0xffff, v1  }
0x298: {  	v17 =	vld.idx.msk [tilespmem:v38+s11+$0x0], $0xffff;
	[tilespmem:v14+s13+$0x0] =	vst.idx.msk $0xffff, v1  }
0x299: {  	v14 =	vld.idx.msk [tilespmem:v39+s11+$0x0], $0xffff;
	_ =	sdelay $0x1  }
0x29a: {  	v15 =	vadd.s32 v7, v15  }
0x29b: {  	v40 =	vadd.s32 $0x2100, v8;
	v16 =	vadd.s32 v9, v16  }
0x29c: {  	v41 =	vadd.s32 $0x2100, v6;
	v17 =	vadd.s32 v12, v17  }
0x29d: {  	v42 =	vadd.s32 $0x2100, v10;
	v14 =	vadd.s32 v13, v14  }
0x29e: {  	v43 =	vadd.s32 $0x2100, v11  }
0x29f: {  	[tilespmem:v15+s13+$0x0] =	vst.idx.msk $0xffff, v1  }
0x2a0: {  	v15 =	vld.idx.msk [tilespmem:v40+s11+$0x0], $0xffff;
	[tilespmem:v16+s13+$0x0] =	vst.idx.msk $0xffff, v1  }
0x2a1: {  	v16 =	vld.idx.msk [tilespmem:v41+s11+$0x0], $0xffff;
	[tilespmem:v17+s13+$0x0] =	vst.idx.msk $0xffff, v1  }
0x2a2: {  	v17 =	vld.idx.msk [tilespmem:v42+s11+$0x0], $0xffff;
	[tilespmem:v14+s13+$0x0] =	vst.idx.msk $0xffff, v1  }
0x2a3: {  	v14 =	vld.idx.msk [tilespmem:v43+s11+$0x0], $0xffff;
	_ =	sdelay $0x1  }
0x2a4: {  	v15 =	vadd.s32 v7, v15  }
0x2a5: {  	v44 =	vadd.s32 $0x2180, v8;
	v16 =	vadd.s32 v9, v16  }
0x2a6: {  	v45 =	vadd.s32 $0x2180, v6;
	v17 =	vadd.s32 v12, v17  }
0x2a7: {  	v46 =	vadd.s32 $0x2180, v10;
	v14 =	vadd.s32 v13, v14  }
0x2a8: {  	v47 =	vadd.s32 $0x2180, v11  }
0x2a9: {  	[tilespmem:v15+s13+$0x0] =	vst.idx.msk $0xffff, v1  }
0x2aa: {  	v15 =	vld.idx.msk [tilespmem:v44+s11+$0x0], $0xffff;
	[tilespmem:v16+s13+$0x0] =	vst.idx.msk $0xffff, v1  }
0x2ab: {  	v16 =	vld.idx.msk [tilespmem:v45+s11+$0x0], $0xffff;
	[tilespmem:v17+s13+$0x0] =	vst.idx.msk $0xffff, v1  }
0x2ac: {  	v17 =	vld.idx.msk [tilespmem:v46+s11+$0x0], $0xffff;
	[tilespmem:v14+s13+$0x0] =	vst.idx.msk $0xffff, v1  }
0x2ad: {  	v14 =	vld.idx.msk [tilespmem:v47+s11+$0x0], $0xffff;
	_ =	sdelay $0x1  }
0x2ae: {  	v15 =	vadd.s32 v7, v15  }
0x2af: {  	v48 =	vadd.s32 $0x2200, v8;
	v16 =	vadd.s32 v9, v16  }
0x2b0: {  	v49 =	vadd.s32 $0x2200, v6;
	v17 =	vadd.s32 v12, v17  }
0x2b1: {  	v50 =	vadd.s32 $0x2200, v10;
	v14 =	vadd.s32 v13, v14  }
0x2b2: {  	v51 =	vadd.s32 $0x2200, v11  }
0x2b3: {  	[tilespmem:v15+s13+$0x0] =	vst.idx.msk $0xffff, v1  }
0x2b4: {  	v15 =	vld.idx.msk [tilespmem:v48+s11+$0x0], $0xffff;
	[tilespmem:v16+s13+$0x0] =	vst.idx.msk $0xffff, v1  }
0x2b5: {  	v16 =	vld.idx.msk [tilespmem:v49+s11+$0x0], $0xffff;
	[tilespmem:v17+s13+$0x0] =	vst.idx.msk $0xffff, v1  }
0x2b6: {  	v17 =	vld.idx.msk [tilespmem:v50+s11+$0x0], $0xffff;
	[tilespmem:v14+s13+$0x0] =	vst.idx.msk $0xffff, v1  }
0x2b7: {  	v14 =	vld.idx.msk [tilespmem:v51+s11+$0x0], $0xffff;
	_ =	sdelay $0x1  }
0x2b8: {  	v15 =	vadd.s32 v7, v15  }
0x2b9: {  	v52 =	vadd.s32 $0x2280, v8;
	v16 =	vadd.s32 v9, v16  }
0x2ba: {  	v53 =	vadd.s32 $0x2280, v6;
	v17 =	vadd.s32 v12, v17  }
0x2bb: {  	v54 =	vadd.s32 $0x2280, v10;
	v14 =	vadd.s32 v13, v14  }
0x2bc: {  	v55 =	vadd.s32 $0x2280, v11  }
0x2bd: {  	[tilespmem:v15+s13+$0x0] =	vst.idx.msk $0xffff, v1  }
0x2be: {  	v15 =	vld.idx.msk [tilespmem:v52+s11+$0x0], $0xffff;
	[tilespmem:v16+s13+$0x0] =	vst.idx.msk $0xffff, v1  }
0x2bf: {  	v16 =	vld.idx.msk [tilespmem:v53+s11+$0x0], $0xffff;
	[tilespmem:v17+s13+$0x0] =	vst.idx.msk $0xffff, v1  }
0x2c0: {  	v17 =	vld.idx.msk [tilespmem:v54+s11+$0x0], $0xffff;
	[tilespmem:v14+s13+$0x0] =	vst.idx.msk $0xffff, v1  }
0x2c1: {  	v14 =	vld.idx.msk [tilespmem:v55+s11+$0x0], $0xffff;
	_ =	sdelay $0x1  }
0x2c2: {  	v15 =	vadd.s32 v7, v15  }
0x2c3: {  	v56 =	vadd.s32 $0x2300, v8;
	v16 =	vadd.s32 v9, v16  }
0x2c4: {  	v57 =	vadd.s32 $0x2300, v6;
	v17 =	vadd.s32 v12, v17  }
0x2c5: {  	v58 =	vadd.s32 $0x2300, v10;
	v14 =	vadd.s32 v13, v14  }
0x2c6: {  	v59 =	vadd.s32 $0x2300, v11  }
0x2c7: {  	[tilespmem:v15+s13+$0x0] =	vst.idx.msk $0xffff, v1  }
0x2c8: {  	[tilespmem:v16+s13+$0x0] =	vst.idx.msk $0xffff, v1;
	v15 =	vld.idx.msk [tilespmem:v56+s11+$0x0], $0xffff  }
0x2c9: {  	[tilespmem:v17+s13+$0x0] =	vst.idx.msk $0xffff, v1;
	v16 =	vld.idx.msk [tilespmem:v57+s11+$0x0], $0xffff  }
0x2ca: {  	[tilespmem:v14+s13+$0x0] =	vst.idx.msk $0xffff, v1;
	v60 =	vld.idx.msk [tilespmem:v58+s11+$0x0], $0xffff  }
0x2cb: {  	v61 =	vld.idx.msk [tilespmem:v59+s11+$0x0], $0xffff;
	_ =	sdelay $0x1  }
0x2cc: {  	v15 =	vadd.s32 v7, v15  }
0x2cd: {  	v8 =	vadd.s32 $0x2380, v8;
	v16 =	vadd.s32 v9, v16  }
0x2ce: {  	v6 =	vadd.s32 $0x2380, v6;
	v14 =	vadd.s32 v12, v60  }
0x2cf: {  	v10 =	vadd.s32 $0x2380, v10;
	v17 =	vadd.s32 v13, v61  }
0x2d0: {  	v11 =	vadd.s32 $0x2380, v11  }
0x2d1: {  	[tilespmem:v15+s13+$0x0] =	vst.idx.msk $0xffff, v1  }
0x2d2: {  	[tilespmem:v16+s13+$0x0] =	vst.idx.msk $0xffff, v1;
	v8 =	vld.idx.msk [tilespmem:v8+s11+$0x0], $0xffff  }
0x2d3: {  	[tilespmem:v14+s13+$0x0] =	vst.idx.msk $0xffff, v1;
	v6 =	vld.idx.msk [tilespmem:v6+s11+$0x0], $0xffff  }
0x2d4: {  	[tilespmem:v17+s13+$0x0] =	vst.idx.msk $0xffff, v1;
	v10 =	vld.idx.msk [tilespmem:v10+s11+$0x0], $0xffff  }
0x2d5: {  	v11 =	vld.idx.msk [tilespmem:v11+s11+$0x0], $0xffff;
	_ =	sdelay $0x1  }
0x2d6: {  	v7 =	vadd.s32 v7, v8  }
0x2d7: {  	v6 =	vadd.s32 v9, v6  }
0x2d8: {  	v62 =	vadd.s32 v12, v10  }
0x2d9: {  	p1 =	por p0, p0;
	v63 =	vadd.s32 v13, v11  }
.Ltmp5:
0x2da: {  	_ = 	snop;
	(pc) =	sbr.rel @p1 .LBB2_11-.Ltmp5, $4  }
0x2db: {  	[tilespmem:v7+s13+$0x0] =	vst.idx.msk $0xffff, v1  }
0x2dc: {  	[tilespmem:v6+s13+$0x0] =	vst.idx.msk $0xffff, v1  }
0x2dd: {  	[tilespmem:v62+s13+$0x0] =	vst.idx.msk $0xffff, v1  }
0x2de: {  	s19 =	simm.s32 $0x4;
	p0 =	por $0x0, $0x0;
	[tilespmem:v63+s13+$0x0] =	vst.idx.msk $0xffff, v1  }
.LBB2_12:
0x2df: {  	s17 =	sor.u32 $0x1, s18  }
0x2e0: {  	s19 =	simm.s32 $0x0;
	p0 =	por $0x1, $0x1;
	s18 =	sshll.u32 s17, $0x7  }
.LBB2_13:
0x2e1: {  	s20 =	sshll.u32 s19, $0x4  }
0x2e2: {  	s20 =	sor.u32 s18, s20  }
0x2e3: {  	s21 =	sor.u32 $0x1, s19;
	v6 =	vmov s20  }
0x2e4: {  	s24 =	sshll.u32 s21, $0x4;
	v7 =	vor.u32 s20, v2;
	v14 =	vshll.u32 v6, $0x3  }
0x2e5: {  	s22 =	sor.u32 $0x2, s19;
	s20 =	sor.u32 s18, s24;
	v16 =	vand.u32 $0x4F, v7;
	v6 =	vand.u32 $0x7FFFFC00, v14  }
0x2e6: {  	s23 =	sor.u32 $0x3, s19;
	s25 =	sshll.u32 s22, $0x4;
	v7 =	vmov s20;
	v6 =	vor.u32 v6, v16  }
0x2e7: {  	s24 =	sshll.u32 s23, $0x4;
	v9 =	vor.u32 s20, v2;
	s20 =	sor.u32 s18, s25;
	v17 =	vshll.u32 v7, $0x3;
	v8 =	vadd.s32 $0x2380, v6  }
0x2e8: {  	s26 =	sor.u32 s18, s24;
	v20 =	vand.u32 $0x7F, v9;
	v47 =	vmov s20;
	v10 =	vor.u32 s20, v2  }
0x2e9: {  	v48 =	vmov s26;
	v12 =	vor.u32 s26, v2;
	v7 =	vand.u32 $0x7FFFFC00, v17  }
0x2ea: {  	v15 =	vshll.u32 v47, $0x3;
	v19 =	vand.u32 $0x7F, v10;
	v7 =	vor.u32 v7, v20  }
0x2eb: {  	v18 =	vshll.u32 v48, $0x3;
	v9 =	vand.u32 $0x7FFFFC00, v15;
	v11 =	vadd.s32 $0x2380, v7  }
0x2ec: {  	v21 =	vand.u32 $0x7F, v12;
	v49 =	vand.u32 $0x7FFFFC00, v18;
	v13 =	vld.idx.msk [tilespmem:v8+s11+$0x0], $0xffff;
	v8 =	vor.u32 v9, v19  }
0x2ed: {  	v9 =	vor.u32 v49, v21;
	v22 =	vadd.s32 $0x2380, v8  }
0x2ee: {  	v50 =	vadd.s32 $0x2380, v9;
	_ =	sdelay $0x1  }
0x2ef: {  	v23 =	vld.idx.msk [tilespmem:v11+s11+$0x0], $0xffff  }
0x2f0: {  	s28 =	sshll.u32 s19, $0xB  }
0x2f1: {  	v10 =	vor.u32 s28, v3;
	v22 =	vld.idx.msk [tilespmem:v22+s11+$0x0], $0xffff  }
0x2f2: {  	s29 =	sshll.u32 s21, $0xB;
	v24 =	vadd.s32 v10, v13;
	v27 =	vld.idx.msk [tilespmem:v50+s11+$0x0], $0xffff  }
0x2f3: {  	v25 =	vadd.s32 $0x2300, v6;
	v11 =	vor.u32 s29, v3  }
0x2f4: {  	s30 =	sshll.u32 s22, $0xB;
	v26 =	vadd.s32 v11, v23  }
0x2f5: {  	s31 =	sshll.u32 s23, $0xB;
	v12 =	vor.u32 s30, v3;
	v28 =	vadd.s32 $0x2300, v7;
	vm4 =	vne.s32 v13, $0x0  }
0x2f6: {  	v13 =	vor.u32 s31, v3;
	v51 =	vnsel vm4, $0x0, v5;
	v52 =	vadd.s32 v12, v22  }
0x2f7: {  	vm5 =	vne.s32 v23, $0x0;
	[tilespmem:v24+s13+$0x0] =	vst.idx.add.f32.msk $0xffff, v51;
	v54 =	vadd.s32 v13, v27  }
0x2f8: {  	v29 =	vadd.s32 $0x2300, v8;
	v53 =	vnsel vm5, $0x0, v5;
	v24 =	vld.idx.msk [tilespmem:v25+s11+$0x0], $0xffff  }
0x2f9: {  	v55 =	vadd.s32 $0x2300, v9;
	[tilespmem:v26+s13+$0x0] =	vst.idx.add.f32.msk $0xffff, v53;
	vm6 =	vne.s32 v22, $0x0  }
0x2fa: {  	vm7 =	vne.s32 v27, $0x0;
	v26 =	vld.idx.msk [tilespmem:v28+s11+$0x0], $0xffff;
	v56 =	vnsel vm6, $0x0, v5  }
0x2fb: {  	v59 =	vnsel vm7, $0x0, v5;
	[tilespmem:v52+s13+$0x0] =	vst.idx.add.f32.msk $0xffff, v56  }
0x2fc: {  	[tilespmem:v54+s13+$0x0] =	vst.idx.add.f32.msk $0xffff, v59  }
0x2fd: {  	v28 =	vld.idx.msk [tilespmem:v29+s11+$0x0], $0xffff  }
0x2fe: {  	v30 =	vadd.s32 v10, v24;
	v22 =	vld.idx.msk [tilespmem:v55+s11+$0x0], $0xffff  }
0x2ff: {  	v58 =	vadd.s32 $0x2280, v6;
	v57 =	vsel vm4, $0x1, v0  }
0x300: {  	v63 =	vadd.s32 $0x2280, v7;
	v31 =	vperm.xlane v4, v57;
	v60 =	vadd.s32 v11, v26  }
0x301: {  	v32 =	vadd.s32 $0x2280, v8;
	v62 =	vsel vm5, $0x1, v0;
	vm4 =	vne.s32 v24, $0x0  }
0x302: {  	v35 =	vperm.xlane v4, v62;
	v61 =	vnsel vm4, $0x0, v31;
	v36 =	vadd.s32 v12, v28  }
0x303: {  	v37 =	vsel vm6, $0x1, v0;
	vm5 =	vne.s32 v26, $0x0;
	[tilespmem:v30+s13+$0x0] =	vst.idx.add.f32.msk $0xffff, v61;
	v39 =	vadd.s32 v13, v22  }
0x304: {  	v40 =	vsel vm7, $0x1, v0;
	v38 =	vperm.xlane v4, v37;
	v25 =	vnsel vm5, $0x0, v35;
	v27 =	vld.idx.msk [tilespmem:v58+s11+$0x0], $0xffff  }
0x305: {  	v33 =	vadd.s32 $0x2280, v9;
	v34 =	vperm.xlane v4, v40;
	[tilespmem:v60+s13+$0x0] =	vst.idx.add.f32.msk $0xffff, v25;
	vm9 =	vne.s32 v28, $0x0  }
0x306: {  	v41 =	vsel vm4, $0x1, v0;
	vm4 =	vne.s32 v22, $0x0;
	v31 =	vld.idx.msk [tilespmem:v63+s11+$0x0], $0xffff;
	v24 =	vnsel vm9, $0x0, v38  }
0x307: {  	v46 =	vnsel vm4, $0x0, v34;
	[tilespmem:v36+s13+$0x0] =	vst.idx.add.f32.msk $0xffff, v24  }
0x308: {  	[tilespmem:v39+s13+$0x0] =	vst.idx.add.f32.msk $0xffff, v46  }
0x309: {  	v45 =	vld.idx.msk [tilespmem:v32+s11+$0x0], $0xffff  }
0x30a: {  	v44 =	vadd.s32 $0x2200, v6;
	v51 =	vadd.s32 $0x2200, v7;
	v42 =	vadd.s32 v10, v27;
	v32 =	vld.idx.msk [tilespmem:v33+s11+$0x0], $0xffff  }
0x30b: {  	v55 =	vadd.s32 $0x2200, v8;
	v43 =	vadd.s32 v57, v41;
	v48 =	vsel vm5, $0x1, v0  }
0x30c: {  	v47 =	vperm.xlane v4, v43;
	v25 =	vadd.s32 v62, v48;
	v49 =	vadd.s32 v11, v31  }
0x30d: {  	v52 =	vperm.xlane v4, v25;
	v53 =	vsel vm9, $0x1, v0;
	vm10 =	vne.s32 v27, $0x0  }
0x30e: {  	v57 =	vsel vm4, $0x1, v0;
	v50 =	vnsel vm10, $0x0, v47;
	v54 =	vadd.s32 v12, v45  }
0x30f: {  	v30 =	vadd.s32 v37, v53;
	vm5 =	vne.s32 v31, $0x0;
	[tilespmem:v42+s13+$0x0] =	vst.idx.add.f32.msk $0xffff, v50;
	v58 =	vadd.s32 v13, v32  }
0x310: {  	v59 =	vadd.s32 v40, v57;
	v56 =	vperm.xlane v4, v30;
	v26 =	vnsel vm5, $0x0, v52;
	v23 =	vld.idx.msk [tilespmem:v44+s11+$0x0], $0xffff  }
0x311: {  	v60 =	vadd.s32 $0x2200, v9;
	v28 =	vperm.xlane v4, v59;
	[tilespmem:v49+s13+$0x0] =	vst.idx.add.f32.msk $0xffff, v26;
	vm4 =	vne.s32 v45, $0x0  }
0x312: {  	vm11 =	vne.s32 v32, $0x0;
	v29 =	vld.idx.msk [tilespmem:v51+s11+$0x0], $0xffff;
	v26 =	vnsel vm4, $0x0, v56  }
0x313: {  	v28 =	vnsel vm11, $0x0, v28;
	[tilespmem:v54+s13+$0x0] =	vst.idx.add.f32.msk $0xffff, v26  }
0x314: {  	[tilespmem:v58+s13+$0x0] =	vst.idx.add.f32.msk $0xffff, v28  }
0x315: {  	v63 =	vadd.s32 $0x2180, v6;
	v31 =	vld.idx.msk [tilespmem:v55+s11+$0x0], $0xffff  }
0x316: {  	v39 =	vadd.s32 $0x2180, v7;
	v61 =	vsel vm10, $0x1, v0;
	v62 =	vadd.s32 v10, v23;
	v27 =	vld.idx.msk [tilespmem:v60+s11+$0x0], $0xffff  }
0x317: {  	v22 =	vadd.s32 v61, v43;
	v37 =	vsel vm5, $0x1, v0;
	v43 =	vadd.s32 $0x2180, v8  }
0x318: {  	v36 =	vperm.xlane v4, v22;
	v41 =	vsel vm4, $0x1, v0;
	v38 =	vadd.s32 v11, v29  }
0x319: {  	v45 =	vsel vm11, $0x1, v0;
	vm12 =	vne.s32 v23, $0x0;
	v23 =	vadd.s32 v37, v25  }
0x31a: {  	v32 =	vnsel vm12, $0x0, v36;
	v40 =	vperm.xlane v4, v23;
	v42 =	vadd.s32 v12, v31  }
0x31b: {  	vm5 =	vne.s32 v29, $0x0;
	v29 =	vadd.s32 v41, v30;
	[tilespmem:v62+s13+$0x0] =	vst.idx.add.f32.msk $0xffff, v32;
	v46 =	vadd.s32 v13, v27  }
0x31c: {  	v24 =	vadd.s32 v45, v59;
	v44 =	vperm.xlane v4, v29;
	v32 =	vnsel vm5, $0x0, v40;
	v26 =	vld.idx.msk [tilespmem:v63+s11+$0x0], $0xffff  }
0x31d: {  	v47 =	vadd.s32 $0x2180, v9;
	[tilespmem:v38+s13+$0x0] =	vst.idx.add.f32.msk $0xffff, v32;
	vm4 =	vne.s32 v31, $0x0;
	v32 =	vperm.xlane v4, v24  }
0x31e: {  	vm13 =	vne.s32 v27, $0x0;
	v25 =	vld.idx.msk [tilespmem:v39+s11+$0x0], $0xffff;
	v28 =	vnsel vm4, $0x0, v44  }
0x31f: {  	v52 =	vnsel vm13, $0x0, v32;
	[tilespmem:v42+s13+$0x0] =	vst.idx.add.f32.msk $0xffff, v28  }
0x320: {  	[tilespmem:v46+s13+$0x0] =	vst.idx.add.f32.msk $0xffff, v52  }
0x321: {  	v50 =	vadd.s32 $0x2100, v6;
	v51 =	vld.idx.msk [tilespmem:v43+s11+$0x0], $0xffff  }
0x322: {  	v56 =	vadd.s32 $0x2100, v7;
	v48 =	vsel vm12, $0x1, v0;
	v49 =	vadd.s32 v10, v26;
	v31 =	vld.idx.msk [tilespmem:v47+s11+$0x0], $0xffff  }
0x323: {  	v60 =	vadd.s32 $0x2100, v8;
	v22 =	vadd.s32 v48, v22;
	v54 =	vsel vm5, $0x1, v0  }
0x324: {  	v53 =	vperm.xlane v4, v22;
	v23 =	vadd.s32 v54, v23;
	v55 =	vadd.s32 v11, v25  }
0x325: {  	v57 =	vperm.xlane v4, v23;
	v58 =	vsel vm4, $0x1, v0;
	vm14 =	vne.s32 v26, $0x0  }
0x326: {  	v62 =	vsel vm13, $0x1, v0;
	v32 =	vnsel vm14, $0x0, v53;
	v59 =	vadd.s32 v12, v51  }
0x327: {  	vm5 =	vne.s32 v25, $0x0;
	v25 =	vadd.s32 v58, v29;
	[tilespmem:v49+s13+$0x0] =	vst.idx.add.f32.msk $0xffff, v32;
	v63 =	vadd.s32 v13, v31  }
0x328: {  	v24 =	vadd.s32 v62, v24;
	v61 =	vperm.xlane v4, v25;
	v32 =	vnsel vm5, $0x0, v57;
	v27 =	vld.idx.msk [tilespmem:v50+s11+$0x0], $0xffff  }
0x329: {  	v36 =	vadd.s32 $0x2100, v9;
	[tilespmem:v55+s13+$0x0] =	vst.idx.add.f32.msk $0xffff, v32;
	vm4 =	vne.s32 v51, $0x0;
	v32 =	vperm.xlane v4, v24  }
0x32a: {  	vm15 =	vne.s32 v31, $0x0;
	v26 =	vld.idx.msk [tilespmem:v56+s11+$0x0], $0xffff;
	v30 =	vnsel vm4, $0x0, v61  }
0x32b: {  	v31 =	vnsel vm15, $0x0, v32;
	[tilespmem:v59+s13+$0x0] =	vst.idx.add.f32.msk $0xffff, v30  }
0x32c: {  	[tilespmem:v63+s13+$0x0] =	vst.idx.add.f32.msk $0xffff, v31  }
0x32d: {  	v39 =	vadd.s32 $0x2080, v6;
	v29 =	vld.idx.msk [tilespmem:v60+s11+$0x0], $0xffff  }
0x32e: {  	v37 =	vsel vm14, $0x1, v0;
	v43 =	vadd.s32 $0x2080, v7;
	v38 =	vadd.s32 v10, v27;
	v28 =	vld.idx.msk [tilespmem:v36+s11+$0x0], $0xffff  }
0x32f: {  	v47 =	vadd.s32 $0x2080, v8;
	v22 =	vadd.s32 v37, v22;
	v41 =	vsel vm5, $0x1, v0  }
0x330: {  	v40 =	vperm.xlane v4, v22;
	v23 =	vadd.s32 v41, v23;
	v42 =	vadd.s32 v11, v26  }
0x331: {  	v44 =	vperm.xlane v4, v23;
	v45 =	vsel vm4, $0x1, v0;
	vm9 =	vne.s32 v27, $0x0  }
0x332: {  	v49 =	vsel vm15, $0x1, v0;
	v32 =	vnsel vm9, $0x0, v40;
	v46 =	vadd.s32 v12, v29  }
0x333: {  	v25 =	vadd.s32 v45, v25;
	vm5 =	vne.s32 v26, $0x0;
	[tilespmem:v38+s13+$0x0] =	vst.idx.add.f32.msk $0xffff, v32;
	v50 =	vadd.s32 v13, v28  }
0x334: {  	v24 =	vadd.s32 v49, v24;
	v48 =	vperm.xlane v4, v25;
	v32 =	vnsel vm5, $0x0, v44;
	v30 =	vld.idx.msk [tilespmem:v39+s11+$0x0], $0xffff  }
0x335: {  	v51 =	vadd.s32 $0x2080, v9;
	[tilespmem:v42+s13+$0x0] =	vst.idx.add.f32.msk $0xffff, v32;
	vm4 =	vne.s32 v29, $0x0;
	v32 =	vperm.xlane v4, v24  }
0x336: {  	vm10 =	vne.s32 v28, $0x0;
	v27 =	vld.idx.msk [tilespmem:v43+s11+$0x0], $0xffff;
	v31 =	vnsel vm4, $0x0, v48  }
0x337: {  	v55 =	vnsel vm10, $0x0, v32;
	[tilespmem:v46+s13+$0x0] =	vst.idx.add.f32.msk $0xffff, v31  }
0x338: {  	[tilespmem:v50+s13+$0x0] =	vst.idx.add.f32.msk $0xffff, v55  }
0x339: {  	v54 =	vadd.s32 $0x2000, v6;
	v26 =	vld.idx.msk [tilespmem:v47+s11+$0x0], $0xffff  }
0x33a: {  	v59 =	vadd.s32 $0x2000, v7;
	v52 =	vsel vm9, $0x1, v0;
	v53 =	vadd.s32 v10, v30;
	v29 =	vld.idx.msk [tilespmem:v51+s11+$0x0], $0xffff  }
0x33b: {  	v63 =	vadd.s32 $0x2000, v8;
	v22 =	vadd.s32 v52, v22;
	v57 =	vsel vm5, $0x1, v0  }
0x33c: {  	v56 =	vperm.xlane v4, v22;
	v23 =	vadd.s32 v57, v23;
	v58 =	vadd.s32 v11, v27  }
0x33d: {  	v60 =	vperm.xlane v4, v23;
	v61 =	vsel vm4, $0x1, v0;
	vm11 =	vne.s32 v30, $0x0  }
0x33e: {  	v37 =	vsel vm10, $0x1, v0;
	v32 =	vnsel vm11, $0x0, v56;
	v62 =	vadd.s32 v12, v26  }
0x33f: {  	v25 =	vadd.s32 v61, v25;
	vm5 =	vne.s32 v27, $0x0;
	[tilespmem:v53+s13+$0x0] =	vst.idx.add.f32.msk $0xffff, v32;
	v38 =	vadd.s32 v13, v29  }
0x340: {  	v24 =	vadd.s32 v37, v24;
	v36 =	vperm.xlane v4, v25;
	v32 =	vnsel vm5, $0x0, v60;
	v28 =	vld.idx.msk [tilespmem:v54+s11+$0x0], $0xffff  }
0x341: {  	v39 =	vadd.s32 $0x2000, v9;
	[tilespmem:v58+s13+$0x0] =	vst.idx.add.f32.msk $0xffff, v32;
	vm12 =	vne.s32 v26, $0x0;
	v32 =	vperm.xlane v4, v24  }
0x342: {  	vm13 =	vne.s32 v29, $0x0;
	v30 =	vld.idx.msk [tilespmem:v59+s11+$0x0], $0xffff;
	v31 =	vnsel vm12, $0x0, v36  }
0x343: {  	v43 =	vnsel vm13, $0x0, v32;
	[tilespmem:v62+s13+$0x0] =	vst.idx.add.f32.msk $0xffff, v31  }
0x344: {  	v14 =	vor.u32 v16, v14;
	v17 =	vor.u32 v20, v17;
	[tilespmem:v38+s13+$0x0] =	vst.idx.add.f32.msk $0xffff, v43  }
0x345: {  	v14 =	vor.u32 $0x380, v14;
	v17 =	vor.u32 $0x380, v17;
	v15 =	vor.u32 v19, v15;
	v42 =	vld.idx.msk [tilespmem:v63+s11+$0x0], $0xffff  }
0x346: {  	v18 =	vor.u32 v21, v18;
	v40 =	vsel vm11, $0x1, v0;
	v41 =	vadd.s32 v10, v28;
	v26 =	vld.idx.msk [tilespmem:v39+s11+$0x0], $0xffff  }
0x347: {  	v15 =	vor.u32 $0x380, v15;
	v22 =	vadd.s32 v40, v22;
	v45 =	vsel vm5, $0x1, v0  }
0x348: {  	v44 =	vperm.xlane v4, v22;
	v23 =	vadd.s32 v45, v23;
	v46 =	vadd.s32 v11, v30  }
0x349: {  	v47 =	vperm.xlane v4, v23;
	v48 =	vsel vm12, $0x1, v0;
	vm4 =	vne.s32 v28, $0x0  }
0x34a: {  	v52 =	vsel vm13, $0x1, v0;
	v27 =	vnsel vm4, $0x0, v44;
	v49 =	vadd.s32 v12, v42  }
0x34b: {  	v25 =	vadd.s32 v48, v25;
	vm5 =	vne.s32 v30, $0x0;
	[tilespmem:v41+s13+$0x0] =	vst.idx.add.f32.msk $0xffff, v27;
	v53 =	vadd.s32 v13, v26  }
0x34c: {  	v54 =	vadd.s32 v52, v24;
	v51 =	vperm.xlane v4, v25;
	v50 =	vnsel vm5, $0x0, v47;
	v14 =	vld.idx.msk [tilespmem:v14+s11+$0x0], $0xffff  }
0x34d: {  	v18 =	vor.u32 $0x380, v18;
	v56 =	vperm.xlane v4, v54;
	[tilespmem:v46+s13+$0x0] =	vst.idx.add.f32.msk $0xffff, v50;
	vm14 =	vne.s32 v42, $0x0  }
0x34e: {  	vm15 =	vne.s32 v26, $0x0;
	v17 =	vld.idx.msk [tilespmem:v17+s11+$0x0], $0xffff;
	v55 =	vnsel vm14, $0x0, v51  }
0x34f: {  	v21 =	vnsel vm15, $0x0, v56;
	[tilespmem:v49+s13+$0x0] =	vst.idx.add.f32.msk $0xffff, v55  }
0x350: {  	[tilespmem:v53+s13+$0x0] =	vst.idx.add.f32.msk $0xffff, v21  }
0x351: {  	v59 =	vor.u32 $0x300, v6;
	v15 =	vld.idx.msk [tilespmem:v15+s11+$0x0], $0xffff  }
0x352: {  	v28 =	vor.u32 $0x300, v7;
	v57 =	vsel vm4, $0x1, v0;
	v58 =	vadd.s32 v10, v14;
	v18 =	vld.idx.msk [tilespmem:v18+s11+$0x0], $0xffff  }
0x353: {  	v31 =	vor.u32 $0x300, v8;
	v19 =	vadd.s32 v57, v22;
	v61 =	vsel vm5, $0x1, v0  }
0x354: {  	v60 =	vperm.xlane v4, v19;
	v63 =	vadd.s32 v61, v23;
	v62 =	vadd.s32 v11, v17  }
0x355: {  	v23 =	vperm.xlane v4, v63;
	v29 =	vsel vm14, $0x1, v0;
	vm4 =	vne.s32 v14, $0x0  }
0x356: {  	v33 =	vsel vm15, $0x1, v0;
	v20 =	vnsel vm4, $0x0, v60;
	v30 =	vadd.s32 v12, v15  }
0x357: {  	vm5 =	vne.s32 v17, $0x0;
	v17 =	vadd.s32 v29, v25;
	[tilespmem:v58+s13+$0x0] =	vst.idx.add.f32.msk $0xffff, v20;
	v34 =	vadd.s32 v13, v18  }
0x358: {  	v35 =	vadd.s32 v33, v54;
	v23 =	vnsel vm5, $0x0, v23;
	v32 =	vperm.xlane v4, v17;
	v22 =	vld.idx.msk [tilespmem:v59+s11+$0x0], $0xffff  }
0x359: {  	v36 =	vor.u32 $0x300, v9;
	v25 =	vperm.xlane v4, v35;
	[tilespmem:v62+s13+$0x0] =	vst.idx.add.f32.msk $0xffff, v23;
	vm9 =	vne.s32 v15, $0x0  }
0x35a: {  	vm10 =	vne.s32 v18, $0x0;
	v21 =	vld.idx.msk [tilespmem:v28+s11+$0x0], $0xffff;
	v23 =	vnsel vm9, $0x0, v32  }
0x35b: {  	v39 =	vnsel vm10, $0x0, v25;
	[tilespmem:v30+s13+$0x0] =	vst.idx.add.f32.msk $0xffff, v23  }
0x35c: {  	[tilespmem:v34+s13+$0x0] =	vst.idx.add.f32.msk $0xffff, v39  }
0x35d: {  	v40 =	vor.u32 $0x280, v6;
	v23 =	vld.idx.msk [tilespmem:v31+s11+$0x0], $0xffff  }
0x35e: {  	v48 =	vor.u32 $0x280, v8;
	v37 =	vsel vm4, $0x1, v0;
	v38 =	vadd.s32 v10, v22;
	v16 =	vld.idx.msk [tilespmem:v36+s11+$0x0], $0xffff  }
0x35f: {  	v44 =	vor.u32 $0x280, v7;
	v42 =	vsel vm5, $0x1, v0;
	v18 =	vadd.s32 v37, v19  }
0x360: {  	v14 =	vadd.s32 v42, v63;
	v41 =	vperm.xlane v4, v18;
	v43 =	vadd.s32 v11, v21  }
0x361: {  	v25 =	vperm.xlane v4, v14;
	v45 =	vsel vm9, $0x1, v0;
	vm4 =	vne.s32 v22, $0x0  }
0x362: {  	v50 =	vsel vm10, $0x1, v0;
	v24 =	vnsel vm4, $0x0, v41;
	v46 =	vadd.s32 v12, v23  }
0x363: {  	v17 =	vadd.s32 v45, v17;
	vm5 =	vne.s32 v21, $0x0;
	[tilespmem:v38+s13+$0x0] =	vst.idx.add.f32.msk $0xffff, v24;
	v51 =	vadd.s32 v13, v16  }
0x364: {  	v15 =	vadd.s32 v50, v35;
	v49 =	vperm.xlane v4, v17;
	v47 =	vnsel vm5, $0x0, v25;
	v19 =	vld.idx.msk [tilespmem:v40+s11+$0x0], $0xffff  }
0x365: {  	v52 =	vor.u32 $0x280, v9;
	v25 =	vperm.xlane v4, v15;
	[tilespmem:v43+s13+$0x0] =	vst.idx.add.f32.msk $0xffff, v47;
	vm11 =	vne.s32 v23, $0x0  }
0x366: {  	vm12 =	vne.s32 v16, $0x0;
	v22 =	vld.idx.msk [tilespmem:v44+s11+$0x0], $0xffff;
	v24 =	vnsel vm11, $0x0, v49  }
0x367: {  	v55 =	vnsel vm12, $0x0, v25;
	[tilespmem:v46+s13+$0x0] =	vst.idx.add.f32.msk $0xffff, v24  }
0x368: {  	[tilespmem:v51+s13+$0x0] =	vst.idx.add.f32.msk $0xffff, v55  }
0x369: {  	v56 =	vor.u32 $0x200, v6;
	v20 =	vld.idx.msk [tilespmem:v48+s11+$0x0], $0xffff  }
0x36a: {  	v60 =	vor.u32 $0x200, v7;
	v53 =	vsel vm4, $0x1, v0;
	v54 =	vadd.s32 v10, v19;
	v23 =	vld.idx.msk [tilespmem:v52+s11+$0x0], $0xffff  }
0x36b: {  	v28 =	vor.u32 $0x200, v8;
	v58 =	vsel vm5, $0x1, v0;
	v16 =	vadd.s32 v53, v18  }
0x36c: {  	v14 =	vadd.s32 v58, v14;
	v57 =	vperm.xlane v4, v16;
	v59 =	vadd.s32 v11, v22  }
0x36d: {  	v25 =	vperm.xlane v4, v14;
	v61 =	vsel vm11, $0x1, v0;
	vm4 =	vne.s32 v19, $0x0  }
0x36e: {  	v30 =	vsel vm12, $0x1, v0;
	v24 =	vnsel vm4, $0x0, v57;
	v62 =	vadd.s32 v12, v20  }
0x36f: {  	v17 =	vadd.s32 v61, v17;
	vm5 =	vne.s32 v22, $0x0;
	[tilespmem:v54+s13+$0x0] =	vst.idx.add.f32.msk $0xffff, v24;
	v31 =	vadd.s32 v13, v23  }
0x370: {  	v15 =	vadd.s32 v30, v15;
	v29 =	vperm.xlane v4, v17;
	v63 =	vnsel vm5, $0x0, v25;
	v18 =	vld.idx.msk [tilespmem:v56+s11+$0x0], $0xffff  }
0x371: {  	v32 =	vor.u32 $0x200, v9;
	v25 =	vperm.xlane v4, v15;
	[tilespmem:v59+s13+$0x0] =	vst.idx.add.f32.msk $0xffff, v63;
	vm13 =	vne.s32 v20, $0x0  }
0x372: {  	vm14 =	vne.s32 v23, $0x0;
	v19 =	vld.idx.msk [tilespmem:v60+s11+$0x0], $0xffff;
	v24 =	vnsel vm13, $0x0, v29  }
0x373: {  	v35 =	vnsel vm14, $0x0, v25;
	[tilespmem:v62+s13+$0x0] =	vst.idx.add.f32.msk $0xffff, v24  }
0x374: {  	[tilespmem:v31+s13+$0x0] =	vst.idx.add.f32.msk $0xffff, v35  }
0x375: {  	v36 =	vor.u32 $0x180, v6;
	v21 =	vld.idx.msk [tilespmem:v28+s11+$0x0], $0xffff  }
0x376: {  	v40 =	vor.u32 $0x180, v7;
	v33 =	vsel vm4, $0x1, v0;
	v34 =	vadd.s32 v10, v18;
	v20 =	vld.idx.msk [tilespmem:v32+s11+$0x0], $0xffff  }
0x377: {  	v44 =	vor.u32 $0x180, v8;
	v16 =	vadd.s32 v33, v16;
	v38 =	vsel vm5, $0x1, v0  }
0x378: {  	v37 =	vperm.xlane v4, v16;
	v14 =	vadd.s32 v38, v14;
	v39 =	vadd.s32 v11, v19  }
0x379: {  	v25 =	vperm.xlane v4, v14;
	v41 =	vsel vm13, $0x1, v0;
	vm4 =	vne.s32 v18, $0x0  }
0x37a: {  	v46 =	vsel vm14, $0x1, v0;
	v24 =	vnsel vm4, $0x0, v37;
	v42 =	vadd.s32 v12, v21  }
0x37b: {  	v17 =	vadd.s32 v41, v17;
	vm5 =	vne.s32 v19, $0x0;
	[tilespmem:v34+s13+$0x0] =	vst.idx.add.f32.msk $0xffff, v24;
	v47 =	vadd.s32 v13, v20  }
0x37c: {  	v15 =	vadd.s32 v46, v15;
	v45 =	vperm.xlane v4, v17;
	v43 =	vnsel vm5, $0x0, v25;
	v22 =	vld.idx.msk [tilespmem:v36+s11+$0x0], $0xffff  }
0x37d: {  	v48 =	vor.u32 $0x180, v9;
	v25 =	vperm.xlane v4, v15;
	[tilespmem:v39+s13+$0x0] =	vst.idx.add.f32.msk $0xffff, v43;
	vm15 =	vne.s32 v21, $0x0  }
0x37e: {  	vm9 =	vne.s32 v20, $0x0;
	v18 =	vld.idx.msk [tilespmem:v40+s11+$0x0], $0xffff;
	v24 =	vnsel vm15, $0x0, v45  }
0x37f: {  	v51 =	vnsel vm9, $0x0, v25;
	[tilespmem:v42+s13+$0x0] =	vst.idx.add.f32.msk $0xffff, v24  }
0x380: {  	[tilespmem:v47+s13+$0x0] =	vst.idx.add.f32.msk $0xffff, v51  }
0x381: {  	v52 =	vor.u32 $0x100, v6;
	v19 =	vld.idx.msk [tilespmem:v44+s11+$0x0], $0xffff  }
0x382: {  	v56 =	vor.u32 $0x100, v7;
	v49 =	vsel vm4, $0x1, v0;
	v50 =	vadd.s32 v10, v22;
	v21 =	vld.idx.msk [tilespmem:v48+s11+$0x0], $0xffff  }
0x383: {  	v60 =	vor.u32 $0x100, v8;
	v16 =	vadd.s32 v49, v16;
	v54 =	vsel vm5, $0x1, v0  }
0x384: {  	v53 =	vperm.xlane v4, v16;
	v14 =	vadd.s32 v54, v14;
	v55 =	vadd.s32 v11, v18  }
0x385: {  	v25 =	vperm.xlane v4, v14;
	v57 =	vsel vm15, $0x1, v0;
	vm4 =	vne.s32 v22, $0x0  }
0x386: {  	v62 =	vsel vm9, $0x1, v0;
	v24 =	vnsel vm4, $0x0, v53;
	v58 =	vadd.s32 v12, v19  }
0x387: {  	v17 =	vadd.s32 v57, v17;
	vm5 =	vne.s32 v18, $0x0;
	[tilespmem:v50+s13+$0x0] =	vst.idx.add.f32.msk $0xffff, v24;
	v63 =	vadd.s32 v13, v21  }
0x388: {  	v15 =	vadd.s32 v62, v15;
	v61 =	vperm.xlane v4, v17;
	v59 =	vnsel vm5, $0x0, v25;
	v20 =	vld.idx.msk [tilespmem:v52+s11+$0x0], $0xffff  }
0x389: {  	v28 =	vor.u32 $0x100, v9;
	v25 =	vperm.xlane v4, v15;
	[tilespmem:v55+s13+$0x0] =	vst.idx.add.f32.msk $0xffff, v59;
	vm10 =	vne.s32 v19, $0x0  }
0x38a: {  	vm11 =	vne.s32 v21, $0x0;
	v22 =	vld.idx.msk [tilespmem:v56+s11+$0x0], $0xffff;
	v24 =	vnsel vm10, $0x0, v61  }
0x38b: {  	v30 =	vnsel vm11, $0x0, v25;
	[tilespmem:v58+s13+$0x0] =	vst.idx.add.f32.msk $0xffff, v24  }
0x38c: {  	[tilespmem:v63+s13+$0x0] =	vst.idx.add.f32.msk $0xffff, v30  }
0x38d: {  	v35 =	vor.u32 $0x80, v6;
	v18 =	vld.idx.msk [tilespmem:v60+s11+$0x0], $0xffff  }
0x38e: {  	v36 =	vor.u32 $0x80, v7;
	v29 =	vsel vm4, $0x1, v0;
	v31 =	vadd.s32 v10, v20;
	v19 =	vld.idx.msk [tilespmem:v28+s11+$0x0], $0xffff  }
0x38f: {  	v16 =	vadd.s32 v29, v16;
	v33 =	vsel vm5, $0x1, v0;
	v34 =	vadd.s32 v11, v22  }
0x390: {  	v32 =	vperm.xlane v4, v16;
	v14 =	vadd.s32 v33, v14;
	v37 =	vsel vm10, $0x1, v0  }
0x391: {  	v42 =	vsel vm11, $0x1, v0;
	vm4 =	vne.s32 v20, $0x0;
	v24 =	vperm.xlane v4, v14  }
0x392: {  	v23 =	vnsel vm4, $0x0, v32;
	vm5 =	vne.s32 v22, $0x0;
	v38 =	vadd.s32 v12, v18  }
0x393: {  	v17 =	vadd.s32 v37, v17;
	v39 =	vnsel vm5, $0x0, v24;
	[tilespmem:v31+s13+$0x0] =	vst.idx.add.f32.msk $0xffff, v23;
	v43 =	vadd.s32 v13, v19  }
0x394: {  	v40 =	vor.u32 $0x80, v8;
	v15 =	vadd.s32 v42, v15;
	v41 =	vperm.xlane v4, v17;
	[tilespmem:v34+s13+$0x0] =	vst.idx.add.f32.msk $0xffff, v39  }
0x395: {  	v44 =	vor.u32 $0x80, v9;
	v46 =	vperm.xlane v4, v15;
	v20 =	vld.idx.msk [tilespmem:v35+s11+$0x0], $0xffff;
	vm12 =	vne.s32 v18, $0x0  }
0x396: {  	vm13 =	vne.s32 v19, $0x0;
	v45 =	vld.idx.msk [tilespmem:v36+s11+$0x0], $0xffff;
	v21 =	vnsel vm12, $0x0, v41  }
0x397: {  	v48 =	vnsel vm13, $0x0, v46;
	[tilespmem:v38+s13+$0x0] =	vst.idx.add.f32.msk $0xffff, v21  }
0x398: {  	[tilespmem:v43+s13+$0x0] =	vst.idx.add.f32.msk $0xffff, v48  }
0x399: {  	v21 =	vld.idx.msk [tilespmem:v40+s11+$0x0], $0xffff  }
0x39a: {  	v47 =	vsel vm4, $0x1, v0;
	vm4 =	vne.s32 v20, $0x0;
	v20 =	vadd.s32 v10, v20;
	v18 =	vld.idx.msk [tilespmem:v44+s11+$0x0], $0xffff  }
0x39b: {  	v16 =	vadd.s32 v47, v16;
	v49 =	vsel vm5, $0x1, v0;
	v50 =	vadd.s32 v11, v45  }
0x39c: {  	v14 =	vadd.s32 v49, v14;
	v19 =	vperm.xlane v4, v16  }
0x39d: {  	v53 =	vperm.xlane v4, v14;
	v51 =	vsel vm12, $0x1, v0;
	v54 =	vsel vm13, $0x1, v0  }
0x39e: {  	v19 =	vnsel vm4, $0x0, v19;
	vm5 =	vne.s32 v45, $0x0;
	v52 =	vadd.s32 v12, v21  }
0x39f: {  	v17 =	vadd.s32 v51, v17;
	v56 =	vnsel vm5, $0x0, v53;
	[tilespmem:v20+s13+$0x0] =	vst.idx.add.f32.msk $0xffff, v19;
	v55 =	vadd.s32 v13, v18  }
0x3a0: {  	v15 =	vadd.s32 v54, v15;
	v22 =	vperm.xlane v4, v17;
	[tilespmem:v50+s13+$0x0] =	vst.idx.add.f32.msk $0xffff, v56  }
0x3a1: {  	v58 =	vperm.xlane v4, v15;
	vm14 =	vne.s32 v21, $0x0;
	v6 =	vld.idx.msk [tilespmem:v6+s11+$0x0], $0xffff  }
0x3a2: {  	vm15 =	vne.s32 v18, $0x0;
	v57 =	vnsel vm14, $0x0, v22;
	v7 =	vld.idx.msk [tilespmem:v7+s11+$0x0], $0xffff  }
0x3a3: {  	v18 =	vnsel vm15, $0x0, v58;
	[tilespmem:v52+s13+$0x0] =	vst.idx.add.f32.msk $0xffff, v57  }
0x3a4: {  	[tilespmem:v55+s13+$0x0] =	vst.idx.add.f32.msk $0xffff, v18  }
0x3a5: {  	v8 =	vld.idx.msk [tilespmem:v8+s11+$0x0], $0xffff  }
0x3a6: {  	v59 =	vsel vm4, $0x1, v0;
	v9 =	vld.idx.msk [tilespmem:v9+s11+$0x0], $0xffff  }
0x3a7: {  	v16 =	vadd.s32 v59, v16;
	v60 =	vsel vm5, $0x1, v0  }
0x3a8: {  	v16 =	vperm.xlane v4, v16;
	vm4 =	veq.s32 v6, $0x0;
	v6 =	vadd.s32 v10, v6  }
0x3a9: {  	v61 =	vsel vm14, $0x1, v0;
	v63 =	vsel vm15, $0x1, v0;
	v11 =	vadd.s32 v11, v7  }
0x3aa: {  	v62 =	vadd.s32 v61, v17;
	v10 =	vadd.s32 v60, v14;
	v12 =	vadd.s32 v12, v8  }
0x3ab: {  	p1 =	por p0, p0;
	v14 =	vperm.xlane v4, v62;
	v10 =	vperm.xlane v4, v10;
	v13 =	vadd.s32 v13, v9  }
.Ltmp6:
0x3ac: {  	v16 =	vsel vm4, $0x0, v16;
	vm4 =	veq.s32 v7, $0x0;
	v7 =	vadd.s32 v63, v15;
	(pc) =	sbr.rel @p1 .LBB2_13-.Ltmp6, $4  }
0x3ad: {  	v7 =	vperm.xlane v4, v7;
	[tilespmem:v6+s13+$0x0] =	vst.idx.add.f32.msk $0xffff, v16;
	v6 =	vsel vm4, $0x0, v10;
	vm4 =	veq.s32 v8, $0x0  }
0x3ae: {  	[tilespmem:v11+s13+$0x0] =	vst.idx.add.f32.msk $0xffff, v6;
	v6 =	vsel vm4, $0x0, v14;
	vm4 =	veq.s32 v9, $0x0  }
0x3af: {  	[tilespmem:v12+s13+$0x0] =	vst.idx.add.f32.msk $0xffff, v6;
	v6 =	vsel vm4, $0x0, v7  }
0x3b0: {  	s19 =	simm.s32 $0x4;
	p0 =	por $0x0, $0x0;
	[tilespmem:v13+s13+$0x0] =	vst.idx.add.f32.msk $0xffff, v6  }
0x3b1: {  	s16 =	sadd.s32 $0x1, s16  }
0x3b2: {  	p0 =	sne.s32 s16, $0x4  }
.Ltmp7:
0x3b3: {  	_ = 	snop;
	(pc) =	sbr.rel @p0 .LBB2_4-.Ltmp7, $4  }
0x3b4: {  	_ = 	snop  }
0x3b5: {  	s17 =	sshll.u32 s17, $0xB  }
0x3b6: {  	s17 =	sadd.s32 s17, s6  }
0x3b7: {  	[hbm4b:s17+s3] =	stream.linear.scatter [tilespmem:s13], [sflag:$0x2], $0x4000, $0x38;
	[tilespmem:$0xC080] =	vst v63  }
0x3b8: {  	s15 =	sadd.s32 $0x1, s15  }
0x3b9: {  	_ =	swait.ge [sflag:s4], $0x4000;
	p0 =	sne.s32 s15, s7  }
.Ltmp8:
0x3ba: {  	[sflag:s4] =	ssyncset.done $0x0;
	(pc) =	sbr.rel @p0 .LBB2_1-.Ltmp8, $4  }
0x3bb: {  	[sflag:s4] =	ssyncadd.s32 $0xFFFFC000  }
0x3bc: {  	_ =	swait.ge [sflag:s14], $0x4000  }
0x3bd: {  	[sflag:s14] =	ssyncset.done $0x0  }
0x3be: {  	[sflag:s14] =	ssyncadd.s32 $0xFFFFC000  }
0x3bf: {  	_ =	sfence.sel $0x180000  }
0x3c0: {  	[bflag:$0x0] =	sbarrier.arrive $0xFFFF  }
0x3c1: {  	p0 =	sne.s32 s0, $0x0;
	_ =	strace $0x90000047  }
0x3c2: {  	s0 =	sadd.s32 @!p0 $0x100000, s2;
	[bflag:$0x2] =	sbarrier.arrive $0xFFFF  }
0x3c3: {  	[sflag:s0] =	ssyncadd.tile.s32 @!p0 $0x1;
	_ =	shalt  }
.Lfunc_end2:
_tile_overlayer_lowered:
.L_overlay_start_2:
0x3c4: {  	(tag) =	ssettag $0x2  }
0x3c5: {  	s0 =	rddreg [dreg:$0x0];
	s2 =	stileid.u32  }
0x3c6: {  	s1 =	rddreg [dreg:$0x1];
	p0 =	sne.s32 s2, $0x0  }
0x3c7: {  	s3 =	rddreg [dreg:$0x2];
	[bflag:$0x3] =	sbarrier.arrive $0xFFFF;
	s2 =	simm.s32 @!p0 $0x1C03  }
0x3c8: {  	[timem:s3], [sflag:s2] =	dma.local @!p0 [hbm:s0], s1  }
0x3c9: {  	s0 =	simm.s32 @!p0 $0x3  }
0x3ca: {  	_ =	swait.ge @!p0 [sflag:s0], s1  }
0x3cb: {  	s1 =	ssub.s32 @!p0 $0x0, s1;
	[sflag:s0] =	ssyncset.done @!p0 $0x0  }
0x3cc: {  	[sflag:s0] =	ssyncadd.s32 @!p0 s1  }
0x3cd: {  	[bflag:$0x3] =	sbarrier.arrive $0xFFFF  }
0x3ce: {  	_ =	shalt  }

</sc_bundles>
